<compile_context>
chip_gen: v7x
topology: tpu7x:2x2x1
jax: 0.10.2.dev20260603
libtpu: 0.0.44.dev20260713+nightly
codegen_flags: <defaults>
</compile_context>

<pallas_src>
import functools

import jax
import jax.numpy as jnp
from jax import lax
from jax.experimental import pallas as pl
from jax.experimental.pallas import tpu as pltpu
from jax.experimental.pallas import tpu_sc as plsc

N = 10000
D = 128
NC = 2
NS = 16
NW = NC * NS
L = 16
K = 128
CH = 80
NPAIR = CH // 2
EPW = CH * K
EP = EPW * NW
TOTCH = NW * CH
ZR = 640
R16 = ZR * NS
NQUAD = NPAIR // 2
BR = 1000
GRID = N // BR

_mesh = plsc.VectorSubcoreMesh(
    core_axis_name="c", subcore_axis_name="s", num_cores=NC, num_subcores=NS
)


@functools.partial(
    pl.kernel,
    out_type=jax.ShapeDtypeStruct((NC, R16, D), jnp.float32),
    mesh=_mesh,
    scratch_types=[
        pltpu.VMEM((2, K), jnp.int32),
        pltpu.VMEM((2, K), jnp.int32),
        pltpu.VMEM((K, D), jnp.float32),
        pltpu.VMEM_SHARED((R16, D), jnp.float32),
        pltpu.SemaphoreType.DMA,
        pltpu.SemaphoreType.DMA,
    ],
)
def _deg_kernel(rc_hbm, deg_hbm, idx0, idx1, msg_v, deg_sh, sem0, sem1):
    cid = lax.axis_index("c")
    sid = lax.axis_index("s")
    wid = sid * NC + cid
    cb = wid * CH

    def fill(val):
        def body(i, carry):
            for j in range(D // L):
                msg_v[i, pl.ds(j * L, L)] = jnp.full((L,), val, jnp.float32)
            return carry

        lax.fori_loop(0, K, body, 0)

    fill(0.0)
    for t in range(ZR // K):
        pltpu.sync_copy(msg_v, deg_sh.at[pl.ds(sid * ZR + t * K, K)])
    fill(1.0)
    plsc.subcore_barrier()

    pltpu.sync_copy(rc_hbm.at[cb], idx0)

    def body(i, carry):
        c0 = cb + 2 * i
        pltpu.async_copy(rc_hbm.at[c0 + 1], idx1, sem1)
        pltpu.sync_copy(msg_v, deg_sh.at[idx0.at[1]], add=True)

        @pl.when(i < NPAIR - 1)
        def _():
            pltpu.async_copy(rc_hbm.at[c0 + 2], idx0, sem0)

        pltpu.make_async_copy(rc_hbm.at[c0 + 1], idx1, sem1).wait()
        pltpu.sync_copy(msg_v, deg_sh.at[idx1.at[1]], add=True)

        @pl.when(i < NPAIR - 1)
        def _():
            pltpu.make_async_copy(rc_hbm.at[c0 + 2], idx0, sem0).wait()

        return carry

    lax.fori_loop(0, NPAIR, body, 0)
    plsc.subcore_barrier()

    pltpu.sync_copy(
        deg_sh.at[pl.ds(sid * ZR, ZR)], deg_hbm.at[cid].at[pl.ds(sid * ZR, ZR)]
    )


@functools.partial(
    pl.kernel,
    out_type=jax.ShapeDtypeStruct((NC, R16, D), jnp.float32),
    mesh=_mesh,
    scratch_types=[
        pltpu.VMEM((2, 2, K), jnp.int32),
        pltpu.VMEM((2, 2, K), jnp.int32),
        pltpu.VMEM((K, D), jnp.float32),
        pltpu.VMEM((K, D), jnp.float32),
        pltpu.VMEM_SHARED((R16, D), jnp.float32),
        pltpu.SemaphoreType.DMA,
        pltpu.SemaphoreType.DMA,
        pltpu.SemaphoreType.DMA,
        pltpu.SemaphoreType.DMA,
    ],
)
def _scatter_kernel(
    y_hbm, rcp_hbm, acc_hbm, pA, pB, msg0, msg1, acc_sh, sem0, sem1, semA, semB
):
    cid = lax.axis_index("c")
    sid = lax.axis_index("s")
    wid = sid * NC + cid
    pb = wid * NPAIR

    def fill_zeros(i, carry):
        for j in range(D // L):
            msg0[i, pl.ds(j * L, L)] = jnp.zeros((L,), jnp.float32)
        return carry

    lax.fori_loop(0, K, fill_zeros, 0)
    for t in range(ZR // K):
        pltpu.sync_copy(msg0, acc_sh.at[pl.ds(sid * ZR + t * K, K)])
    plsc.subcore_barrier()

    pltpu.sync_copy(rcp_hbm.at[pb], pA)
    pltpu.async_copy(y_hbm.at[pA.at[0, 0]], msg0, sem0)
    pltpu.async_copy(rcp_hbm.at[pb + 1], pB, semB)

    def quad(q, carry):
        pltpu.async_copy(y_hbm.at[pA.at[1, 0]], msg1, sem1)
        pltpu.make_async_copy(y_hbm.at[pA.at[0, 0]], msg0, sem0).wait()
        pltpu.sync_copy(msg0, acc_sh.at[pA.at[0, 1]], add=True)
        pltpu.make_async_copy(rcp_hbm.at[pb], pB, semB).wait()
        pltpu.async_copy(y_hbm.at[pB.at[0, 0]], msg0, sem0)
        pltpu.make_async_copy(y_hbm.at[pA.at[1, 0]], msg1, sem1).wait()
        pltpu.sync_copy(msg1, acc_sh.at[pA.at[1, 1]], add=True)

        @pl.when(q < NQUAD - 1)
        def _():
            pltpu.async_copy(rcp_hbm.at[pb + 2 * q + 2], pA, semA)

        pltpu.async_copy(y_hbm.at[pB.at[1, 0]], msg1, sem1)
        pltpu.make_async_copy(y_hbm.at[pB.at[0, 0]], msg0, sem0).wait()
        pltpu.sync_copy(msg0, acc_sh.at[pB.at[0, 1]], add=True)

        @pl.when(q < NQUAD - 1)
        def _():
            pltpu.make_async_copy(rcp_hbm.at[pb], pA, semA).wait()
            pltpu.async_copy(y_hbm.at[pA.at[0, 0]], msg0, sem0)

        pltpu.make_async_copy(y_hbm.at[pB.at[1, 0]], msg1, sem1).wait()
        pltpu.sync_copy(msg1, acc_sh.at[pB.at[1, 1]], add=True)

        @pl.when(q < NQUAD - 1)
        def _():
            pltpu.async_copy(rcp_hbm.at[pb + 2 * q + 3], pB, semB)

        return carry

    lax.fori_loop(0, NQUAD, quad, 0)
    plsc.subcore_barrier()
    pltpu.sync_copy(
        acc_sh.at[pl.ds(sid * ZR, ZR)], acc_hbm.at[cid].at[pl.ds(sid * ZR, ZR)]
    )


def _dis_from(deg_ref):
    s = deg_ref[0, :, 0:1] + deg_ref[1, :, 0:1] + 1.0
    return lax.rsqrt(s)


def _prep_body(x_ref, w_ref, deg_ref, y_ref):
    dis = _dis_from(deg_ref)
    y_ref[...] = (
        jnp.dot(x_ref[...], w_ref[...], preferred_element_type=jnp.float32) * dis
    )


_prep = pl.pallas_call(
    _prep_body,
    grid=(GRID,),
    in_specs=[
        pl.BlockSpec((BR, D), lambda m: (m, 0)),
        pl.BlockSpec((D, D), lambda m: (0, 0)),
        pl.BlockSpec((NC, BR, D), lambda m: (0, m, 0)),
    ],
    out_specs=pl.BlockSpec((BR, D), lambda m: (m, 0)),
    out_shape=jax.ShapeDtypeStruct((N, D), jnp.float32),
)


def _comb_mm_body(acc_ref, y_ref, deg_ref, b_ref, w_ref, out_ref):
    dis = _dis_from(deg_ref)
    h = jnp.maximum(
        (acc_ref[0] + acc_ref[1] + y_ref[...]) * dis + b_ref[...], 0.0
    )
    out_ref[...] = (
        jnp.dot(h, w_ref[...], preferred_element_type=jnp.float32) * dis
    )


_comb_mm = pl.pallas_call(
    _comb_mm_body,
    grid=(GRID,),
    in_specs=[
        pl.BlockSpec((NC, BR, D), lambda m: (0, m, 0)),
        pl.BlockSpec((BR, D), lambda m: (m, 0)),
        pl.BlockSpec((NC, BR, D), lambda m: (0, m, 0)),
        pl.BlockSpec((1, D), lambda m: (0, 0)),
        pl.BlockSpec((D, D), lambda m: (0, 0)),
    ],
    out_specs=pl.BlockSpec((BR, D), lambda m: (m, 0)),
    out_shape=jax.ShapeDtypeStruct((N, D), jnp.float32),
)


def _comb_body(acc_ref, y_ref, deg_ref, b_ref, out_ref):
    dis = _dis_from(deg_ref)
    out_ref[...] = jnp.maximum(
        (acc_ref[0] + acc_ref[1] + y_ref[...]) * dis + b_ref[...], 0.0
    )


_comb = pl.pallas_call(
    _comb_body,
    grid=(GRID,),
    in_specs=[
        pl.BlockSpec((NC, BR, D), lambda m: (0, m, 0)),
        pl.BlockSpec((BR, D), lambda m: (m, 0)),
        pl.BlockSpec((NC, BR, D), lambda m: (0, m, 0)),
        pl.BlockSpec((1, D), lambda m: (0, 0)),
    ],
    out_specs=pl.BlockSpec((BR, D), lambda m: (m, 0)),
    out_shape=jax.ShapeDtypeStruct((N, D), jnp.float32),
)


def kernel(x, edge_index, W1, b1, W2, b2):
    row = edge_index[0]
    col = edge_index[1]
    e = row.shape[0]
    pad = EP - e
    sprd = jnp.arange(pad, dtype=jnp.int32)
    row_p = jnp.concatenate([row, sprd % N])
    col_p = jnp.concatenate([col, N + sprd % (R16 - N)])
    rc = jnp.stack([row_p.reshape(TOTCH, K), col_p.reshape(TOTCH, K)], axis=1)
    rcp = rc.reshape(TOTCH // 2, 2, 2, K)

    degpair = _deg_kernel(rc)
    b1r = b1.reshape(1, D)
    b2r = b2.reshape(1, D)

    y1 = _prep(x, W1, degpair)
    accp1 = _scatter_kernel(y1, rcp)
    y2 = _comb_mm(accp1, y1, degpair, b1r, W2)
    accp2 = _scatter_kernel(y2, rcp)
    return _comb(accp2, y2, degpair, b2r)

# --- scband reference (transcript-rebuilt; emitter-appended) ---
"""Pipeline reference for scband-gracegconv-26345329393832 (READ-ONLY COPY).

The authoritative reference and input builder live on the scoring server;
editing this copy changes nothing except your own understanding.
"""

import jax, jax.numpy as jnp
import numpy as np

N = 10000
E = 320000
D = 128
H = 128


def setup_inputs(seed: int = 0) -> dict:
    key = jax.random.key(seed)
    k1, k2, k3, k4 = jax.random.split(key, 4)
    x = jax.random.normal(k1, (N, D), dtype=jnp.float32)
    edge_index = jax.random.randint(k2, (2, E), 0, N, dtype=jnp.int32)
    W1 = jax.random.normal(k3, (D, H), dtype=jnp.float32) * 0.05
    b1 = jnp.zeros((H,), dtype=jnp.float32)
    W2 = jax.random.normal(k4, (H, H), dtype=jnp.float32) * 0.05
    b2 = jnp.zeros((H,), dtype=jnp.float32)
    return {"x": x, "edge_index": edge_index, "W1": W1, "b1": b1, "W2": W2, "b2": b2}


def _gcn_conv(x, row, col, W, b):
    n = x.shape[0]
    loop = jnp.arange(n, dtype=row.dtype)
    row_sl = jnp.concatenate([row, loop])
    col_sl = jnp.concatenate([col, loop])
    w = jnp.ones(row_sl.shape[0], dtype=x.dtype)
    deg = jnp.zeros((n,), dtype=x.dtype).at[col_sl].add(w)
    deg_inv_sqrt = jnp.where(deg > 0, jax.lax.rsqrt(jnp.maximum(deg, 1e-12)), 0.0)
    norm = deg_inv_sqrt[row_sl] * w * deg_inv_sqrt[col_sl]
    xw = x @ W
    msg = xw[row_sl] * norm[:, None]
    out = jnp.zeros((n, W.shape[1]), dtype=x.dtype).at[col_sl].add(msg)
    return out + b


def reference(x, edge_index, W1, b1, W2, b2):
    row, col = edge_index[0], edge_index[1]
    z = jax.nn.relu(_gcn_conv(x, row, col, W1, b1))
    z = jax.nn.relu(_gcn_conv(z, row, col, W2, b2))
    return z

if __name__ == "__main__":
    import jax
    _d = setup_inputs()
    print(jax.jit(kernel)(*tuple(_d.values())))

</pallas_src>

<mosaic_0001>
#map = affine_map<(d0, d1) -> (0, 0)>
#map1 = affine_map<(d0, d1) -> (0, 0, 0, 0)>
#map2 = affine_map<(d0, d1) -> (0, 0, 0)>
module attributes {stable_mosaic.version = 14 : i64} {
  func.func @_scatter_kernel(%arg0: i32, %arg1: i32, %arg2: memref<10000x128xf32, #tpu.memory_space<hbm>>, %arg3: memref<1280x2x2x128xi32, #tpu.memory_space<hbm>>, %arg4: memref<2x10240x128xf32, #tpu.memory_space<hbm>>, %arg5: memref<2x2x128xi32, #tpu.memory_space<vmem>>, %arg6: memref<2x2x128xi32, #tpu.memory_space<vmem>>, %arg7: memref<128x128xf32, #tpu.memory_space<vmem>>, %arg8: memref<128x128xf32, #tpu.memory_space<vmem>>, %arg9: memref<10240x128xf32, #tpu.memory_space<vmem_shared>>, %arg10: memref<!tpu.dma_semaphore, #tpu.memory_space<semaphore_mem>>, %arg11: memref<!tpu.dma_semaphore, #tpu.memory_space<semaphore_mem>>, %arg12: memref<!tpu.dma_semaphore, #tpu.memory_space<semaphore_mem>>, %arg13: memref<!tpu.dma_semaphore, #tpu.memory_space<semaphore_mem>>) attributes {dimension_semantics = [#tpu.dimension_semantics<core_parallel>, #tpu.dimension_semantics<subcore_parallel>], iteration_bounds = array<i64: 2, 16>, scalar_prefetch = 0 : i64, scratch_operands = 9 : i64, tpu.core_type = #tpu.core_type<sc_vector_subcore>, window_params = [{transform_indices = #map}, {transform_indices = #map1}, {transform_indices = #map2}]} {
    %mul3A = arith.constant 2 : i32
    %mul3A_0 = arith.muli %arg1, %mul3A : i32
    %add3A = arith.addi %mul3A_0, %arg0 : i32
    %mul3A_1 = arith.constant 40 : i32
    %mul3A_2 = arith.muli %add3A, %mul3A_1 : i32
    %scan3A = arith.constant 0 : i32
    %scan3A_3 = arith.constant 0 : i32
    %scan3A_4 = arith.constant 128 : i32
    %scan3A_5 = arith.addi %scan3A_3, %scan3A_4 : i32
    %scan3A_6 = arith.constant 1 : i32
    scf.for %scan3A_58 = %scan3A_3 to %scan3A_5 step %scan3A_6  : i32 {
      %broadcast_in_dim3A = arith.constant 0.000000e+00 : f32
      %broadcast_in_dim3A_59 = vector.broadcast %broadcast_in_dim3A : f32 to vector<16xf32>
      %swap3A = arith.index_cast %scan3A_58 : i32 to index
      %swap3A_60 = arith.constant 0 : index
      %swap3A_61 = tpu.vector_load %arg7[%swap3A, %swap3A_60] {strides = array<i32>} : memref<128x128xf32, #tpu.memory_space<vmem>>, vector<1x16xf32>,
      %swap3A_62 = vector.shape_cast %swap3A_61 : vector<1x16xf32> to vector<16xf32>
      %swap3A_63 = vector.shape_cast %broadcast_in_dim3A_59 : vector<16xf32> to vector<1x16xf32>
      tpu.vector_store %arg7[%swap3A, %swap3A_60], %swap3A_63 {strides = array<i32>} : memref<128x128xf32, #tpu.memory_space<vmem>>, vector<1x16xf32>,
      %broadcast_in_dim3A_64 = arith.constant 0.000000e+00 : f32
      %broadcast_in_dim3A_65 = vector.broadcast %broadcast_in_dim3A_64 : f32 to vector<16xf32>
      %swap3A_66 = arith.index_cast %scan3A_58 : i32 to index
      %swap3A_67 = arith.constant 16 : index
      %swap3A_68 = tpu.vector_load %arg7[%swap3A_66, %swap3A_67] {strides = array<i32>} : memref<128x128xf32, #tpu.memory_space<vmem>>, vector<1x16xf32>,
      %swap3A_69 = vector.shape_cast %swap3A_68 : vector<1x16xf32> to vector<16xf32>
      %swap3A_70 = vector.shape_cast %broadcast_in_dim3A_65 : vector<16xf32> to vector<1x16xf32>
      tpu.vector_store %arg7[%swap3A_66, %swap3A_67], %swap3A_70 {strides = array<i32>} : memref<128x128xf32, #tpu.memory_space<vmem>>, vector<1x16xf32>,
      %broadcast_in_dim3A_71 = arith.constant 0.000000e+00 : f32
      %broadcast_in_dim3A_72 = vector.broadcast %broadcast_in_dim3A_71 : f32 to vector<16xf32>
      %swap3A_73 = arith.index_cast %scan3A_58 : i32 to index
      %swap3A_74 = arith.constant 32 : index
      %swap3A_75 = tpu.vector_load %arg7[%swap3A_73, %swap3A_74] {strides = array<i32>} : memref<128x128xf32, #tpu.memory_space<vmem>>, vector<1x16xf32>,
      %swap3A_76 = vector.shape_cast %swap3A_75 : vector<1x16xf32> to vector<16xf32>
      %swap3A_77 = vector.shape_cast %broadcast_in_dim3A_72 : vector<16xf32> to vector<1x16xf32>
      tpu.vector_store %arg7[%swap3A_73, %swap3A_74], %swap3A_77 {strides = array<i32>} : memref<128x128xf32, #tpu.memory_space<vmem>>, vector<1x16xf32>,
      %broadcast_in_dim3A_78 = arith.constant 0.000000e+00 : f32
      %broadcast_in_dim3A_79 = vector.broadcast %broadcast_in_dim3A_78 : f32 to vector<16xf32>
      %swap3A_80 = arith.index_cast %scan3A_58 : i32 to index
      %swap3A_81 = arith.constant 48 : index
      %swap3A_82 = tpu.vector_load %arg7[%swap3A_80, %swap3A_81] {strides = array<i32>} : memref<128x128xf32, #tpu.memory_space<vmem>>, vector<1x16xf32>,
      %swap3A_83 = vector.shape_cast %swap3A_82 : vector<1x16xf32> to vector<16xf32>
      %swap3A_84 = vector.shape_cast %broadcast_in_dim3A_79 : vector<16xf32> to vector<1x16xf32>
      tpu.vector_store %arg7[%swap3A_80, %swap3A_81], %swap3A_84 {strides = array<i32>} : memref<128x128xf32, #tpu.memory_space<vmem>>, vector<1x16xf32>,
      %broadcast_in_dim3A_85 = arith.constant 0.000000e+00 : f32
      %broadcast_in_dim3A_86 = vector.broadcast %broadcast_in_dim3A_85 : f32 to vector<16xf32>
      %swap3A_87 = arith.index_cast %scan3A_58 : i32 to index
      %swap3A_88 = arith.constant 64 : index
      %swap3A_89 = tpu.vector_load %arg7[%swap3A_87, %swap3A_88] {strides = array<i32>} : memref<128x128xf32, #tpu.memory_space<vmem>>, vector<1x16xf32>,
      %swap3A_90 = vector.shape_cast %swap3A_89 : vector<1x16xf32> to vector<16xf32>
      %swap3A_91 = vector.shape_cast %broadcast_in_dim3A_86 : vector<16xf32> to vector<1x16xf32>
      tpu.vector_store %arg7[%swap3A_87, %swap3A_88], %swap3A_91 {strides = array<i32>} : memref<128x128xf32, #tpu.memory_space<vmem>>, vector<1x16xf32>,
      %broadcast_in_dim3A_92 = arith.constant 0.000000e+00 : f32
      %broadcast_in_dim3A_93 = vector.broadcast %broadcast_in_dim3A_92 : f32 to vector<16xf32>
      %swap3A_94 = arith.index_cast %scan3A_58 : i32 to index
      %swap3A_95 = arith.constant 80 : index
      %swap3A_96 = tpu.vector_load %arg7[%swap3A_94, %swap3A_95] {strides = array<i32>} : memref<128x128xf32, #tpu.memory_space<vmem>>, vector<1x16xf32>,
      %swap3A_97 = vector.shape_cast %swap3A_96 : vector<1x16xf32> to vector<16xf32>
      %swap3A_98 = vector.shape_cast %broadcast_in_dim3A_93 : vector<16xf32> to vector<1x16xf32>
      tpu.vector_store %arg7[%swap3A_94, %swap3A_95], %swap3A_98 {strides = array<i32>} : memref<128x128xf32, #tpu.memory_space<vmem>>, vector<1x16xf32>,
      %broadcast_in_dim3A_99 = arith.constant 0.000000e+00 : f32
      %broadcast_in_dim3A_100 = vector.broadcast %broadcast_in_dim3A_99 : f32 to vector<16xf32>
      %swap3A_101 = arith.index_cast %scan3A_58 : i32 to index
      %swap3A_102 = arith.constant 96 : index
      %swap3A_103 = tpu.vector_load %arg7[%swap3A_101, %swap3A_102] {strides = array<i32>} : memref<128x128xf32, #tpu.memory_space<vmem>>, vector<1x16xf32>,
      %swap3A_104 = vector.shape_cast %swap3A_103 : vector<1x16xf32> to vector<16xf32>
      %swap3A_105 = vector.shape_cast %broadcast_in_dim3A_100 : vector<16xf32> to vector<1x16xf32>
      tpu.vector_store %arg7[%swap3A_101, %swap3A_102], %swap3A_105 {strides = array<i32>} : memref<128x128xf32, #tpu.memory_space<vmem>>, vector<1x16xf32>,
      %broadcast_in_dim3A_106 = arith.constant 0.000000e+00 : f32
      %broadcast_in_dim3A_107 = vector.broadcast %broadcast_in_dim3A_106 : f32 to vector<16xf32>
      %swap3A_108 = arith.index_cast %scan3A_58 : i32 to index
      %swap3A_109 = arith.constant 112 : index
      %swap3A_110 = tpu.vector_load %arg7[%swap3A_108, %swap3A_109] {strides = array<i32>} : memref<128x128xf32, #tpu.memory_space<vmem>>, vector<1x16xf32>,
      %swap3A_111 = vector.shape_cast %swap3A_110 : vector<1x16xf32> to vector<16xf32>
      %swap3A_112 = vector.shape_cast %broadcast_in_dim3A_107 : vector<16xf32> to vector<1x16xf32>
      tpu.vector_store %arg7[%swap3A_108, %swap3A_109], %swap3A_112 {strides = array<i32>} : memref<128x128xf32, #tpu.memory_space<vmem>>, vector<1x16xf32>,
    }
    %scan3A_7 = arith.constant 128 : i32
    %mul3A_8 = arith.constant 640 : i32
    %mul3A_9 = arith.muli %arg1, %mul3A_8 : i32
    %add3A_10 = arith.constant 0 : i32
    %add3A_11 = arith.addi %mul3A_9, %add3A_10 : i32
    "tpu.region"() ({
      %run_scoped3A = tpu.sem_alloc : memref<!tpu.dma_semaphore, #tpu.memory_space<semaphore_mem>>
      %dma_start3A_58 = arith.constant 0 : i32
      %dma_start3A_59 = tpu.memref_slice %arg9[%add3A_11, %dma_start3A_58] : memref<10240x128xf32, #tpu.memory_space<vmem_shared>> -> memref<128x128xf32, #tpu.memory_space<vmem_shared>>
      %dma_start3A_60 = arith.constant 0 : i32
      %dma_start3A_61 = tpu.memref_slice %arg9[%add3A_11, %dma_start3A_60] : memref<10240x128xf32, #tpu.memory_space<vmem_shared>> -> memref<128x128xf32, #tpu.memory_space<vmem_shared>>
      tpu.enqueue_dma source(%arg7 : memref<128x128xf32, #tpu.memory_space<vmem>>) target(%dma_start3A_61 : memref<128x128xf32, #tpu.memory_space<vmem_shared>>) target_semaphore(%run_scoped3A : memref<!tpu.dma_semaphore, #tpu.memory_space<semaphore_mem>>)
      %dma_wait3A = arith.constant 0 : i32
      %dma_wait3A_62 = tpu.memref_slice %arg9[%add3A_11, %dma_wait3A] : memref<10240x128xf32, #tpu.memory_space<vmem_shared>> -> memref<128x128xf32, #tpu.memory_space<vmem_shared>>
      %dma_wait3A_63 = arith.constant 0 : i32
      %dma_wait3A_64 = tpu.memref_slice %arg9[%add3A_11, %dma_wait3A_63] : memref<10240x128xf32, #tpu.memory_space<vmem_shared>> -> memref<128x128xf32, #tpu.memory_space<vmem_shared>>
      tpu.wait_dma2 semaphore(%run_scoped3A : memref<!tpu.dma_semaphore, #tpu.memory_space<semaphore_mem>>) src(%arg7 : memref<128x128xf32, #tpu.memory_space<vmem>>) dst(%dma_wait3A_64 : memref<128x128xf32, #tpu.memory_space<vmem_shared>>)
      tpu.yield
    }) : () -> ()
    %mul3A_12 = arith.constant 640 : i32
    %mul3A_13 = arith.muli %arg1, %mul3A_12 : i32
    %add3A_14 = arith.constant 128 : i32
    %add3A_15 = arith.addi %mul3A_13, %add3A_14 : i32
    "tpu.region"() ({
      %run_scoped3A = tpu.sem_alloc : memref<!tpu.dma_semaphore, #tpu.memory_space<semaphore_mem>>
      %dma_start3A_58 = arith.constant 0 : i32
      %dma_start3A_59 = tpu.memref_slice %arg9[%add3A_15, %dma_start3A_58] : memref<10240x128xf32, #tpu.memory_space<vmem_shared>> -> memref<128x128xf32, #tpu.memory_space<vmem_shared>>
      %dma_start3A_60 = arith.constant 0 : i32
      %dma_start3A_61 = tpu.memref_slice %arg9[%add3A_15, %dma_start3A_60] : memref<10240x128xf32, #tpu.memory_space<vmem_shared>> -> memref<128x128xf32, #tpu.memory_space<vmem_shared>>
      tpu.enqueue_dma source(%arg7 : memref<128x128xf32, #tpu.memory_space<vmem>>) target(%dma_start3A_61 : memref<128x128xf32, #tpu.memory_space<vmem_shared>>) target_semaphore(%run_scoped3A : memref<!tpu.dma_semaphore, #tpu.memory_space<semaphore_mem>>)
      %dma_wait3A = arith.constant 0 : i32
      %dma_wait3A_62 = tpu.memref_slice %arg9[%add3A_15, %dma_wait3A] : memref<10240x128xf32, #tpu.memory_space<vmem_shared>> -> memref<128x128xf32, #tpu.memory_space<vmem_shared>>
      %dma_wait3A_63 = arith.constant 0 : i32
      %dma_wait3A_64 = tpu.memref_slice %arg9[%add3A_15, %dma_wait3A_63] : memref<10240x128xf32, #tpu.memory_space<vmem_shared>> -> memref<128x128xf32, #tpu.memory_space<vmem_shared>>
      tpu.wait_dma2 semaphore(%run_scoped3A : memref<!tpu.dma_semaphore, #tpu.memory_space<semaphore_mem>>) src(%arg7 : memref<128x128xf32, #tpu.memory_space<vmem>>) dst(%dma_wait3A_64 : memref<128x128xf32, #tpu.memory_space<vmem_shared>>)
      tpu.yield
    }) : () -> ()
    %mul3A_16 = arith.constant 640 : i32
    %mul3A_17 = arith.muli %arg1, %mul3A_16 : i32
    %add3A_18 = arith.constant 256 : i32
    %add3A_19 = arith.addi %mul3A_17, %add3A_18 : i32
    "tpu.region"() ({
      %run_scoped3A = tpu.sem_alloc : memref<!tpu.dma_semaphore, #tpu.memory_space<semaphore_mem>>
      %dma_start3A_58 = arith.constant 0 : i32
      %dma_start3A_59 = tpu.memref_slice %arg9[%add3A_19, %dma_start3A_58] : memref<10240x128xf32, #tpu.memory_space<vmem_shared>> -> memref<128x128xf32, #tpu.memory_space<vmem_shared>>
      %dma_start3A_60 = arith.constant 0 : i32
      %dma_start3A_61 = tpu.memref_slice %arg9[%add3A_19, %dma_start3A_60] : memref<10240x128xf32, #tpu.memory_space<vmem_shared>> -> memref<128x128xf32, #tpu.memory_space<vmem_shared>>
      tpu.enqueue_dma source(%arg7 : memref<128x128xf32, #tpu.memory_space<vmem>>) target(%dma_start3A_61 : memref<128x128xf32, #tpu.memory_space<vmem_shared>>) target_semaphore(%run_scoped3A : memref<!tpu.dma_semaphore, #tpu.memory_space<semaphore_mem>>)
      %dma_wait3A = arith.constant 0 : i32
      %dma_wait3A_62 = tpu.memref_slice %arg9[%add3A_19, %dma_wait3A] : memref<10240x128xf32, #tpu.memory_space<vmem_shared>> -> memref<128x128xf32, #tpu.memory_space<vmem_shared>>
      %dma_wait3A_63 = arith.constant 0 : i32
      %dma_wait3A_64 = tpu.memref_slice %arg9[%add3A_19, %dma_wait3A_63] : memref<10240x128xf32, #tpu.memory_space<vmem_shared>> -> memref<128x128xf32, #tpu.memory_space<vmem_shared>>
      tpu.wait_dma2 semaphore(%run_scoped3A : memref<!tpu.dma_semaphore, #tpu.memory_space<semaphore_mem>>) src(%arg7 : memref<128x128xf32, #tpu.memory_space<vmem>>) dst(%dma_wait3A_64 : memref<128x128xf32, #tpu.memory_space<vmem_shared>>)
      tpu.yield
    }) : () -> ()
    %mul3A_20 = arith.constant 640 : i32
    %mul3A_21 = arith.muli %arg1, %mul3A_20 : i32
    %add3A_22 = arith.constant 384 : i32
    %add3A_23 = arith.addi %mul3A_21, %add3A_22 : i32
    "tpu.region"() ({
      %run_scoped3A = tpu.sem_alloc : memref<!tpu.dma_semaphore, #tpu.memory_space<semaphore_mem>>
      %dma_start3A_58 = arith.constant 0 : i32
      %dma_start3A_59 = tpu.memref_slice %arg9[%add3A_23, %dma_start3A_58] : memref<10240x128xf32, #tpu.memory_space<vmem_shared>> -> memref<128x128xf32, #tpu.memory_space<vmem_shared>>
      %dma_start3A_60 = arith.constant 0 : i32
      %dma_start3A_61 = tpu.memref_slice %arg9[%add3A_23, %dma_start3A_60] : memref<10240x128xf32, #tpu.memory_space<vmem_shared>> -> memref<128x128xf32, #tpu.memory_space<vmem_shared>>
      tpu.enqueue_dma source(%arg7 : memref<128x128xf32, #tpu.memory_space<vmem>>) target(%dma_start3A_61 : memref<128x128xf32, #tpu.memory_space<vmem_shared>>) target_semaphore(%run_scoped3A : memref<!tpu.dma_semaphore, #tpu.memory_space<semaphore_mem>>)
      %dma_wait3A = arith.constant 0 : i32
      %dma_wait3A_62 = tpu.memref_slice %arg9[%add3A_23, %dma_wait3A] : memref<10240x128xf32, #tpu.memory_space<vmem_shared>> -> memref<128x128xf32, #tpu.memory_space<vmem_shared>>
      %dma_wait3A_63 = arith.constant 0 : i32
      %dma_wait3A_64 = tpu.memref_slice %arg9[%add3A_23, %dma_wait3A_63] : memref<10240x128xf32, #tpu.memory_space<vmem_shared>> -> memref<128x128xf32, #tpu.memory_space<vmem_shared>>
      tpu.wait_dma2 semaphore(%run_scoped3A : memref<!tpu.dma_semaphore, #tpu.memory_space<semaphore_mem>>) src(%arg7 : memref<128x128xf32, #tpu.memory_space<vmem>>) dst(%dma_wait3A_64 : memref<128x128xf32, #tpu.memory_space<vmem_shared>>)
      tpu.yield
    }) : () -> ()
    %mul3A_24 = arith.constant 640 : i32
    %mul3A_25 = arith.muli %arg1, %mul3A_24 : i32
    %add3A_26 = arith.constant 512 : i32
    %add3A_27 = arith.addi %mul3A_25, %add3A_26 : i32
    "tpu.region"() ({
      %run_scoped3A = tpu.sem_alloc : memref<!tpu.dma_semaphore, #tpu.memory_space<semaphore_mem>>
      %dma_start3A_58 = arith.constant 0 : i32
      %dma_start3A_59 = tpu.memref_slice %arg9[%add3A_27, %dma_start3A_58] : memref<10240x128xf32, #tpu.memory_space<vmem_shared>> -> memref<128x128xf32, #tpu.memory_space<vmem_shared>>
      %dma_start3A_60 = arith.constant 0 : i32
      %dma_start3A_61 = tpu.memref_slice %arg9[%add3A_27, %dma_start3A_60] : memref<10240x128xf32, #tpu.memory_space<vmem_shared>> -> memref<128x128xf32, #tpu.memory_space<vmem_shared>>
      tpu.enqueue_dma source(%arg7 : memref<128x128xf32, #tpu.memory_space<vmem>>) target(%dma_start3A_61 : memref<128x128xf32, #tpu.memory_space<vmem_shared>>) target_semaphore(%run_scoped3A : memref<!tpu.dma_semaphore, #tpu.memory_space<semaphore_mem>>)
      %dma_wait3A = arith.constant 0 : i32
      %dma_wait3A_62 = tpu.memref_slice %arg9[%add3A_27, %dma_wait3A] : memref<10240x128xf32, #tpu.memory_space<vmem_shared>> -> memref<128x128xf32, #tpu.memory_space<vmem_shared>>
      %dma_wait3A_63 = arith.constant 0 : i32
      %dma_wait3A_64 = tpu.memref_slice %arg9[%add3A_27, %dma_wait3A_63] : memref<10240x128xf32, #tpu.memory_space<vmem_shared>> -> memref<128x128xf32, #tpu.memory_space<vmem_shared>>
      tpu.wait_dma2 semaphore(%run_scoped3A : memref<!tpu.dma_semaphore, #tpu.memory_space<semaphore_mem>>) src(%arg7 : memref<128x128xf32, #tpu.memory_space<vmem>>) dst(%dma_wait3A_64 : memref<128x128xf32, #tpu.memory_space<vmem_shared>>)
      tpu.yield
    }) : () -> ()
    %barrier3A = arith.constant 0 : index
    tpu.barrier barrier_id(%barrier3A)
    "tpu.region"() ({
      %run_scoped3A = tpu.sem_alloc : memref<!tpu.dma_semaphore, #tpu.memory_space<semaphore_mem>>
      %dma_start3A_58 = arith.constant 0 : i32
      %dma_start3A_59 = arith.constant 0 : i32
      %dma_start3A_60 = arith.constant 0 : i32
      %dma_start3A_61 = tpu.memref_slice %arg3[%mul3A_2, %dma_start3A_58, %dma_start3A_59, %dma_start3A_60] : memref<1280x2x2x128xi32, #tpu.memory_space<hbm>> -> memref<1x2x2x128xi32, #tpu.memory_space<hbm>>
      %dma_start3A_62 = tpu.memref_squeeze %dma_start3A_61 : memref<1x2x2x128xi32, #tpu.memory_space<hbm>> -> memref<2x2x128xi32, #tpu.memory_space<hbm>>
      %dma_start3A_63 = arith.constant 0 : i32
      %dma_start3A_64 = arith.constant 0 : i32
      %dma_start3A_65 = arith.constant 0 : i32
      %dma_start3A_66 = tpu.memref_slice %arg3[%mul3A_2, %dma_start3A_63, %dma_start3A_64, %dma_start3A_65] : memref<1280x2x2x128xi32, #tpu.memory_space<hbm>> -> memref<1x2x2x128xi32, #tpu.memory_space<hbm>>
      %dma_start3A_67 = tpu.memref_squeeze %dma_start3A_66 : memref<1x2x2x128xi32, #tpu.memory_space<hbm>> -> memref<2x2x128xi32, #tpu.memory_space<hbm>>
      tpu.enqueue_dma source(%dma_start3A_67 : memref<2x2x128xi32, #tpu.memory_space<hbm>>) target(%arg5 : memref<2x2x128xi32, #tpu.memory_space<vmem>>) target_semaphore(%run_scoped3A : memref<!tpu.dma_semaphore, #tpu.memory_space<semaphore_mem>>)
      %dma_wait3A = arith.constant 0 : i32
      %dma_wait3A_68 = arith.constant 0 : i32
      %dma_wait3A_69 = arith.constant 0 : i32
      %dma_wait3A_70 = tpu.memref_slice %arg3[%mul3A_2, %dma_wait3A, %dma_wait3A_68, %dma_wait3A_69] : memref<1280x2x2x128xi32, #tpu.memory_space<hbm>> -> memref<1x2x2x128xi32, #tpu.memory_space<hbm>>
      %dma_wait3A_71 = tpu.memref_squeeze %dma_wait3A_70 : memref<1x2x2x128xi32, #tpu.memory_space<hbm>> -> memref<2x2x128xi32, #tpu.memory_space<hbm>>
      %dma_wait3A_72 = arith.constant 0 : i32
      %dma_wait3A_73 = arith.constant 0 : i32
      %dma_wait3A_74 = arith.constant 0 : i32
      %dma_wait3A_75 = tpu.memref_slice %arg3[%mul3A_2, %dma_wait3A_72, %dma_wait3A_73, %dma_wait3A_74] : memref<1280x2x2x128xi32, #tpu.memory_space<hbm>> -> memref<1x2x2x128xi32, #tpu.memory_space<hbm>>
      %dma_wait3A_76 = tpu.memref_squeeze %dma_wait3A_75 : memref<1x2x2x128xi32, #tpu.memory_space<hbm>> -> memref<2x2x128xi32, #tpu.memory_space<hbm>>
      tpu.wait_dma2 semaphore(%run_scoped3A : memref<!tpu.dma_semaphore, #tpu.memory_space<semaphore_mem>>) src(%dma_wait3A_76 : memref<2x2x128xi32, #tpu.memory_space<hbm>>) dst(%arg5 : memref<2x2x128xi32, #tpu.memory_space<vmem>>)
      tpu.yield
    }) : () -> ()
    %dma_start3A = arith.constant 0 : i32
    %dma_start3A_28 = arith.constant 0 : i32
    %dma_start3A_29 = arith.constant 0 : i32
    %dma_start3A_30 = tpu.memref_slice %arg5[%dma_start3A, %dma_start3A_28, %dma_start3A_29] : memref<2x2x128xi32, #tpu.memory_space<vmem>> -> memref<1x1x128xi32, #tpu.memory_space<vmem>>
    %dma_start3A_31 = tpu.memref_squeeze %dma_start3A_30 : memref<1x1x128xi32, #tpu.memory_space<vmem>> -> memref<128xi32, #tpu.memory_space<vmem>>
    %dma_start3A_32 = arith.constant 0 : i32
    %dma_start3A_33 = arith.constant 0 : i32
    %dma_start3A_34 = tpu.memref_slice %arg2[%dma_start3A_32, %dma_start3A_33] : memref<10000x128xf32, #tpu.memory_space<hbm>> -> memref<10000x128xf32, #tpu.memory_space<hbm>>
    tpu.enqueue_indirect_dma source(%dma_start3A_34 : memref<10000x128xf32, #tpu.memory_space<hbm>>) target(%arg7 : memref<128x128xf32, #tpu.memory_space<vmem>>) offsets(%dma_start3A_31 : memref<128xi32, #tpu.memory_space<vmem>>) semaphore(%arg10 : memref<!tpu.dma_semaphore, #tpu.memory_space<semaphore_mem>>)
    %add3A_35 = arith.constant 1 : i32
    %add3A_36 = arith.addi %mul3A_2, %add3A_35 : i32
    %dma_start3A_37 = arith.constant 0 : i32
    %dma_start3A_38 = arith.constant 0 : i32
    %dma_start3A_39 = arith.constant 0 : i32
    %dma_start3A_40 = tpu.memref_slice %arg3[%add3A_36, %dma_start3A_37, %dma_start3A_38, %dma_start3A_39] : memref<1280x2x2x128xi32, #tpu.memory_space<hbm>> -> memref<1x2x2x128xi32, #tpu.memory_space<hbm>>
    %dma_start3A_41 = tpu.memref_squeeze %dma_start3A_40 : memref<1x2x2x128xi32, #tpu.memory_space<hbm>> -> memref<2x2x128xi32, #tpu.memory_space<hbm>>
    %dma_start3A_42 = arith.constant 0 : i32
    %dma_start3A_43 = arith.constant 0 : i32
    %dma_start3A_44 = arith.constant 0 : i32
    %dma_start3A_45 = tpu.memref_slice %arg3[%add3A_36, %dma_start3A_42, %dma_start3A_43, %dma_start3A_44] : memref<1280x2x2x128xi32, #tpu.memory_space<hbm>> -> memref<1x2x2x128xi32, #tpu.memory_space<hbm>>
    %dma_start3A_46 = tpu.memref_squeeze %dma_start3A_45 : memref<1x2x2x128xi32, #tpu.memory_space<hbm>> -> memref<2x2x128xi32, #tpu.memory_space<hbm>>
    tpu.enqueue_dma source(%dma_start3A_46 : memref<2x2x128xi32, #tpu.memory_space<hbm>>) target(%arg6 : memref<2x2x128xi32, #tpu.memory_space<vmem>>) target_semaphore(%arg13 : memref<!tpu.dma_semaphore, #tpu.memory_space<semaphore_mem>>)
    %scan3A_47 = arith.constant 0 : i32
    %scan3A_48 = arith.constant 0 : i32
    %scan3A_49 = arith.constant 20 : i32
    %scan3A_50 = arith.addi %scan3A_48, %scan3A_49 : i32
    %scan3A_51 = arith.constant 1 : i32
    scf.for %scan3A_58 = %scan3A_48 to %scan3A_50 step %scan3A_51  : i32 {
      %dma_start3A_59 = arith.constant 1 : i32
      %dma_start3A_60 = arith.constant 0 : i32
      %dma_start3A_61 = arith.constant 0 : i32
      %dma_start3A_62 = tpu.memref_slice %arg5[%dma_start3A_59, %dma_start3A_60, %dma_start3A_61] : memref<2x2x128xi32, #tpu.memory_space<vmem>> -> memref<1x1x128xi32, #tpu.memory_space<vmem>>
      %dma_start3A_63 = tpu.memref_squeeze %dma_start3A_62 : memref<1x1x128xi32, #tpu.memory_space<vmem>> -> memref<128xi32, #tpu.memory_space<vmem>>
      %dma_start3A_64 = arith.constant 0 : i32
      %dma_start3A_65 = arith.constant 0 : i32
      %dma_start3A_66 = tpu.memref_slice %arg2[%dma_start3A_64, %dma_start3A_65] : memref<10000x128xf32, #tpu.memory_space<hbm>> -> memref<10000x128xf32, #tpu.memory_space<hbm>>
      tpu.enqueue_indirect_dma source(%dma_start3A_66 : memref<10000x128xf32, #tpu.memory_space<hbm>>) target(%arg8 : memref<128x128xf32, #tpu.memory_space<vmem>>) offsets(%dma_start3A_63 : memref<128xi32, #tpu.memory_space<vmem>>) semaphore(%arg11 : memref<!tpu.dma_semaphore, #tpu.memory_space<semaphore_mem>>)
      %dma_wait3A = arith.constant 0 : i32
      %dma_wait3A_67 = arith.constant 0 : i32
      %dma_wait3A_68 = arith.constant 0 : i32
      %dma_wait3A_69 = tpu.memref_slice %arg5[%dma_wait3A, %dma_wait3A_67, %dma_wait3A_68] : memref<2x2x128xi32, #tpu.memory_space<vmem>> -> memref<1x1x128xi32, #tpu.memory_space<vmem>>
      %dma_wait3A_70 = tpu.memref_squeeze %dma_wait3A_69 : memref<1x1x128xi32, #tpu.memory_space<vmem>> -> memref<128xi32, #tpu.memory_space<vmem>>
      %dma_wait3A_71 = arith.constant 0 : i32
      %dma_wait3A_72 = arith.constant 0 : i32
      %dma_wait3A_73 = tpu.memref_slice %arg2[%dma_wait3A_71, %dma_wait3A_72] : memref<10000x128xf32, #tpu.memory_space<hbm>> -> memref<10000x128xf32, #tpu.memory_space<hbm>>
      tpu.wait_indirect_dma semaphore(%arg10 : memref<!tpu.dma_semaphore, #tpu.memory_space<semaphore_mem>>) src(%dma_wait3A_73 : memref<10000x128xf32, #tpu.memory_space<hbm>>) dst(%arg7 : memref<128x128xf32, #tpu.memory_space<vmem>>)
      %run_scoped3A = arith.constant 0 : i32
      %run_scoped3A_74 = arith.constant 1 : i32
      "tpu.region"() ({
        %run_scoped3A_143 = tpu.sem_alloc : memref<!tpu.dma_semaphore, #tpu.memory_space<semaphore_mem>>
        %dma_start3A_144 = arith.constant 0 : i32
        %dma_start3A_145 = tpu.memref_slice %arg5[%run_scoped3A, %run_scoped3A_74, %dma_start3A_144] : memref<2x2x128xi32, #tpu.memory_space<vmem>> -> memref<1x1x128xi32, #tpu.memory_space<vmem>>
        %dma_start3A_146 = tpu.memref_squeeze %dma_start3A_145 : memref<1x1x128xi32, #tpu.memory_space<vmem>> -> memref<128xi32, #tpu.memory_space<vmem>>
        %dma_start3A_147 = arith.constant 0 : i32
        %dma_start3A_148 = arith.constant 0 : i32
        %dma_start3A_149 = tpu.memref_slice %arg9[%dma_start3A_147, %dma_start3A_148] : memref<10240x128xf32, #tpu.memory_space<vmem_shared>> -> memref<10240x128xf32, #tpu.memory_space<vmem_shared>>
        tpu.enqueue_indirect_dma source(%arg7 : memref<128x128xf32, #tpu.memory_space<vmem>>) target(%dma_start3A_149 : memref<10240x128xf32, #tpu.memory_space<vmem_shared>>) offsets(%dma_start3A_146 : memref<128xi32, #tpu.memory_space<vmem>>) semaphore(%run_scoped3A_143 : memref<!tpu.dma_semaphore, #tpu.memory_space<semaphore_mem>>) {add = true}
        %dma_wait3A_150 = arith.constant 0 : i32
        %dma_wait3A_151 = tpu.memref_slice %arg5[%run_scoped3A, %run_scoped3A_74, %dma_wait3A_150] : memref<2x2x128xi32, #tpu.memory_space<vmem>> -> memref<1x1x128xi32, #tpu.memory_space<vmem>>
        %dma_wait3A_152 = tpu.memref_squeeze %dma_wait3A_151 : memref<1x1x128xi32, #tpu.memory_space<vmem>> -> memref<128xi32, #tpu.memory_space<vmem>>
        %dma_wait3A_153 = arith.constant 0 : i32
        %dma_wait3A_154 = arith.constant 0 : i32
        %dma_wait3A_155 = tpu.memref_slice %arg9[%dma_wait3A_153, %dma_wait3A_154] : memref<10240x128xf32, #tpu.memory_space<vmem_shared>> -> memref<10240x128xf32, #tpu.memory_space<vmem_shared>>
        tpu.wait_indirect_dma semaphore(%run_scoped3A_143 : memref<!tpu.dma_semaphore, #tpu.memory_space<semaphore_mem>>) src(%arg7 : memref<128x128xf32, #tpu.memory_space<vmem>>) dst(%dma_wait3A_155 : memref<10240x128xf32, #tpu.memory_space<vmem_shared>>)
        tpu.yield
      }) : () -> ()
      %dma_wait3A_75 = arith.constant 0 : i32
      %dma_wait3A_76 = arith.constant 0 : i32
      %dma_wait3A_77 = arith.constant 0 : i32
      %dma_wait3A_78 = tpu.memref_slice %arg3[%mul3A_2, %dma_wait3A_75, %dma_wait3A_76, %dma_wait3A_77] : memref<1280x2x2x128xi32, #tpu.memory_space<hbm>> -> memref<1x2x2x128xi32, #tpu.memory_space<hbm>>
      %dma_wait3A_79 = tpu.memref_squeeze %dma_wait3A_78 : memref<1x2x2x128xi32, #tpu.memory_space<hbm>> -> memref<2x2x128xi32, #tpu.memory_space<hbm>>
      %dma_wait3A_80 = arith.constant 0 : i32
      %dma_wait3A_81 = arith.constant 0 : i32
      %dma_wait3A_82 = arith.constant 0 : i32
      %dma_wait3A_83 = tpu.memref_slice %arg3[%mul3A_2, %dma_wait3A_80, %dma_wait3A_81, %dma_wait3A_82] : memref<1280x2x2x128xi32, #tpu.memory_space<hbm>> -> memref<1x2x2x128xi32, #tpu.memory_space<hbm>>
      %dma_wait3A_84 = tpu.memref_squeeze %dma_wait3A_83 : memref<1x2x2x128xi32, #tpu.memory_space<hbm>> -> memref<2x2x128xi32, #tpu.memory_space<hbm>>
      tpu.wait_dma2 semaphore(%arg13 : memref<!tpu.dma_semaphore, #tpu.memory_space<semaphore_mem>>) src(%dma_wait3A_84 : memref<2x2x128xi32, #tpu.memory_space<hbm>>) dst(%arg6 : memref<2x2x128xi32, #tpu.memory_space<vmem>>)
      %dma_start3A_85 = arith.constant 0 : i32
      %dma_start3A_86 = arith.constant 0 : i32
      %dma_start3A_87 = arith.constant 0 : i32
      %dma_start3A_88 = tpu.memref_slice %arg6[%dma_start3A_85, %dma_start3A_86, %dma_start3A_87] : memref<2x2x128xi32, #tpu.memory_space<vmem>> -> memref<1x1x128xi32, #tpu.memory_space<vmem>>
      %dma_start3A_89 = tpu.memref_squeeze %dma_start3A_88 : memref<1x1x128xi32, #tpu.memory_space<vmem>> -> memref<128xi32, #tpu.memory_space<vmem>>
      %dma_start3A_90 = arith.constant 0 : i32
      %dma_start3A_91 = arith.constant 0 : i32
      %dma_start3A_92 = tpu.memref_slice %arg2[%dma_start3A_90, %dma_start3A_91] : memref<10000x128xf32, #tpu.memory_space<hbm>> -> memref<10000x128xf32, #tpu.memory_space<hbm>>
      tpu.enqueue_indirect_dma source(%dma_start3A_92 : memref<10000x128xf32, #tpu.memory_space<hbm>>) target(%arg7 : memref<128x128xf32, #tpu.memory_space<vmem>>) offsets(%dma_start3A_89 : memref<128xi32, #tpu.memory_space<vmem>>) semaphore(%arg10 : memref<!tpu.dma_semaphore, #tpu.memory_space<semaphore_mem>>)
      %dma_wait3A_93 = arith.constant 1 : i32
      %dma_wait3A_94 = arith.constant 0 : i32
      %dma_wait3A_95 = arith.constant 0 : i32
      %dma_wait3A_96 = tpu.memref_slice %arg5[%dma_wait3A_93, %dma_wait3A_94, %dma_wait3A_95] : memref<2x2x128xi32, #tpu.memory_space<vmem>> -> memref<1x1x128xi32, #tpu.memory_space<vmem>>
      %dma_wait3A_97 = tpu.memref_squeeze %dma_wait3A_96 : memref<1x1x128xi32, #tpu.memory_space<vmem>> -> memref<128xi32, #tpu.memory_space<vmem>>
      %dma_wait3A_98 = arith.constant 0 : i32
      %dma_wait3A_99 = arith.constant 0 : i32
      %dma_wait3A_100 = tpu.memref_slice %arg2[%dma_wait3A_98, %dma_wait3A_99] : memref<10000x128xf32, #tpu.memory_space<hbm>> -> memref<10000x128xf32, #tpu.memory_space<hbm>>
      tpu.wait_indirect_dma semaphore(%arg11 : memref<!tpu.dma_semaphore, #tpu.memory_space<semaphore_mem>>) src(%dma_wait3A_100 : memref<10000x128xf32, #tpu.memory_space<hbm>>) dst(%arg8 : memref<128x128xf32, #tpu.memory_space<vmem>>)
      %run_scoped3A_101 = arith.constant 1 : i32
      %run_scoped3A_102 = arith.constant 1 : i32
      "tpu.region"() ({
        %run_scoped3A_143 = tpu.sem_alloc : memref<!tpu.dma_semaphore, #tpu.memory_space<semaphore_mem>>
        %dma_start3A_144 = arith.constant 0 : i32
        %dma_start3A_145 = tpu.memref_slice %arg5[%run_scoped3A_101, %run_scoped3A_102, %dma_start3A_144] : memref<2x2x128xi32, #tpu.memory_space<vmem>> -> memref<1x1x128xi32, #tpu.memory_space<vmem>>
        %dma_start3A_146 = tpu.memref_squeeze %dma_start3A_145 : memref<1x1x128xi32, #tpu.memory_space<vmem>> -> memref<128xi32, #tpu.memory_space<vmem>>
        %dma_start3A_147 = arith.constant 0 : i32
        %dma_start3A_148 = arith.constant 0 : i32
        %dma_start3A_149 = tpu.memref_slice %arg9[%dma_start3A_147, %dma_start3A_148] : memref<10240x128xf32, #tpu.memory_space<vmem_shared>> -> memref<10240x128xf32, #tpu.memory_space<vmem_shared>>
        tpu.enqueue_indirect_dma source(%arg8 : memref<128x128xf32, #tpu.memory_space<vmem>>) target(%dma_start3A_149 : memref<10240x128xf32, #tpu.memory_space<vmem_shared>>) offsets(%dma_start3A_146 : memref<128xi32, #tpu.memory_space<vmem>>) semaphore(%run_scoped3A_143 : memref<!tpu.dma_semaphore, #tpu.memory_space<semaphore_mem>>) {add = true}
        %dma_wait3A_150 = arith.constant 0 : i32
        %dma_wait3A_151 = tpu.memref_slice %arg5[%run_scoped3A_101, %run_scoped3A_102, %dma_wait3A_150] : memref<2x2x128xi32, #tpu.memory_space<vmem>> -> memref<1x1x128xi32, #tpu.memory_space<vmem>>
        %dma_wait3A_152 = tpu.memref_squeeze %dma_wait3A_151 : memref<1x1x128xi32, #tpu.memory_space<vmem>> -> memref<128xi32, #tpu.memory_space<vmem>>
        %dma_wait3A_153 = arith.constant 0 : i32
        %dma_wait3A_154 = arith.constant 0 : i32
        %dma_wait3A_155 = tpu.memref_slice %arg9[%dma_wait3A_153, %dma_wait3A_154] : memref<10240x128xf32, #tpu.memory_space<vmem_shared>> -> memref<10240x128xf32, #tpu.memory_space<vmem_shared>>
        tpu.wait_indirect_dma semaphore(%run_scoped3A_143 : memref<!tpu.dma_semaphore, #tpu.memory_space<semaphore_mem>>) src(%arg8 : memref<128x128xf32, #tpu.memory_space<vmem>>) dst(%dma_wait3A_155 : memref<10240x128xf32, #tpu.memory_space<vmem_shared>>)
        tpu.yield
      }) : () -> ()
      %lt3A = arith.constant 19 : i32
      %lt3A_103 = arith.cmpi slt, %scan3A_58, %lt3A : i32
      %convert_element_type3A = arith.extui %lt3A_103 : i1 to i32
      %cond3A = arith.constant 0 : i32
      %cond3A_104 = arith.cmpi ne, %convert_element_type3A, %cond3A : i32
      scf.if %cond3A_104 {
        %mul3A_143 = arith.constant 2 : i32
        %mul3A_144 = arith.muli %mul3A_143, %scan3A_58 : i32
        %add3A_145 = arith.addi %mul3A_2, %mul3A_144 : i32
        %add3A_146 = arith.constant 2 : i32
        %add3A_147 = arith.addi %add3A_145, %add3A_146 : i32
        %dma_start3A_148 = arith.constant 0 : i32
        %dma_start3A_149 = arith.constant 0 : i32
        %dma_start3A_150 = arith.constant 0 : i32
        %dma_start3A_151 = tpu.memref_slice %arg3[%add3A_147, %dma_start3A_148, %dma_start3A_149, %dma_start3A_150] : memref<1280x2x2x128xi32, #tpu.memory_space<hbm>> -> memref<1x2x2x128xi32, #tpu.memory_space<hbm>>
        %dma_start3A_152 = tpu.memref_squeeze %dma_start3A_151 : memref<1x2x2x128xi32, #tpu.memory_space<hbm>> -> memref<2x2x128xi32, #tpu.memory_space<hbm>>
        %dma_start3A_153 = arith.constant 0 : i32
        %dma_start3A_154 = arith.constant 0 : i32
        %dma_start3A_155 = arith.constant 0 : i32
        %dma_start3A_156 = tpu.memref_slice %arg3[%add3A_147, %dma_start3A_153, %dma_start3A_154, %dma_start3A_155] : memref<1280x2x2x128xi32, #tpu.memory_space<hbm>> -> memref<1x2x2x128xi32, #tpu.memory_space<hbm>>
        %dma_start3A_157 = tpu.memref_squeeze %dma_start3A_156 : memref<1x2x2x128xi32, #tpu.memory_space<hbm>> -> memref<2x2x128xi32, #tpu.memory_space<hbm>>
        tpu.enqueue_dma source(%dma_start3A_157 : memref<2x2x128xi32, #tpu.memory_space<hbm>>) target(%arg5 : memref<2x2x128xi32, #tpu.memory_space<vmem>>) target_semaphore(%arg12 : memref<!tpu.dma_semaphore, #tpu.memory_space<semaphore_mem>>)
      } else {
      }
      %dma_start3A_105 = arith.constant 1 : i32
      %dma_start3A_106 = arith.constant 0 : i32
      %dma_start3A_107 = arith.constant 0 : i32
      %dma_start3A_108 = tpu.memref_slice %arg6[%dma_start3A_105, %dma_start3A_106, %dma_start3A_107] : memref<2x2x128xi32, #tpu.memory_space<vmem>> -> memref<1x1x128xi32, #tpu.memory_space<vmem>>
      %dma_start3A_109 = tpu.memref_squeeze %dma_start3A_108 : memref<1x1x128xi32, #tpu.memory_space<vmem>> -> memref<128xi32, #tpu.memory_space<vmem>>
      %dma_start3A_110 = arith.constant 0 : i32
      %dma_start3A_111 = arith.constant 0 : i32
      %dma_start3A_112 = tpu.memref_slice %arg2[%dma_start3A_110, %dma_start3A_111] : memref<10000x128xf32, #tpu.memory_space<hbm>> -> memref<10000x128xf32, #tpu.memory_space<hbm>>
      tpu.enqueue_indirect_dma source(%dma_start3A_112 : memref<10000x128xf32, #tpu.memory_space<hbm>>) target(%arg8 : memref<128x128xf32, #tpu.memory_space<vmem>>) offsets(%dma_start3A_109 : memref<128xi32, #tpu.memory_space<vmem>>) semaphore(%arg11 : memref<!tpu.dma_semaphore, #tpu.memory_space<semaphore_mem>>)
      %dma_wait3A_113 = arith.constant 0 : i32
      %dma_wait3A_114 = arith.constant 0 : i32
      %dma_wait3A_115 = arith.constant 0 : i32
      %dma_wait3A_116 = tpu.memref_slice %arg6[%dma_wait3A_113, %dma_wait3A_114, %dma_wait3A_115] : memref<2x2x128xi32, #tpu.memory_space<vmem>> -> memref<1x1x128xi32, #tpu.memory_space<vmem>>
      %dma_wait3A_117 = tpu.memref_squeeze %dma_wait3A_116 : memref<1x1x128xi32, #tpu.memory_space<vmem>> -> memref<128xi32, #tpu.memory_space<vmem>>
      %dma_wait3A_118 = arith.constant 0 : i32
      %dma_wait3A_119 = arith.constant 0 : i32
      %dma_wait3A_120 = tpu.memref_slice %arg2[%dma_wait3A_118, %dma_wait3A_119] : memref<10000x128xf32, #tpu.memory_space<hbm>> -> memref<10000x128xf32, #tpu.memory_space<hbm>>
      tpu.wait_indirect_dma semaphore(%arg10 : memref<!tpu.dma_semaphore, #tpu.memory_space<semaphore_mem>>) src(%dma_wait3A_120 : memref<10000x128xf32, #tpu.memory_space<hbm>>) dst(%arg7 : memref<128x128xf32, #tpu.memory_space<vmem>>)
      %run_scoped3A_121 = arith.constant 0 : i32
      %run_scoped3A_122 = arith.constant 1 : i32
      "tpu.region"() ({
        %run_scoped3A_143 = tpu.sem_alloc : memref<!tpu.dma_semaphore, #tpu.memory_space<semaphore_mem>>
        %dma_start3A_144 = arith.constant 0 : i32
        %dma_start3A_145 = tpu.memref_slice %arg6[%run_scoped3A_121, %run_scoped3A_122, %dma_start3A_144] : memref<2x2x128xi32, #tpu.memory_space<vmem>> -> memref<1x1x128xi32, #tpu.memory_space<vmem>>
        %dma_start3A_146 = tpu.memref_squeeze %dma_start3A_145 : memref<1x1x128xi32, #tpu.memory_space<vmem>> -> memref<128xi32, #tpu.memory_space<vmem>>
        %dma_start3A_147 = arith.constant 0 : i32
        %dma_start3A_148 = arith.constant 0 : i32
        %dma_start3A_149 = tpu.memref_slice %arg9[%dma_start3A_147, %dma_start3A_148] : memref<10240x128xf32, #tpu.memory_space<vmem_shared>> -> memref<10240x128xf32, #tpu.memory_space<vmem_shared>>
        tpu.enqueue_indirect_dma source(%arg7 : memref<128x128xf32, #tpu.memory_space<vmem>>) target(%dma_start3A_149 : memref<10240x128xf32, #tpu.memory_space<vmem_shared>>) offsets(%dma_start3A_146 : memref<128xi32, #tpu.memory_space<vmem>>) semaphore(%run_scoped3A_143 : memref<!tpu.dma_semaphore, #tpu.memory_space<semaphore_mem>>) {add = true}
        %dma_wait3A_150 = arith.constant 0 : i32
        %dma_wait3A_151 = tpu.memref_slice %arg6[%run_scoped3A_121, %run_scoped3A_122, %dma_wait3A_150] : memref<2x2x128xi32, #tpu.memory_space<vmem>> -> memref<1x1x128xi32, #tpu.memory_space<vmem>>
        %dma_wait3A_152 = tpu.memref_squeeze %dma_wait3A_151 : memref<1x1x128xi32, #tpu.memory_space<vmem>> -> memref<128xi32, #tpu.memory_space<vmem>>
        %dma_wait3A_153 = arith.constant 0 : i32
        %dma_wait3A_154 = arith.constant 0 : i32
        %dma_wait3A_155 = tpu.memref_slice %arg9[%dma_wait3A_153, %dma_wait3A_154] : memref<10240x128xf32, #tpu.memory_space<vmem_shared>> -> memref<10240x128xf32, #tpu.memory_space<vmem_shared>>
        tpu.wait_indirect_dma semaphore(%run_scoped3A_143 : memref<!tpu.dma_semaphore, #tpu.memory_space<semaphore_mem>>) src(%arg7 : memref<128x128xf32, #tpu.memory_space<vmem>>) dst(%dma_wait3A_155 : memref<10240x128xf32, #tpu.memory_space<vmem_shared>>)
        tpu.yield
      }) : () -> ()
      %lt3A_123 = arith.constant 19 : i32
      %lt3A_124 = arith.cmpi slt, %scan3A_58, %lt3A_123 : i32
      %convert_element_type3A_125 = arith.extui %lt3A_124 : i1 to i32
      %cond3A_126 = arith.constant 0 : i32
      %cond3A_127 = arith.cmpi ne, %convert_element_type3A_125, %cond3A_126 : i32
      scf.if %cond3A_127 {
        %dma_wait3A_143 = arith.constant 0 : i32
        %dma_wait3A_144 = arith.constant 0 : i32
        %dma_wait3A_145 = arith.constant 0 : i32
        %dma_wait3A_146 = tpu.memref_slice %arg3[%mul3A_2, %dma_wait3A_143, %dma_wait3A_144, %dma_wait3A_145] : memref<1280x2x2x128xi32, #tpu.memory_space<hbm>> -> memref<1x2x2x128xi32, #tpu.memory_space<hbm>>
        %dma_wait3A_147 = tpu.memref_squeeze %dma_wait3A_146 : memref<1x2x2x128xi32, #tpu.memory_space<hbm>> -> memref<2x2x128xi32, #tpu.memory_space<hbm>>
        %dma_wait3A_148 = arith.constant 0 : i32
        %dma_wait3A_149 = arith.constant 0 : i32
        %dma_wait3A_150 = arith.constant 0 : i32
        %dma_wait3A_151 = tpu.memref_slice %arg3[%mul3A_2, %dma_wait3A_148, %dma_wait3A_149, %dma_wait3A_150] : memref<1280x2x2x128xi32, #tpu.memory_space<hbm>> -> memref<1x2x2x128xi32, #tpu.memory_space<hbm>>
        %dma_wait3A_152 = tpu.memref_squeeze %dma_wait3A_151 : memref<1x2x2x128xi32, #tpu.memory_space<hbm>> -> memref<2x2x128xi32, #tpu.memory_space<hbm>>
        tpu.wait_dma2 semaphore(%arg12 : memref<!tpu.dma_semaphore, #tpu.memory_space<semaphore_mem>>) src(%dma_wait3A_152 : memref<2x2x128xi32, #tpu.memory_space<hbm>>) dst(%arg5 : memref<2x2x128xi32, #tpu.memory_space<vmem>>)
        %dma_start3A_153 = arith.constant 0 : i32
        %dma_start3A_154 = arith.constant 0 : i32
        %dma_start3A_155 = arith.constant 0 : i32
        %dma_start3A_156 = tpu.memref_slice %arg5[%dma_start3A_153, %dma_start3A_154, %dma_start3A_155] : memref<2x2x128xi32, #tpu.memory_space<vmem>> -> memref<1x1x128xi32, #tpu.memory_space<vmem>>
        %dma_start3A_157 = tpu.memref_squeeze %dma_start3A_156 : memref<1x1x128xi32, #tpu.memory_space<vmem>> -> memref<128xi32, #tpu.memory_space<vmem>>
        %dma_start3A_158 = arith.constant 0 : i32
        %dma_start3A_159 = arith.constant 0 : i32
        %dma_start3A_160 = tpu.memref_slice %arg2[%dma_start3A_158, %dma_start3A_159] : memref<10000x128xf32, #tpu.memory_space<hbm>> -> memref<10000x128xf32, #tpu.memory_space<hbm>>
        tpu.enqueue_indirect_dma source(%dma_start3A_160 : memref<10000x128xf32, #tpu.memory_space<hbm>>) target(%arg7 : memref<128x128xf32, #tpu.memory_space<vmem>>) offsets(%dma_start3A_157 : memref<128xi32, #tpu.memory_space<vmem>>) semaphore(%arg10 : memref<!tpu.dma_semaphore, #tpu.memory_space<semaphore_mem>>)
      } else {
      }
      %dma_wait3A_128 = arith.constant 1 : i32
      %dma_wait3A_129 = arith.constant 0 : i32
      %dma_wait3A_130 = arith.constant 0 : i32
      %dma_wait3A_131 = tpu.memref_slice %arg6[%dma_wait3A_128, %dma_wait3A_129, %dma_wait3A_130] : memref<2x2x128xi32, #tpu.memory_space<vmem>> -> memref<1x1x128xi32, #tpu.memory_space<vmem>>
      %dma_wait3A_132 = tpu.memref_squeeze %dma_wait3A_131 : memref<1x1x128xi32, #tpu.memory_space<vmem>> -> memref<128xi32, #tpu.memory_space<vmem>>
      %dma_wait3A_133 = arith.constant 0 : i32
      %dma_wait3A_134 = arith.constant 0 : i32
      %dma_wait3A_135 = tpu.memref_slice %arg2[%dma_wait3A_133, %dma_wait3A_134] : memref<10000x128xf32, #tpu.memory_space<hbm>> -> memref<10000x128xf32, #tpu.memory_space<hbm>>
      tpu.wait_indirect_dma semaphore(%arg11 : memref<!tpu.dma_semaphore, #tpu.memory_space<semaphore_mem>>) src(%dma_wait3A_135 : memref<10000x128xf32, #tpu.memory_space<hbm>>) dst(%arg8 : memref<128x128xf32, #tpu.memory_space<vmem>>)
      %run_scoped3A_136 = arith.constant 1 : i32
      %run_scoped3A_137 = arith.constant 1 : i32
      "tpu.region"() ({
        %run_scoped3A_143 = tpu.sem_alloc : memref<!tpu.dma_semaphore, #tpu.memory_space<semaphore_mem>>
        %dma_start3A_144 = arith.constant 0 : i32
        %dma_start3A_145 = tpu.memref_slice %arg6[%run_scoped3A_136, %run_scoped3A_137, %dma_start3A_144] : memref<2x2x128xi32, #tpu.memory_space<vmem>> -> memref<1x1x128xi32, #tpu.memory_space<vmem>>
        %dma_start3A_146 = tpu.memref_squeeze %dma_start3A_145 : memref<1x1x128xi32, #tpu.memory_space<vmem>> -> memref<128xi32, #tpu.memory_space<vmem>>
        %dma_start3A_147 = arith.constant 0 : i32
        %dma_start3A_148 = arith.constant 0 : i32
        %dma_start3A_149 = tpu.memref_slice %arg9[%dma_start3A_147, %dma_start3A_148] : memref<10240x128xf32, #tpu.memory_space<vmem_shared>> -> memref<10240x128xf32, #tpu.memory_space<vmem_shared>>
        tpu.enqueue_indirect_dma source(%arg8 : memref<128x128xf32, #tpu.memory_space<vmem>>) target(%dma_start3A_149 : memref<10240x128xf32, #tpu.memory_space<vmem_shared>>) offsets(%dma_start3A_146 : memref<128xi32, #tpu.memory_space<vmem>>) semaphore(%run_scoped3A_143 : memref<!tpu.dma_semaphore, #tpu.memory_space<semaphore_mem>>) {add = true}
        %dma_wait3A_150 = arith.constant 0 : i32
        %dma_wait3A_151 = tpu.memref_slice %arg6[%run_scoped3A_136, %run_scoped3A_137, %dma_wait3A_150] : memref<2x2x128xi32, #tpu.memory_space<vmem>> -> memref<1x1x128xi32, #tpu.memory_space<vmem>>
        %dma_wait3A_152 = tpu.memref_squeeze %dma_wait3A_151 : memref<1x1x128xi32, #tpu.memory_space<vmem>> -> memref<128xi32, #tpu.memory_space<vmem>>
        %dma_wait3A_153 = arith.constant 0 : i32
        %dma_wait3A_154 = arith.constant 0 : i32
        %dma_wait3A_155 = tpu.memref_slice %arg9[%dma_wait3A_153, %dma_wait3A_154] : memref<10240x128xf32, #tpu.memory_space<vmem_shared>> -> memref<10240x128xf32, #tpu.memory_space<vmem_shared>>
        tpu.wait_indirect_dma semaphore(%run_scoped3A_143 : memref<!tpu.dma_semaphore, #tpu.memory_space<semaphore_mem>>) src(%arg8 : memref<128x128xf32, #tpu.memory_space<vmem>>) dst(%dma_wait3A_155 : memref<10240x128xf32, #tpu.memory_space<vmem_shared>>)
        tpu.yield
      }) : () -> ()
      %lt3A_138 = arith.constant 19 : i32
      %lt3A_139 = arith.cmpi slt, %scan3A_58, %lt3A_138 : i32
      %convert_element_type3A_140 = arith.extui %lt3A_139 : i1 to i32
      %cond3A_141 = arith.constant 0 : i32
      %cond3A_142 = arith.cmpi ne, %convert_element_type3A_140, %cond3A_141 : i32
      scf.if %cond3A_142 {
        %mul3A_143 = arith.constant 2 : i32
        %mul3A_144 = arith.muli %mul3A_143, %scan3A_58 : i32
        %add3A_145 = arith.addi %mul3A_2, %mul3A_144 : i32
        %add3A_146 = arith.constant 3 : i32
        %add3A_147 = arith.addi %add3A_145, %add3A_146 : i32
        %dma_start3A_148 = arith.constant 0 : i32
        %dma_start3A_149 = arith.constant 0 : i32
        %dma_start3A_150 = arith.constant 0 : i32
        %dma_start3A_151 = tpu.memref_slice %arg3[%add3A_147, %dma_start3A_148, %dma_start3A_149, %dma_start3A_150] : memref<1280x2x2x128xi32, #tpu.memory_space<hbm>> -> memref<1x2x2x128xi32, #tpu.memory_space<hbm>>
        %dma_start3A_152 = tpu.memref_squeeze %dma_start3A_151 : memref<1x2x2x128xi32, #tpu.memory_space<hbm>> -> memref<2x2x128xi32, #tpu.memory_space<hbm>>
        %dma_start3A_153 = arith.constant 0 : i32
        %dma_start3A_154 = arith.constant 0 : i32
        %dma_start3A_155 = arith.constant 0 : i32
        %dma_start3A_156 = tpu.memref_slice %arg3[%add3A_147, %dma_start3A_153, %dma_start3A_154, %dma_start3A_155] : memref<1280x2x2x128xi32, #tpu.memory_space<hbm>> -> memref<1x2x2x128xi32, #tpu.memory_space<hbm>>
        %dma_start3A_157 = tpu.memref_squeeze %dma_start3A_156 : memref<1x2x2x128xi32, #tpu.memory_space<hbm>> -> memref<2x2x128xi32, #tpu.memory_space<hbm>>
        tpu.enqueue_dma source(%dma_start3A_157 : memref<2x2x128xi32, #tpu.memory_space<hbm>>) target(%arg6 : memref<2x2x128xi32, #tpu.memory_space<vmem>>) target_semaphore(%arg13 : memref<!tpu.dma_semaphore, #tpu.memory_space<semaphore_mem>>)
      } else {
      }
    }
    %scan3A_52 = arith.constant 20 : i32
    %barrier3A_53 = arith.constant 0 : index
    tpu.barrier barrier_id(%barrier3A_53)
    %mul3A_54 = arith.constant 640 : i32
    %mul3A_55 = arith.muli %arg1, %mul3A_54 : i32
    %mul3A_56 = arith.constant 640 : i32
    %mul3A_57 = arith.muli %arg1, %mul3A_56 : i32
    "tpu.region"() ({
      %run_scoped3A = tpu.sem_alloc : memref<!tpu.dma_semaphore, #tpu.memory_space<semaphore_mem>>
      %dma_start3A_58 = arith.constant 0 : i32
      %dma_start3A_59 = arith.constant 0 : i32
      %dma_start3A_60 = tpu.memref_slice %arg4[%arg0, %dma_start3A_58, %dma_start3A_59] : memref<2x10240x128xf32, #tpu.memory_space<hbm>> -> memref<1x10240x128xf32, #tpu.memory_space<hbm>>
      %dma_start3A_61 = tpu.memref_squeeze %dma_start3A_60 : memref<1x10240x128xf32, #tpu.memory_space<hbm>> -> memref<10240x128xf32, #tpu.memory_space<hbm>>
      %dma_start3A_62 = arith.constant 0 : i32
      %dma_start3A_63 = tpu.memref_slice %dma_start3A_61[%mul3A_57, %dma_start3A_62] : memref<10240x128xf32, #tpu.memory_space<hbm>> -> memref<640x128xf32, #tpu.memory_space<hbm>>
      %dma_start3A_64 = arith.constant 0 : i32
      %dma_start3A_65 = tpu.memref_slice %arg9[%mul3A_55, %dma_start3A_64] : memref<10240x128xf32, #tpu.memory_space<vmem_shared>> -> memref<640x128xf32, #tpu.memory_space<vmem_shared>>
      tpu.enqueue_dma source(%dma_start3A_65 : memref<640x128xf32, #tpu.memory_space<vmem_shared>>) target(%dma_start3A_63 : memref<640x128xf32, #tpu.memory_space<hbm>>) target_semaphore(%run_scoped3A : memref<!tpu.dma_semaphore, #tpu.memory_space<semaphore_mem>>)
      %dma_wait3A = arith.constant 0 : i32
      %dma_wait3A_66 = arith.constant 0 : i32
      %dma_wait3A_67 = tpu.memref_slice %arg4[%arg0, %dma_wait3A, %dma_wait3A_66] : memref<2x10240x128xf32, #tpu.memory_space<hbm>> -> memref<1x10240x128xf32, #tpu.memory_space<hbm>>
      %dma_wait3A_68 = tpu.memref_squeeze %dma_wait3A_67 : memref<1x10240x128xf32, #tpu.memory_space<hbm>> -> memref<10240x128xf32, #tpu.memory_space<hbm>>
      %dma_wait3A_69 = arith.constant 0 : i32
      %dma_wait3A_70 = tpu.memref_slice %dma_wait3A_68[%mul3A_57, %dma_wait3A_69] : memref<10240x128xf32, #tpu.memory_space<hbm>> -> memref<640x128xf32, #tpu.memory_space<hbm>>
      %dma_wait3A_71 = arith.constant 0 : i32
      %dma_wait3A_72 = tpu.memref_slice %arg9[%mul3A_55, %dma_wait3A_71] : memref<10240x128xf32, #tpu.memory_space<vmem_shared>> -> memref<640x128xf32, #tpu.memory_space<vmem_shared>>
      tpu.wait_dma2 semaphore(%run_scoped3A : memref<!tpu.dma_semaphore, #tpu.memory_space<semaphore_mem>>) src(%dma_wait3A_72 : memref<640x128xf32, #tpu.memory_space<vmem_shared>>) dst(%dma_wait3A_70 : memref<640x128xf32, #tpu.memory_space<hbm>>)
      tpu.yield
    }) : () -> ()
    return
  }
}

#map = affine_map<(d0, d1) -> (0, 0)>
#map1 = affine_map<(d0, d1) -> (0, 0, 0, 0)>
#map2 = affine_map<(d0, d1) -> (0, 0, 0)>
module attributes {stable_mosaic.version = 14 : i64} {
  func.func @_scatter_kernel(%arg0: i32, %arg1: i32, %arg2: memref<10000x128xf32, #tpu.memory_space<hbm>>, %arg3: memref<1280x2x2x128xi32, #tpu.memory_space<hbm>>, %arg4: memref<2x10240x128xf32, #tpu.memory_space<hbm>>, %arg5: memref<2x2x128xi32, #tpu.memory_space<vmem>>, %arg6: memref<2x2x128xi32, #tpu.memory_space<vmem>>, %arg7: memref<128x128xf32, #tpu.memory_space<vmem>>, %arg8: memref<128x128xf32, #tpu.memory_space<vmem>>, %arg9: memref<10240x128xf32, #tpu.memory_space<vmem_shared>>, %arg10: memref<!tpu.dma_semaphore, #tpu.memory_space<semaphore_mem>>, %arg11: memref<!tpu.dma_semaphore, #tpu.memory_space<semaphore_mem>>, %arg12: memref<!tpu.dma_semaphore, #tpu.memory_space<semaphore_mem>>, %arg13: memref<!tpu.dma_semaphore, #tpu.memory_space<semaphore_mem>>) attributes {dimension_semantics = [#tpu.dimension_semantics<core_parallel>, #tpu.dimension_semantics<subcore_parallel>], iteration_bounds = array<i64: 2, 16>, scalar_prefetch = 0 : i64, scratch_operands = 9 : i64, tpu.core_type = #tpu.core_type<sc_vector_subcore>, window_params = [{transform_indices = #map}, {transform_indices = #map1}, {transform_indices = #map2}]} {
    %mul3A = arith.constant 2 : i32
    %mul3A_0 = arith.muli %arg1, %mul3A : i32
    %add3A = arith.addi %mul3A_0, %arg0 : i32
    %mul3A_1 = arith.constant 40 : i32
    %mul3A_2 = arith.muli %add3A, %mul3A_1 : i32
    %scan3A = arith.constant 0 : i32
    %scan3A_3 = arith.constant 0 : i32
    %scan3A_4 = arith.constant 128 : i32
    %scan3A_5 = arith.addi %scan3A_3, %scan3A_4 : i32
    %scan3A_6 = arith.constant 1 : i32
    scf.for %scan3A_58 = %scan3A_3 to %scan3A_5 step %scan3A_6  : i32 {
      %broadcast_in_dim3A = arith.constant 0.000000e+00 : f32
      %broadcast_in_dim3A_59 = vector.broadcast %broadcast_in_dim3A : f32 to vector<16xf32>
      %swap3A = arith.index_cast %scan3A_58 : i32 to index
      %swap3A_60 = arith.constant 0 : index
      %swap3A_61 = tpu.vector_load %arg7[%swap3A, %swap3A_60] {strides = array<i32>} : memref<128x128xf32, #tpu.memory_space<vmem>>, vector<1x16xf32>,
      %swap3A_62 = vector.shape_cast %swap3A_61 : vector<1x16xf32> to vector<16xf32>
      %swap3A_63 = vector.shape_cast %broadcast_in_dim3A_59 : vector<16xf32> to vector<1x16xf32>
      tpu.vector_store %arg7[%swap3A, %swap3A_60], %swap3A_63 {strides = array<i32>} : memref<128x128xf32, #tpu.memory_space<vmem>>, vector<1x16xf32>,
      %broadcast_in_dim3A_64 = arith.constant 0.000000e+00 : f32
      %broadcast_in_dim3A_65 = vector.broadcast %broadcast_in_dim3A_64 : f32 to vector<16xf32>
      %swap3A_66 = arith.index_cast %scan3A_58 : i32 to index
      %swap3A_67 = arith.constant 16 : index
      %swap3A_68 = tpu.vector_load %arg7[%swap3A_66, %swap3A_67] {strides = array<i32>} : memref<128x128xf32, #tpu.memory_space<vmem>>, vector<1x16xf32>,
      %swap3A_69 = vector.shape_cast %swap3A_68 : vector<1x16xf32> to vector<16xf32>
      %swap3A_70 = vector.shape_cast %broadcast_in_dim3A_65 : vector<16xf32> to vector<1x16xf32>
      tpu.vector_store %arg7[%swap3A_66, %swap3A_67], %swap3A_70 {strides = array<i32>} : memref<128x128xf32, #tpu.memory_space<vmem>>, vector<1x16xf32>,
      %broadcast_in_dim3A_71 = arith.constant 0.000000e+00 : f32
      %broadcast_in_dim3A_72 = vector.broadcast %broadcast_in_dim3A_71 : f32 to vector<16xf32>
      %swap3A_73 = arith.index_cast %scan3A_58 : i32 to index
      %swap3A_74 = arith.constant 32 : index
      %swap3A_75 = tpu.vector_load %arg7[%swap3A_73, %swap3A_74] {strides = array<i32>} : memref<128x128xf32, #tpu.memory_space<vmem>>, vector<1x16xf32>,
      %swap3A_76 = vector.shape_cast %swap3A_75 : vector<1x16xf32> to vector<16xf32>
      %swap3A_77 = vector.shape_cast %broadcast_in_dim3A_72 : vector<16xf32> to vector<1x16xf32>
      tpu.vector_store %arg7[%swap3A_73, %swap3A_74], %swap3A_77 {strides = array<i32>} : memref<128x128xf32, #tpu.memory_space<vmem>>, vector<1x16xf32>,
      %broadcast_in_dim3A_78 = arith.constant 0.000000e+00 : f32
      %broadcast_in_dim3A_79 = vector.broadcast %broadcast_in_dim3A_78 : f32 to vector<16xf32>
      %swap3A_80 = arith.index_cast %scan3A_58 : i32 to index
      %swap3A_81 = arith.constant 48 : index
      %swap3A_82 = tpu.vector_load %arg7[%swap3A_80, %swap3A_81] {strides = array<i32>} : memref<128x128xf32, #tpu.memory_space<vmem>>, vector<1x16xf32>,
      %swap3A_83 = vector.shape_cast %swap3A_82 : vector<1x16xf32> to vector<16xf32>
      %swap3A_84 = vector.shape_cast %broadcast_in_dim3A_79 : vector<16xf32> to vector<1x16xf32>
      tpu.vector_store %arg7[%swap3A_80, %swap3A_81], %swap3A_84 {strides = array<i32>} : memref<128x128xf32, #tpu.memory_space<vmem>>, vector<1x16xf32>,
      %broadcast_in_dim3A_85 = arith.constant 0.000000e+00 : f32
      %broadcast_in_dim3A_86 = vector.broadcast %broadcast_in_dim3A_85 : f32 to vector<16xf32>
      %swap3A_87 = arith.index_cast %scan3A_58 : i32 to index
      %swap3A_88 = arith.constant 64 : index
      %swap3A_89 = tpu.vector_load %arg7[%swap3A_87, %swap3A_88] {strides = array<i32>} : memref<128x128xf32, #tpu.memory_space<vmem>>, vector<1x16xf32>,
      %swap3A_90 = vector.shape_cast %swap3A_89 : vector<1x16xf32> to vector<16xf32>
      %swap3A_91 = vector.shape_cast %broadcast_in_dim3A_86 : vector<16xf32> to vector<1x16xf32>
      tpu.vector_store %arg7[%swap3A_87, %swap3A_88], %swap3A_91 {strides = array<i32>} : memref<128x128xf32, #tpu.memory_space<vmem>>, vector<1x16xf32>,
      %broadcast_in_dim3A_92 = arith.constant 0.000000e+00 : f32
      %broadcast_in_dim3A_93 = vector.broadcast %broadcast_in_dim3A_92 : f32 to vector<16xf32>
      %swap3A_94 = arith.index_cast %scan3A_58 : i32 to index
      %swap3A_95 = arith.constant 80 : index
      %swap3A_96 = tpu.vector_load %arg7[%swap3A_94, %swap3A_95] {strides = array<i32>} : memref<128x128xf32, #tpu.memory_space<vmem>>, vector<1x16xf32>,
      %swap3A_97 = vector.shape_cast %swap3A_96 : vector<1x16xf32> to vector<16xf32>
      %swap3A_98 = vector.shape_cast %broadcast_in_dim3A_93 : vector<16xf32> to vector<1x16xf32>
      tpu.vector_store %arg7[%swap3A_94, %swap3A_95], %swap3A_98 {strides = array<i32>} : memref<128x128xf32, #tpu.memory_space<vmem>>, vector<1x16xf32>,
      %broadcast_in_dim3A_99 = arith.constant 0.000000e+00 : f32
      %broadcast_in_dim3A_100 = vector.broadcast %broadcast_in_dim3A_99 : f32 to vector<16xf32>
      %swap3A_101 = arith.index_cast %scan3A_58 : i32 to index
      %swap3A_102 = arith.constant 96 : index
      %swap3A_103 = tpu.vector_load %arg7[%swap3A_101, %swap3A_102] {strides = array<i32>} : memref<128x128xf32, #tpu.memory_space<vmem>>, vector<1x16xf32>,
      %swap3A_104 = vector.shape_cast %swap3A_103 : vector<1x16xf32> to vector<16xf32>
      %swap3A_105 = vector.shape_cast %broadcast_in_dim3A_100 : vector<16xf32> to vector<1x16xf32>
      tpu.vector_store %arg7[%swap3A_101, %swap3A_102], %swap3A_105 {strides = array<i32>} : memref<128x128xf32, #tpu.memory_space<vmem>>, vector<1x16xf32>,
      %broadcast_in_dim3A_106 = arith.constant 0.000000e+00 : f32
      %broadcast_in_dim3A_107 = vector.broadcast %broadcast_in_dim3A_106 : f32 to vector<16xf32>
      %swap3A_108 = arith.index_cast %scan3A_58 : i32 to index
      %swap3A_109 = arith.constant 112 : index
      %swap3A_110 = tpu.vector_load %arg7[%swap3A_108, %swap3A_109] {strides = array<i32>} : memref<128x128xf32, #tpu.memory_space<vmem>>, vector<1x16xf32>,
      %swap3A_111 = vector.shape_cast %swap3A_110 : vector<1x16xf32> to vector<16xf32>
      %swap3A_112 = vector.shape_cast %broadcast_in_dim3A_107 : vector<16xf32> to vector<1x16xf32>
      tpu.vector_store %arg7[%swap3A_108, %swap3A_109], %swap3A_112 {strides = array<i32>} : memref<128x128xf32, #tpu.memory_space<vmem>>, vector<1x16xf32>,
    }
    %scan3A_7 = arith.constant 128 : i32
    %mul3A_8 = arith.constant 640 : i32
    %mul3A_9 = arith.muli %arg1, %mul3A_8 : i32
    %add3A_10 = arith.constant 0 : i32
    %add3A_11 = arith.addi %mul3A_9, %add3A_10 : i32
    "tpu.region"() ({
      %run_scoped3A = tpu.sem_alloc : memref<!tpu.dma_semaphore, #tpu.memory_space<semaphore_mem>>
      %dma_start3A_58 = arith.constant 0 : i32
      %dma_start3A_59 = tpu.memref_slice %arg9[%add3A_11, %dma_start3A_58] : memref<10240x128xf32, #tpu.memory_space<vmem_shared>> -> memref<128x128xf32, #tpu.memory_space<vmem_shared>>
      %dma_start3A_60 = arith.constant 0 : i32
      %dma_start3A_61 = tpu.memref_slice %arg9[%add3A_11, %dma_start3A_60] : memref<10240x128xf32, #tpu.memory_space<vmem_shared>> -> memref<128x128xf32, #tpu.memory_space<vmem_shared>>
      tpu.enqueue_dma source(%arg7 : memref<128x128xf32, #tpu.memory_space<vmem>>) target(%dma_start3A_61 : memref<128x128xf32, #tpu.memory_space<vmem_shared>>) target_semaphore(%run_scoped3A : memref<!tpu.dma_semaphore, #tpu.memory_space<semaphore_mem>>)
      %dma_wait3A = arith.constant 0 : i32
      %dma_wait3A_62 = tpu.memref_slice %arg9[%add3A_11, %dma_wait3A] : memref<10240x128xf32, #tpu.memory_space<vmem_shared>> -> memref<128x128xf32, #tpu.memory_space<vmem_shared>>
      %dma_wait3A_63 = arith.constant 0 : i32
      %dma_wait3A_64 = tpu.memref_slice %arg9[%add3A_11, %dma_wait3A_63] : memref<10240x128xf32, #tpu.memory_space<vmem_shared>> -> memref<128x128xf32, #tpu.memory_space<vmem_shared>>
      tpu.wait_dma2 semaphore(%run_scoped3A : memref<!tpu.dma_semaphore, #tpu.memory_space<semaphore_mem>>) src(%arg7 : memref<128x128xf32, #tpu.memory_space<vmem>>) dst(%dma_wait3A_64 : memref<128x128xf32, #tpu.memory_space<vmem_shared>>)
      tpu.yield
    }) : () -> ()
    %mul3A_12 = arith.constant 640 : i32
    %mul3A_13 = arith.muli %arg1, %mul3A_12 : i32
    %add3A_14 = arith.constant 128 : i32
    %add3A_15 = arith.addi %mul3A_13, %add3A_14 : i32
    "tpu.region"() ({
      %run_scoped3A = tpu.sem_alloc : memref<!tpu.dma_semaphore, #tpu.memory_space<semaphore_mem>>
      %dma_start3A_58 = arith.constant 0 : i32
      %dma_start3A_59 = tpu.memref_slice %arg9[%add3A_15, %dma_start3A_58] : memref<10240x128xf32, #tpu.memory_space<vmem_shared>> -> memref<128x128xf32, #tpu.memory_space<vmem_shared>>
      %dma_start3A_60 = arith.constant 0 : i32
      %dma_start3A_61 = tpu.memref_slice %arg9[%add3A_15, %dma_start3A_60] : memref<10240x128xf32, #tpu.memory_space<vmem_shared>> -> memref<128x128xf32, #tpu.memory_space<vmem_shared>>
      tpu.enqueue_dma source(%arg7 : memref<128x128xf32, #tpu.memory_space<vmem>>) target(%dma_start3A_61 : memref<128x128xf32, #tpu.memory_space<vmem_shared>>) target_semaphore(%run_scoped3A : memref<!tpu.dma_semaphore, #tpu.memory_space<semaphore_mem>>)
      %dma_wait3A = arith.constant 0 : i32
      %dma_wait3A_62 = tpu.memref_slice %arg9[%add3A_15, %dma_wait3A] : memref<10240x128xf32, #tpu.memory_space<vmem_shared>> -> memref<128x128xf32, #tpu.memory_space<vmem_shared>>
      %dma_wait3A_63 = arith.constant 0 : i32
      %dma_wait3A_64 = tpu.memref_slice %arg9[%add3A_15, %dma_wait3A_63] : memref<10240x128xf32, #tpu.memory_space<vmem_shared>> -> memref<128x128xf32, #tpu.memory_space<vmem_shared>>
      tpu.wait_dma2 semaphore(%run_scoped3A : memref<!tpu.dma_semaphore, #tpu.memory_space<semaphore_mem>>) src(%arg7 : memref<128x128xf32, #tpu.memory_space<vmem>>) dst(%dma_wait3A_64 : memref<128x128xf32, #tpu.memory_space<vmem_shared>>)
      tpu.yield
    }) : () -> ()
    %mul3A_16 = arith.constant 640 : i32
    %mul3A_17 = arith.muli %arg1, %mul3A_16 : i32
    %add3A_18 = arith.constant 256 : i32
    %add3A_19 = arith.addi %mul3A_17, %add3A_18 : i32
    "tpu.region"() ({
      %run_scoped3A = tpu.sem_alloc : memref<!tpu.dma_semaphore, #tpu.memory_space<semaphore_mem>>
      %dma_start3A_58 = arith.constant 0 : i32
      %dma_start3A_59 = tpu.memref_slice %arg9[%add3A_19, %dma_start3A_58] : memref<10240x128xf32, #tpu.memory_space<vmem_shared>> -> memref<128x128xf32, #tpu.memory_space<vmem_shared>>
      %dma_start3A_60 = arith.constant 0 : i32
      %dma_start3A_61 = tpu.memref_slice %arg9[%add3A_19, %dma_start3A_60] : memref<10240x128xf32, #tpu.memory_space<vmem_shared>> -> memref<128x128xf32, #tpu.memory_space<vmem_shared>>
      tpu.enqueue_dma source(%arg7 : memref<128x128xf32, #tpu.memory_space<vmem>>) target(%dma_start3A_61 : memref<128x128xf32, #tpu.memory_space<vmem_shared>>) target_semaphore(%run_scoped3A : memref<!tpu.dma_semaphore, #tpu.memory_space<semaphore_mem>>)
      %dma_wait3A = arith.constant 0 : i32
      %dma_wait3A_62 = tpu.memref_slice %arg9[%add3A_19, %dma_wait3A] : memref<10240x128xf32, #tpu.memory_space<vmem_shared>> -> memref<128x128xf32, #tpu.memory_space<vmem_shared>>
      %dma_wait3A_63 = arith.constant 0 : i32
      %dma_wait3A_64 = tpu.memref_slice %arg9[%add3A_19, %dma_wait3A_63] : memref<10240x128xf32, #tpu.memory_space<vmem_shared>> -> memref<128x128xf32, #tpu.memory_space<vmem_shared>>
      tpu.wait_dma2 semaphore(%run_scoped3A : memref<!tpu.dma_semaphore, #tpu.memory_space<semaphore_mem>>) src(%arg7 : memref<128x128xf32, #tpu.memory_space<vmem>>) dst(%dma_wait3A_64 : memref<128x128xf32, #tpu.memory_space<vmem_shared>>)
      tpu.yield
    }) : () -> ()
    %mul3A_20 = arith.constant 640 : i32
    %mul3A_21 = arith.muli %arg1, %mul3A_20 : i32
    %add3A_22 = arith.constant 384 : i32
    %add3A_23 = arith.addi %mul3A_21, %add3A_22 : i32
    "tpu.region"() ({
      %run_scoped3A = tpu.sem_alloc : memref<!tpu.dma_semaphore, #tpu.memory_space<semaphore_mem>>
      %dma_start3A_58 = arith.constant 0 : i32
      %dma_start3A_59 = tpu.memref_slice %arg9[%add3A_23, %dma_start3A_58] : memref<10240x128xf32, #tpu.memory_space<vmem_shared>> -> memref<128x128xf32, #tpu.memory_space<vmem_shared>>
      %dma_start3A_60 = arith.constant 0 : i32
      %dma_start3A_61 = tpu.memref_slice %arg9[%add3A_23, %dma_start3A_60] : memref<10240x128xf32, #tpu.memory_space<vmem_shared>> -> memref<128x128xf32, #tpu.memory_space<vmem_shared>>
      tpu.enqueue_dma source(%arg7 : memref<128x128xf32, #tpu.memory_space<vmem>>) target(%dma_start3A_61 : memref<128x128xf32, #tpu.memory_space<vmem_shared>>) target_semaphore(%run_scoped3A : memref<!tpu.dma_semaphore, #tpu.memory_space<semaphore_mem>>)
      %dma_wait3A = arith.constant 0 : i32
      %dma_wait3A_62 = tpu.memref_slice %arg9[%add3A_23, %dma_wait3A] : memref<10240x128xf32, #tpu.memory_space<vmem_shared>> -> memref<128x128xf32, #tpu.memory_space<vmem_shared>>
      %dma_wait3A_63 = arith.constant 0 : i32
      %dma_wait3A_64 = tpu.memref_slice %arg9[%add3A_23, %dma_wait3A_63] : memref<10240x128xf32, #tpu.memory_space<vmem_shared>> -> memref<128x128xf32, #tpu.memory_space<vmem_shared>>
      tpu.wait_dma2 semaphore(%run_scoped3A : memref<!tpu.dma_semaphore, #tpu.memory_space<semaphore_mem>>) src(%arg7 : memref<128x128xf32, #tpu.memory_space<vmem>>) dst(%dma_wait3A_64 : memref<128x128xf32, #tpu.memory_space<vmem_shared>>)
      tpu.yield
    }) : () -> ()
    %mul3A_24 = arith.constant 640 : i32
    %mul3A_25 = arith.muli %arg1, %mul3A_24 : i32
    %add3A_26 = arith.constant 512 : i32
    %add3A_27 = arith.addi %mul3A_25, %add3A_26 : i32
    "tpu.region"() ({
      %run_scoped3A = tpu.sem_alloc : memref<!tpu.dma_semaphore, #tpu.memory_space<semaphore_mem>>
      %dma_start3A_58 = arith.constant 0 : i32
      %dma_start3A_59 = tpu.memref_slice %arg9[%add3A_27, %dma_start3A_58] : memref<10240x128xf32, #tpu.memory_space<vmem_shared>> -> memref<128x128xf32, #tpu.memory_space<vmem_shared>>
      %dma_start3A_60 = arith.constant 0 : i32
      %dma_start3A_61 = tpu.memref_slice %arg9[%add3A_27, %dma_start3A_60] : memref<10240x128xf32, #tpu.memory_space<vmem_shared>> -> memref<128x128xf32, #tpu.memory_space<vmem_shared>>
      tpu.enqueue_dma source(%arg7 : memref<128x128xf32, #tpu.memory_space<vmem>>) target(%dma_start3A_61 : memref<128x128xf32, #tpu.memory_space<vmem_shared>>) target_semaphore(%run_scoped3A : memref<!tpu.dma_semaphore, #tpu.memory_space<semaphore_mem>>)
      %dma_wait3A = arith.constant 0 : i32
      %dma_wait3A_62 = tpu.memref_slice %arg9[%add3A_27, %dma_wait3A] : memref<10240x128xf32, #tpu.memory_space<vmem_shared>> -> memref<128x128xf32, #tpu.memory_space<vmem_shared>>
      %dma_wait3A_63 = arith.constant 0 : i32
      %dma_wait3A_64 = tpu.memref_slice %arg9[%add3A_27, %dma_wait3A_63] : memref<10240x128xf32, #tpu.memory_space<vmem_shared>> -> memref<128x128xf32, #tpu.memory_space<vmem_shared>>
      tpu.wait_dma2 semaphore(%run_scoped3A : memref<!tpu.dma_semaphore, #tpu.memory_space<semaphore_mem>>) src(%arg7 : memref<128x128xf32, #tpu.memory_space<vmem>>) dst(%dma_wait3A_64 : memref<128x128xf32, #tpu.memory_space<vmem_shared>>)
      tpu.yield
    }) : () -> ()
    %barrier3A = arith.constant 0 : index
    tpu.barrier barrier_id(%barrier3A)
    "tpu.region"() ({
      %run_scoped3A = tpu.sem_alloc : memref<!tpu.dma_semaphore, #tpu.memory_space<semaphore_mem>>
      %dma_start3A_58 = arith.constant 0 : i32
      %dma_start3A_59 = arith.constant 0 : i32
      %dma_start3A_60 = arith.constant 0 : i32
      %dma_start3A_61 = tpu.memref_slice %arg3[%mul3A_2, %dma_start3A_58, %dma_start3A_59, %dma_start3A_60] : memref<1280x2x2x128xi32, #tpu.memory_space<hbm>> -> memref<1x2x2x128xi32, #tpu.memory_space<hbm>>
      %dma_start3A_62 = tpu.memref_squeeze %dma_start3A_61 : memref<1x2x2x128xi32, #tpu.memory_space<hbm>> -> memref<2x2x128xi32, #tpu.memory_space<hbm>>
      %dma_start3A_63 = arith.constant 0 : i32
      %dma_start3A_64 = arith.constant 0 : i32
      %dma_start3A_65 = arith.constant 0 : i32
      %dma_start3A_66 = tpu.memref_slice %arg3[%mul3A_2, %dma_start3A_63, %dma_start3A_64, %dma_start3A_65] : memref<1280x2x2x128xi32, #tpu.memory_space<hbm>> -> memref<1x2x2x128xi32, #tpu.memory_space<hbm>>
      %dma_start3A_67 = tpu.memref_squeeze %dma_start3A_66 : memref<1x2x2x128xi32, #tpu.memory_space<hbm>> -> memref<2x2x128xi32, #tpu.memory_space<hbm>>
      tpu.enqueue_dma source(%dma_start3A_67 : memref<2x2x128xi32, #tpu.memory_space<hbm>>) target(%arg5 : memref<2x2x128xi32, #tpu.memory_space<vmem>>) target_semaphore(%run_scoped3A : memref<!tpu.dma_semaphore, #tpu.memory_space<semaphore_mem>>)
      %dma_wait3A = arith.constant 0 : i32
      %dma_wait3A_68 = arith.constant 0 : i32
      %dma_wait3A_69 = arith.constant 0 : i32
      %dma_wait3A_70 = tpu.memref_slice %arg3[%mul3A_2, %dma_wait3A, %dma_wait3A_68, %dma_wait3A_69] : memref<1280x2x2x128xi32, #tpu.memory_space<hbm>> -> memref<1x2x2x128xi32, #tpu.memory_space<hbm>>
      %dma_wait3A_71 = tpu.memref_squeeze %dma_wait3A_70 : memref<1x2x2x128xi32, #tpu.memory_space<hbm>> -> memref<2x2x128xi32, #tpu.memory_space<hbm>>
      %dma_wait3A_72 = arith.constant 0 : i32
      %dma_wait3A_73 = arith.constant 0 : i32
      %dma_wait3A_74 = arith.constant 0 : i32
      %dma_wait3A_75 = tpu.memref_slice %arg3[%mul3A_2, %dma_wait3A_72, %dma_wait3A_73, %dma_wait3A_74] : memref<1280x2x2x128xi32, #tpu.memory_space<hbm>> -> memref<1x2x2x128xi32, #tpu.memory_space<hbm>>
      %dma_wait3A_76 = tpu.memref_squeeze %dma_wait3A_75 : memref<1x2x2x128xi32, #tpu.memory_space<hbm>> -> memref<2x2x128xi32, #tpu.memory_space<hbm>>
      tpu.wait_dma2 semaphore(%run_scoped3A : memref<!tpu.dma_semaphore, #tpu.memory_space<semaphore_mem>>) src(%dma_wait3A_76 : memref<2x2x128xi32, #tpu.memory_space<hbm>>) dst(%arg5 : memref<2x2x128xi32, #tpu.memory_space<vmem>>)
      tpu.yield
    }) : () -> ()
    %dma_start3A = arith.constant 0 : i32
    %dma_start3A_28 = arith.constant 0 : i32
    %dma_start3A_29 = arith.constant 0 : i32
    %dma_start3A_30 = tpu.memref_slice %arg5[%dma_start3A, %dma_start3A_28, %dma_start3A_29] : memref<2x2x128xi32, #tpu.memory_space<vmem>> -> memref<1x1x128xi32, #tpu.memory_space<vmem>>
    %dma_start3A_31 = tpu.memref_squeeze %dma_start3A_30 : memref<1x1x128xi32, #tpu.memory_space<vmem>> -> memref<128xi32, #tpu.memory_space<vmem>>
    %dma_start3A_32 = arith.constant 0 : i32
    %dma_start3A_33 = arith.constant 0 : i32
    %dma_start3A_34 = tpu.memref_slice %arg2[%dma_start3A_32, %dma_start3A_33] : memref<10000x128xf32, #tpu.memory_space<hbm>> -> memref<10000x128xf32, #tpu.memory_space<hbm>>
    tpu.enqueue_indirect_dma source(%dma_start3A_34 : memref<10000x128xf32, #tpu.memory_space<hbm>>) target(%arg7 : memref<128x128xf32, #tpu.memory_space<vmem>>) offsets(%dma_start3A_31 : memref<128xi32, #tpu.memory_space<vmem>>) semaphore(%arg10 : memref<!tpu.dma_semaphore, #tpu.memory_space<semaphore_mem>>)
    %add3A_35 = arith.constant 1 : i32
    %add3A_36 = arith.addi %mul3A_2, %add3A_35 : i32
    %dma_start3A_37 = arith.constant 0 : i32
    %dma_start3A_38 = arith.constant 0 : i32
    %dma_start3A_39 = arith.constant 0 : i32
    %dma_start3A_40 = tpu.memref_slice %arg3[%add3A_36, %dma_start3A_37, %dma_start3A_38, %dma_start3A_39] : memref<1280x2x2x128xi32, #tpu.memory_space<hbm>> -> memref<1x2x2x128xi32, #tpu.memory_space<hbm>>
    %dma_start3A_41 = tpu.memref_squeeze %dma_start3A_40 : memref<1x2x2x128xi32, #tpu.memory_space<hbm>> -> memref<2x2x128xi32, #tpu.memory_space<hbm>>
    %dma_start3A_42 = arith.constant 0 : i32
    %dma_start3A_43 = arith.constant 0 : i32
    %dma_start3A_44 = arith.constant 0 : i32
    %dma_start3A_45 = tpu.memref_slice %arg3[%add3A_36, %dma_start3A_42, %dma_start3A_43, %dma_start3A_44] : memref<1280x2x2x128xi32, #tpu.memory_space<hbm>> -> memref<1x2x2x128xi32, #tpu.memory_space<hbm>>
    %dma_start3A_46 = tpu.memref_squeeze %dma_start3A_45 : memref<1x2x2x128xi32, #tpu.memory_space<hbm>> -> memref<2x2x128xi32, #tpu.memory_space<hbm>>
    tpu.enqueue_dma source(%dma_start3A_46 : memref<2x2x128xi32, #tpu.memory_space<hbm>>) target(%arg6 : memref<2x2x128xi32, #tpu.memory_space<vmem>>) target_semaphore(%arg13 : memref<!tpu.dma_semaphore, #tpu.memory_space<semaphore_mem>>)
    %scan3A_47 = arith.constant 0 : i32
    %scan3A_48 = arith.constant 0 : i32
    %scan3A_49 = arith.constant 20 : i32
    %scan3A_50 = arith.addi %scan3A_48, %scan3A_49 : i32
    %scan3A_51 = arith.constant 1 : i32
    scf.for %scan3A_58 = %scan3A_48 to %scan3A_50 step %scan3A_51  : i32 {
      %dma_start3A_59 = arith.constant 1 : i32
      %dma_start3A_60 = arith.constant 0 : i32
      %dma_start3A_61 = arith.constant 0 : i32
      %dma_start3A_62 = tpu.memref_slice %arg5[%dma_start3A_59, %dma_start3A_60, %dma_start3A_61] : memref<2x2x128xi32, #tpu.memory_space<vmem>> -> memref<1x1x128xi32, #tpu.memory_space<vmem>>
      %dma_start3A_63 = tpu.memref_squeeze %dma_start3A_62 : memref<1x1x128xi32, #tpu.memory_space<vmem>> -> memref<128xi32, #tpu.memory_space<vmem>>
      %dma_start3A_64 = arith.constant 0 : i32
      %dma_start3A_65 = arith.constant 0 : i32
      %dma_start3A_66 = tpu.memref_slice %arg2[%dma_start3A_64, %dma_start3A_65] : memref<10000x128xf32, #tpu.memory_space<hbm>> -> memref<10000x128xf32, #tpu.memory_space<hbm>>
      tpu.enqueue_indirect_dma source(%dma_start3A_66 : memref<10000x128xf32, #tpu.memory_space<hbm>>) target(%arg8 : memref<128x128xf32, #tpu.memory_space<vmem>>) offsets(%dma_start3A_63 : memref<128xi32, #tpu.memory_space<vmem>>) semaphore(%arg11 : memref<!tpu.dma_semaphore, #tpu.memory_space<semaphore_mem>>)
      %dma_wait3A = arith.constant 0 : i32
      %dma_wait3A_67 = arith.constant 0 : i32
      %dma_wait3A_68 = arith.constant 0 : i32
      %dma_wait3A_69 = tpu.memref_slice %arg5[%dma_wait3A, %dma_wait3A_67, %dma_wait3A_68] : memref<2x2x128xi32, #tpu.memory_space<vmem>> -> memref<1x1x128xi32, #tpu.memory_space<vmem>>
      %dma_wait3A_70 = tpu.memref_squeeze %dma_wait3A_69 : memref<1x1x128xi32, #tpu.memory_space<vmem>> -> memref<128xi32, #tpu.memory_space<vmem>>
      %dma_wait3A_71 = arith.constant 0 : i32
      %dma_wait3A_72 = arith.constant 0 : i32
      %dma_wait3A_73 = tpu.memref_slice %arg2[%dma_wait3A_71, %dma_wait3A_72] : memref<10000x128xf32, #tpu.memory_space<hbm>> -> memref<10000x128xf32, #tpu.memory_space<hbm>>
      tpu.wait_indirect_dma semaphore(%arg10 : memref<!tpu.dma_semaphore, #tpu.memory_space<semaphore_mem>>) src(%dma_wait3A_73 : memref<10000x128xf32, #tpu.memory_space<hbm>>) dst(%arg7 : memref<128x128xf32, #tpu.memory_space<vmem>>)
      %run_scoped3A = arith.constant 0 : i32
      %run_scoped3A_74 = arith.constant 1 : i32
      "tpu.region"() ({
        %run_scoped3A_143 = tpu.sem_alloc : memref<!tpu.dma_semaphore, #tpu.memory_space<semaphore_mem>>
        %dma_start3A_144 = arith.constant 0 : i32
        %dma_start3A_145 = tpu.memref_slice %arg5[%run_scoped3A, %run_scoped3A_74, %dma_start3A_144] : memref<2x2x128xi32, #tpu.memory_space<vmem>> -> memref<1x1x128xi32, #tpu.memory_space<vmem>>
        %dma_start3A_146 = tpu.memref_squeeze %dma_start3A_145 : memref<1x1x128xi32, #tpu.memory_space<vmem>> -> memref<128xi32, #tpu.memory_space<vmem>>
        %dma_start3A_147 = arith.constant 0 : i32
        %dma_start3A_148 = arith.constant 0 : i32
        %dma_start3A_149 = tpu.memref_slice %arg9[%dma_start3A_147, %dma_start3A_148] : memref<10240x128xf32, #tpu.memory_space<vmem_shared>> -> memref<10240x128xf32, #tpu.memory_space<vmem_shared>>
        tpu.enqueue_indirect_dma source(%arg7 : memref<128x128xf32, #tpu.memory_space<vmem>>) target(%dma_start3A_149 : memref<10240x128xf32, #tpu.memory_space<vmem_shared>>) offsets(%dma_start3A_146 : memref<128xi32, #tpu.memory_space<vmem>>) semaphore(%run_scoped3A_143 : memref<!tpu.dma_semaphore, #tpu.memory_space<semaphore_mem>>) {add = true}
        %dma_wait3A_150 = arith.constant 0 : i32
        %dma_wait3A_151 = tpu.memref_slice %arg5[%run_scoped3A, %run_scoped3A_74, %dma_wait3A_150] : memref<2x2x128xi32, #tpu.memory_space<vmem>> -> memref<1x1x128xi32, #tpu.memory_space<vmem>>
        %dma_wait3A_152 = tpu.memref_squeeze %dma_wait3A_151 : memref<1x1x128xi32, #tpu.memory_space<vmem>> -> memref<128xi32, #tpu.memory_space<vmem>>
        %dma_wait3A_153 = arith.constant 0 : i32
        %dma_wait3A_154 = arith.constant 0 : i32
        %dma_wait3A_155 = tpu.memref_slice %arg9[%dma_wait3A_153, %dma_wait3A_154] : memref<10240x128xf32, #tpu.memory_space<vmem_shared>> -> memref<10240x128xf32, #tpu.memory_space<vmem_shared>>
        tpu.wait_indirect_dma semaphore(%run_scoped3A_143 : memref<!tpu.dma_semaphore, #tpu.memory_space<semaphore_mem>>) src(%arg7 : memref<128x128xf32, #tpu.memory_space<vmem>>) dst(%dma_wait3A_155 : memref<10240x128xf32, #tpu.memory_space<vmem_shared>>)
        tpu.yield
      }) : () -> ()
      %dma_wait3A_75 = arith.constant 0 : i32
      %dma_wait3A_76 = arith.constant 0 : i32
      %dma_wait3A_77 = arith.constant 0 : i32
      %dma_wait3A_78 = tpu.memref_slice %arg3[%mul3A_2, %dma_wait3A_75, %dma_wait3A_76, %dma_wait3A_77] : memref<1280x2x2x128xi32, #tpu.memory_space<hbm>> -> memref<1x2x2x128xi32, #tpu.memory_space<hbm>>
      %dma_wait3A_79 = tpu.memref_squeeze %dma_wait3A_78 : memref<1x2x2x128xi32, #tpu.memory_space<hbm>> -> memref<2x2x128xi32, #tpu.memory_space<hbm>>
      %dma_wait3A_80 = arith.constant 0 : i32
      %dma_wait3A_81 = arith.constant 0 : i32
      %dma_wait3A_82 = arith.constant 0 : i32
      %dma_wait3A_83 = tpu.memref_slice %arg3[%mul3A_2, %dma_wait3A_80, %dma_wait3A_81, %dma_wait3A_82] : memref<1280x2x2x128xi32, #tpu.memory_space<hbm>> -> memref<1x2x2x128xi32, #tpu.memory_space<hbm>>
      %dma_wait3A_84 = tpu.memref_squeeze %dma_wait3A_83 : memref<1x2x2x128xi32, #tpu.memory_space<hbm>> -> memref<2x2x128xi32, #tpu.memory_space<hbm>>
      tpu.wait_dma2 semaphore(%arg13 : memref<!tpu.dma_semaphore, #tpu.memory_space<semaphore_mem>>) src(%dma_wait3A_84 : memref<2x2x128xi32, #tpu.memory_space<hbm>>) dst(%arg6 : memref<2x2x128xi32, #tpu.memory_space<vmem>>)
      %dma_start3A_85 = arith.constant 0 : i32
      %dma_start3A_86 = arith.constant 0 : i32
      %dma_start3A_87 = arith.constant 0 : i32
      %dma_start3A_88 = tpu.memref_slice %arg6[%dma_start3A_85, %dma_start3A_86, %dma_start3A_87] : memref<2x2x128xi32, #tpu.memory_space<vmem>> -> memref<1x1x128xi32, #tpu.memory_space<vmem>>
      %dma_start3A_89 = tpu.memref_squeeze %dma_start3A_88 : memref<1x1x128xi32, #tpu.memory_space<vmem>> -> memref<128xi32, #tpu.memory_space<vmem>>
      %dma_start3A_90 = arith.constant 0 : i32
      %dma_start3A_91 = arith.constant 0 : i32
      %dma_start3A_92 = tpu.memref_slice %arg2[%dma_start3A_90, %dma_start3A_91] : memref<10000x128xf32, #tpu.memory_space<hbm>> -> memref<10000x128xf32, #tpu.memory_space<hbm>>
      tpu.enqueue_indirect_dma source(%dma_start3A_92 : memref<10000x128xf32, #tpu.memory_space<hbm>>) target(%arg7 : memref<128x128xf32, #tpu.memory_space<vmem>>) offsets(%dma_start3A_89 : memref<128xi32, #tpu.memory_space<vmem>>) semaphore(%arg10 : memref<!tpu.dma_semaphore, #tpu.memory_space<semaphore_mem>>)
      %dma_wait3A_93 = arith.constant 1 : i32
      %dma_wait3A_94 = arith.constant 0 : i32
      %dma_wait3A_95 = arith.constant 0 : i32
      %dma_wait3A_96 = tpu.memref_slice %arg5[%dma_wait3A_93, %dma_wait3A_94, %dma_wait3A_95] : memref<2x2x128xi32, #tpu.memory_space<vmem>> -> memref<1x1x128xi32, #tpu.memory_space<vmem>>
      %dma_wait3A_97 = tpu.memref_squeeze %dma_wait3A_96 : memref<1x1x128xi32, #tpu.memory_space<vmem>> -> memref<128xi32, #tpu.memory_space<vmem>>
      %dma_wait3A_98 = arith.constant 0 : i32
      %dma_wait3A_99 = arith.constant 0 : i32
      %dma_wait3A_100 = tpu.memref_slice %arg2[%dma_wait3A_98, %dma_wait3A_99] : memref<10000x128xf32, #tpu.memory_space<hbm>> -> memref<10000x128xf32, #tpu.memory_space<hbm>>
      tpu.wait_indirect_dma semaphore(%arg11 : memref<!tpu.dma_semaphore, #tpu.memory_space<semaphore_mem>>) src(%dma_wait3A_100 : memref<10000x128xf32, #tpu.memory_space<hbm>>) dst(%arg8 : memref<128x128xf32, #tpu.memory_space<vmem>>)
      %run_scoped3A_101 = arith.constant 1 : i32
      %run_scoped3A_102 = arith.constant 1 : i32
      "tpu.region"() ({
        %run_scoped3A_143 = tpu.sem_alloc : memref<!tpu.dma_semaphore, #tpu.memory_space<semaphore_mem>>
        %dma_start3A_144 = arith.constant 0 : i32
        %dma_start3A_145 = tpu.memref_slice %arg5[%run_scoped3A_101, %run_scoped3A_102, %dma_start3A_144] : memref<2x2x128xi32, #tpu.memory_space<vmem>> -> memref<1x1x128xi32, #tpu.memory_space<vmem>>
        %dma_start3A_146 = tpu.memref_squeeze %dma_start3A_145 : memref<1x1x128xi32, #tpu.memory_space<vmem>> -> memref<128xi32, #tpu.memory_space<vmem>>
        %dma_start3A_147 = arith.constant 0 : i32
        %dma_start3A_148 = arith.constant 0 : i32
        %dma_start3A_149 = tpu.memref_slice %arg9[%dma_start3A_147, %dma_start3A_148] : memref<10240x128xf32, #tpu.memory_space<vmem_shared>> -> memref<10240x128xf32, #tpu.memory_space<vmem_shared>>
        tpu.enqueue_indirect_dma source(%arg8 : memref<128x128xf32, #tpu.memory_space<vmem>>) target(%dma_start3A_149 : memref<10240x128xf32, #tpu.memory_space<vmem_shared>>) offsets(%dma_start3A_146 : memref<128xi32, #tpu.memory_space<vmem>>) semaphore(%run_scoped3A_143 : memref<!tpu.dma_semaphore, #tpu.memory_space<semaphore_mem>>) {add = true}
        %dma_wait3A_150 = arith.constant 0 : i32
        %dma_wait3A_151 = tpu.memref_slice %arg5[%run_scoped3A_101, %run_scoped3A_102, %dma_wait3A_150] : memref<2x2x128xi32, #tpu.memory_space<vmem>> -> memref<1x1x128xi32, #tpu.memory_space<vmem>>
        %dma_wait3A_152 = tpu.memref_squeeze %dma_wait3A_151 : memref<1x1x128xi32, #tpu.memory_space<vmem>> -> memref<128xi32, #tpu.memory_space<vmem>>
        %dma_wait3A_153 = arith.constant 0 : i32
        %dma_wait3A_154 = arith.constant 0 : i32
        %dma_wait3A_155 = tpu.memref_slice %arg9[%dma_wait3A_153, %dma_wait3A_154] : memref<10240x128xf32, #tpu.memory_space<vmem_shared>> -> memref<10240x128xf32, #tpu.memory_space<vmem_shared>>
        tpu.wait_indirect_dma semaphore(%run_scoped3A_143 : memref<!tpu.dma_semaphore, #tpu.memory_space<semaphore_mem>>) src(%arg8 : memref<128x128xf32, #tpu.memory_space<vmem>>) dst(%dma_wait3A_155 : memref<10240x128xf32, #tpu.memory_space<vmem_shared>>)
        tpu.yield
      }) : () -> ()
      %lt3A = arith.constant 19 : i32
      %lt3A_103 = arith.cmpi slt, %scan3A_58, %lt3A : i32
      %convert_element_type3A = arith.extui %lt3A_103 : i1 to i32
      %cond3A = arith.constant 0 : i32
      %cond3A_104 = arith.cmpi ne, %convert_element_type3A, %cond3A : i32
      scf.if %cond3A_104 {
        %mul3A_143 = arith.constant 2 : i32
        %mul3A_144 = arith.muli %mul3A_143, %scan3A_58 : i32
        %add3A_145 = arith.addi %mul3A_2, %mul3A_144 : i32
        %add3A_146 = arith.constant 2 : i32
        %add3A_147 = arith.addi %add3A_145, %add3A_146 : i32
        %dma_start3A_148 = arith.constant 0 : i32
        %dma_start3A_149 = arith.constant 0 : i32
        %dma_start3A_150 = arith.constant 0 : i32
        %dma_start3A_151 = tpu.memref_slice %arg3[%add3A_147, %dma_start3A_148, %dma_start3A_149, %dma_start3A_150] : memref<1280x2x2x128xi32, #tpu.memory_space<hbm>> -> memref<1x2x2x128xi32, #tpu.memory_space<hbm>>
        %dma_start3A_152 = tpu.memref_squeeze %dma_start3A_151 : memref<1x2x2x128xi32, #tpu.memory_space<hbm>> -> memref<2x2x128xi32, #tpu.memory_space<hbm>>
        %dma_start3A_153 = arith.constant 0 : i32
        %dma_start3A_154 = arith.constant 0 : i32
        %dma_start3A_155 = arith.constant 0 : i32
        %dma_start3A_156 = tpu.memref_slice %arg3[%add3A_147, %dma_start3A_153, %dma_start3A_154, %dma_start3A_155] : memref<1280x2x2x128xi32, #tpu.memory_space<hbm>> -> memref<1x2x2x128xi32, #tpu.memory_space<hbm>>
        %dma_start3A_157 = tpu.memref_squeeze %dma_start3A_156 : memref<1x2x2x128xi32, #tpu.memory_space<hbm>> -> memref<2x2x128xi32, #tpu.memory_space<hbm>>
        tpu.enqueue_dma source(%dma_start3A_157 : memref<2x2x128xi32, #tpu.memory_space<hbm>>) target(%arg5 : memref<2x2x128xi32, #tpu.memory_space<vmem>>) target_semaphore(%arg12 : memref<!tpu.dma_semaphore, #tpu.memory_space<semaphore_mem>>)
      } else {
      }
      %dma_start3A_105 = arith.constant 1 : i32
      %dma_start3A_106 = arith.constant 0 : i32
      %dma_start3A_107 = arith.constant 0 : i32
      %dma_start3A_108 = tpu.memref_slice %arg6[%dma_start3A_105, %dma_start3A_106, %dma_start3A_107] : memref<2x2x128xi32, #tpu.memory_space<vmem>> -> memref<1x1x128xi32, #tpu.memory_space<vmem>>
      %dma_start3A_109 = tpu.memref_squeeze %dma_start3A_108 : memref<1x1x128xi32, #tpu.memory_space<vmem>> -> memref<128xi32, #tpu.memory_space<vmem>>
      %dma_start3A_110 = arith.constant 0 : i32
      %dma_start3A_111 = arith.constant 0 : i32
      %dma_start3A_112 = tpu.memref_slice %arg2[%dma_start3A_110, %dma_start3A_111] : memref<10000x128xf32, #tpu.memory_space<hbm>> -> memref<10000x128xf32, #tpu.memory_space<hbm>>
      tpu.enqueue_indirect_dma source(%dma_start3A_112 : memref<10000x128xf32, #tpu.memory_space<hbm>>) target(%arg8 : memref<128x128xf32, #tpu.memory_space<vmem>>) offsets(%dma_start3A_109 : memref<128xi32, #tpu.memory_space<vmem>>) semaphore(%arg11 : memref<!tpu.dma_semaphore, #tpu.memory_space<semaphore_mem>>)
      %dma_wait3A_113 = arith.constant 0 : i32
      %dma_wait3A_114 = arith.constant 0 : i32
      %dma_wait3A_115 = arith.constant 0 : i32
      %dma_wait3A_116 = tpu.memref_slice %arg6[%dma_wait3A_113, %dma_wait3A_114, %dma_wait3A_115] : memref<2x2x128xi32, #tpu.memory_space<vmem>> -> memref<1x1x128xi32, #tpu.memory_space<vmem>>
      %dma_wait3A_117 = tpu.memref_squeeze %dma_wait3A_116 : memref<1x1x128xi32, #tpu.memory_space<vmem>> -> memref<128xi32, #tpu.memory_space<vmem>>
      %dma_wait3A_118 = arith.constant 0 : i32
      %dma_wait3A_119 = arith.constant 0 : i32
      %dma_wait3A_120 = tpu.memref_slice %arg2[%dma_wait3A_118, %dma_wait3A_119] : memref<10000x128xf32, #tpu.memory_space<hbm>> -> memref<10000x128xf32, #tpu.memory_space<hbm>>
      tpu.wait_indirect_dma semaphore(%arg10 : memref<!tpu.dma_semaphore, #tpu.memory_space<semaphore_mem>>) src(%dma_wait3A_120 : memref<10000x128xf32, #tpu.memory_space<hbm>>) dst(%arg7 : memref<128x128xf32, #tpu.memory_space<vmem>>)
      %run_scoped3A_121 = arith.constant 0 : i32
      %run_scoped3A_122 = arith.constant 1 : i32
      "tpu.region"() ({
        %run_scoped3A_143 = tpu.sem_alloc : memref<!tpu.dma_semaphore, #tpu.memory_space<semaphore_mem>>
        %dma_start3A_144 = arith.constant 0 : i32
        %dma_start3A_145 = tpu.memref_slice %arg6[%run_scoped3A_121, %run_scoped3A_122, %dma_start3A_144] : memref<2x2x128xi32, #tpu.memory_space<vmem>> -> memref<1x1x128xi32, #tpu.memory_space<vmem>>
        %dma_start3A_146 = tpu.memref_squeeze %dma_start3A_145 : memref<1x1x128xi32, #tpu.memory_space<vmem>> -> memref<128xi32, #tpu.memory_space<vmem>>
        %dma_start3A_147 = arith.constant 0 : i32
        %dma_start3A_148 = arith.constant 0 : i32
        %dma_start3A_149 = tpu.memref_slice %arg9[%dma_start3A_147, %dma_start3A_148] : memref<10240x128xf32, #tpu.memory_space<vmem_shared>> -> memref<10240x128xf32, #tpu.memory_space<vmem_shared>>
        tpu.enqueue_indirect_dma source(%arg7 : memref<128x128xf32, #tpu.memory_space<vmem>>) target(%dma_start3A_149 : memref<10240x128xf32, #tpu.memory_space<vmem_shared>>) offsets(%dma_start3A_146 : memref<128xi32, #tpu.memory_space<vmem>>) semaphore(%run_scoped3A_143 : memref<!tpu.dma_semaphore, #tpu.memory_space<semaphore_mem>>) {add = true}
        %dma_wait3A_150 = arith.constant 0 : i32
        %dma_wait3A_151 = tpu.memref_slice %arg6[%run_scoped3A_121, %run_scoped3A_122, %dma_wait3A_150] : memref<2x2x128xi32, #tpu.memory_space<vmem>> -> memref<1x1x128xi32, #tpu.memory_space<vmem>>
        %dma_wait3A_152 = tpu.memref_squeeze %dma_wait3A_151 : memref<1x1x128xi32, #tpu.memory_space<vmem>> -> memref<128xi32, #tpu.memory_space<vmem>>
        %dma_wait3A_153 = arith.constant 0 : i32
        %dma_wait3A_154 = arith.constant 0 : i32
        %dma_wait3A_155 = tpu.memref_slice %arg9[%dma_wait3A_153, %dma_wait3A_154] : memref<10240x128xf32, #tpu.memory_space<vmem_shared>> -> memref<10240x128xf32, #tpu.memory_space<vmem_shared>>
        tpu.wait_indirect_dma semaphore(%run_scoped3A_143 : memref<!tpu.dma_semaphore, #tpu.memory_space<semaphore_mem>>) src(%arg7 : memref<128x128xf32, #tpu.memory_space<vmem>>) dst(%dma_wait3A_155 : memref<10240x128xf32, #tpu.memory_space<vmem_shared>>)
        tpu.yield
      }) : () -> ()
      %lt3A_123 = arith.constant 19 : i32
      %lt3A_124 = arith.cmpi slt, %scan3A_58, %lt3A_123 : i32
      %convert_element_type3A_125 = arith.extui %lt3A_124 : i1 to i32
      %cond3A_126 = arith.constant 0 : i32
      %cond3A_127 = arith.cmpi ne, %convert_element_type3A_125, %cond3A_126 : i32
      scf.if %cond3A_127 {
        %dma_wait3A_143 = arith.constant 0 : i32
        %dma_wait3A_144 = arith.constant 0 : i32
        %dma_wait3A_145 = arith.constant 0 : i32
        %dma_wait3A_146 = tpu.memref_slice %arg3[%mul3A_2, %dma_wait3A_143, %dma_wait3A_144, %dma_wait3A_145] : memref<1280x2x2x128xi32, #tpu.memory_space<hbm>> -> memref<1x2x2x128xi32, #tpu.memory_space<hbm>>
        %dma_wait3A_147 = tpu.memref_squeeze %dma_wait3A_146 : memref<1x2x2x128xi32, #tpu.memory_space<hbm>> -> memref<2x2x128xi32, #tpu.memory_space<hbm>>
        %dma_wait3A_148 = arith.constant 0 : i32
        %dma_wait3A_149 = arith.constant 0 : i32
        %dma_wait3A_150 = arith.constant 0 : i32
        %dma_wait3A_151 = tpu.memref_slice %arg3[%mul3A_2, %dma_wait3A_148, %dma_wait3A_149, %dma_wait3A_150] : memref<1280x2x2x128xi32, #tpu.memory_space<hbm>> -> memref<1x2x2x128xi32, #tpu.memory_space<hbm>>
        %dma_wait3A_152 = tpu.memref_squeeze %dma_wait3A_151 : memref<1x2x2x128xi32, #tpu.memory_space<hbm>> -> memref<2x2x128xi32, #tpu.memory_space<hbm>>
        tpu.wait_dma2 semaphore(%arg12 : memref<!tpu.dma_semaphore, #tpu.memory_space<semaphore_mem>>) src(%dma_wait3A_152 : memref<2x2x128xi32, #tpu.memory_space<hbm>>) dst(%arg5 : memref<2x2x128xi32, #tpu.memory_space<vmem>>)
        %dma_start3A_153 = arith.constant 0 : i32
        %dma_start3A_154 = arith.constant 0 : i32
        %dma_start3A_155 = arith.constant 0 : i32
        %dma_start3A_156 = tpu.memref_slice %arg5[%dma_start3A_153, %dma_start3A_154, %dma_start3A_155] : memref<2x2x128xi32, #tpu.memory_space<vmem>> -> memref<1x1x128xi32, #tpu.memory_space<vmem>>
        %dma_start3A_157 = tpu.memref_squeeze %dma_start3A_156 : memref<1x1x128xi32, #tpu.memory_space<vmem>> -> memref<128xi32, #tpu.memory_space<vmem>>
        %dma_start3A_158 = arith.constant 0 : i32
        %dma_start3A_159 = arith.constant 0 : i32
        %dma_start3A_160 = tpu.memref_slice %arg2[%dma_start3A_158, %dma_start3A_159] : memref<10000x128xf32, #tpu.memory_space<hbm>> -> memref<10000x128xf32, #tpu.memory_space<hbm>>
        tpu.enqueue_indirect_dma source(%dma_start3A_160 : memref<10000x128xf32, #tpu.memory_space<hbm>>) target(%arg7 : memref<128x128xf32, #tpu.memory_space<vmem>>) offsets(%dma_start3A_157 : memref<128xi32, #tpu.memory_space<vmem>>) semaphore(%arg10 : memref<!tpu.dma_semaphore, #tpu.memory_space<semaphore_mem>>)
      } else {
      }
      %dma_wait3A_128 = arith.constant 1 : i32
      %dma_wait3A_129 = arith.constant 0 : i32
      %dma_wait3A_130 = arith.constant 0 : i32
      %dma_wait3A_131 = tpu.memref_slice %arg6[%dma_wait3A_128, %dma_wait3A_129, %dma_wait3A_130] : memref<2x2x128xi32, #tpu.memory_space<vmem>> -> memref<1x1x128xi32, #tpu.memory_space<vmem>>
      %dma_wait3A_132 = tpu.memref_squeeze %dma_wait3A_131 : memref<1x1x128xi32, #tpu.memory_space<vmem>> -> memref<128xi32, #tpu.memory_space<vmem>>
      %dma_wait3A_133 = arith.constant 0 : i32
      %dma_wait3A_134 = arith.constant 0 : i32
      %dma_wait3A_135 = tpu.memref_slice %arg2[%dma_wait3A_133, %dma_wait3A_134] : memref<10000x128xf32, #tpu.memory_space<hbm>> -> memref<10000x128xf32, #tpu.memory_space<hbm>>
      tpu.wait_indirect_dma semaphore(%arg11 : memref<!tpu.dma_semaphore, #tpu.memory_space<semaphore_mem>>) src(%dma_wait3A_135 : memref<10000x128xf32, #tpu.memory_space<hbm>>) dst(%arg8 : memref<128x128xf32, #tpu.memory_space<vmem>>)
      %run_scoped3A_136 = arith.constant 1 : i32
      %run_scoped3A_137 = arith.constant 1 : i32
      "tpu.region"() ({
        %run_scoped3A_143 = tpu.sem_alloc : memref<!tpu.dma_semaphore, #tpu.memory_space<semaphore_mem>>
        %dma_start3A_144 = arith.constant 0 : i32
        %dma_start3A_145 = tpu.memref_slice %arg6[%run_scoped3A_136, %run_scoped3A_137, %dma_start3A_144] : memref<2x2x128xi32, #tpu.memory_space<vmem>> -> memref<1x1x128xi32, #tpu.memory_space<vmem>>
        %dma_start3A_146 = tpu.memref_squeeze %dma_start3A_145 : memref<1x1x128xi32, #tpu.memory_space<vmem>> -> memref<128xi32, #tpu.memory_space<vmem>>
        %dma_start3A_147 = arith.constant 0 : i32
        %dma_start3A_148 = arith.constant 0 : i32
        %dma_start3A_149 = tpu.memref_slice %arg9[%dma_start3A_147, %dma_start3A_148] : memref<10240x128xf32, #tpu.memory_space<vmem_shared>> -> memref<10240x128xf32, #tpu.memory_space<vmem_shared>>
        tpu.enqueue_indirect_dma source(%arg8 : memref<128x128xf32, #tpu.memory_space<vmem>>) target(%dma_start3A_149 : memref<10240x128xf32, #tpu.memory_space<vmem_shared>>) offsets(%dma_start3A_146 : memref<128xi32, #tpu.memory_space<vmem>>) semaphore(%run_scoped3A_143 : memref<!tpu.dma_semaphore, #tpu.memory_space<semaphore_mem>>) {add = true}
        %dma_wait3A_150 = arith.constant 0 : i32
        %dma_wait3A_151 = tpu.memref_slice %arg6[%run_scoped3A_136, %run_scoped3A_137, %dma_wait3A_150] : memref<2x2x128xi32, #tpu.memory_space<vmem>> -> memref<1x1x128xi32, #tpu.memory_space<vmem>>
        %dma_wait3A_152 = tpu.memref_squeeze %dma_wait3A_151 : memref<1x1x128xi32, #tpu.memory_space<vmem>> -> memref<128xi32, #tpu.memory_space<vmem>>
        %dma_wait3A_153 = arith.constant 0 : i32
        %dma_wait3A_154 = arith.constant 0 : i32
        %dma_wait3A_155 = tpu.memref_slice %arg9[%dma_wait3A_153, %dma_wait3A_154] : memref<10240x128xf32, #tpu.memory_space<vmem_shared>> -> memref<10240x128xf32, #tpu.memory_space<vmem_shared>>
        tpu.wait_indirect_dma semaphore(%run_scoped3A_143 : memref<!tpu.dma_semaphore, #tpu.memory_space<semaphore_mem>>) src(%arg8 : memref<128x128xf32, #tpu.memory_space<vmem>>) dst(%dma_wait3A_155 : memref<10240x128xf32, #tpu.memory_space<vmem_shared>>)
        tpu.yield
      }) : () -> ()
      %lt3A_138 = arith.constant 19 : i32
      %lt3A_139 = arith.cmpi slt, %scan3A_58, %lt3A_138 : i32
      %convert_element_type3A_140 = arith.extui %lt3A_139 : i1 to i32
      %cond3A_141 = arith.constant 0 : i32
      %cond3A_142 = arith.cmpi ne, %convert_element_type3A_140, %cond3A_141 : i32
      scf.if %cond3A_142 {
        %mul3A_143 = arith.constant 2 : i32
        %mul3A_144 = arith.muli %mul3A_143, %scan3A_58 : i32
        %add3A_145 = arith.addi %mul3A_2, %mul3A_144 : i32
        %add3A_146 = arith.constant 3 : i32
        %add3A_147 = arith.addi %add3A_145, %add3A_146 : i32
        %dma_start3A_148 = arith.constant 0 : i32
        %dma_start3A_149 = arith.constant 0 : i32
        %dma_start3A_150 = arith.constant 0 : i32
        %dma_start3A_151 = tpu.memref_slice %arg3[%add3A_147, %dma_start3A_148, %dma_start3A_149, %dma_start3A_150] : memref<1280x2x2x128xi32, #tpu.memory_space<hbm>> -> memref<1x2x2x128xi32, #tpu.memory_space<hbm>>
        %dma_start3A_152 = tpu.memref_squeeze %dma_start3A_151 : memref<1x2x2x128xi32, #tpu.memory_space<hbm>> -> memref<2x2x128xi32, #tpu.memory_space<hbm>>
        %dma_start3A_153 = arith.constant 0 : i32
        %dma_start3A_154 = arith.constant 0 : i32
        %dma_start3A_155 = arith.constant 0 : i32
        %dma_start3A_156 = tpu.memref_slice %arg3[%add3A_147, %dma_start3A_153, %dma_start3A_154, %dma_start3A_155] : memref<1280x2x2x128xi32, #tpu.memory_space<hbm>> -> memref<1x2x2x128xi32, #tpu.memory_space<hbm>>
        %dma_start3A_157 = tpu.memref_squeeze %dma_start3A_156 : memref<1x2x2x128xi32, #tpu.memory_space<hbm>> -> memref<2x2x128xi32, #tpu.memory_space<hbm>>
        tpu.enqueue_dma source(%dma_start3A_157 : memref<2x2x128xi32, #tpu.memory_space<hbm>>) target(%arg6 : memref<2x2x128xi32, #tpu.memory_space<vmem>>) target_semaphore(%arg13 : memref<!tpu.dma_semaphore, #tpu.memory_space<semaphore_mem>>)
      } else {
      }
    }
    %scan3A_52 = arith.constant 20 : i32
    %barrier3A_53 = arith.constant 0 : index
    tpu.barrier barrier_id(%barrier3A_53)
    %mul3A_54 = arith.constant 640 : i32
    %mul3A_55 = arith.muli %arg1, %mul3A_54 : i32
    %mul3A_56 = arith.constant 640 : i32
    %mul3A_57 = arith.muli %arg1, %mul3A_56 : i32
    "tpu.region"() ({
      %run_scoped3A = tpu.sem_alloc : memref<!tpu.dma_semaphore, #tpu.memory_space<semaphore_mem>>
      %dma_start3A_58 = arith.constant 0 : i32
      %dma_start3A_59 = arith.constant 0 : i32
      %dma_start3A_60 = tpu.memref_slice %arg4[%arg0, %dma_start3A_58, %dma_start3A_59] : memref<2x10240x128xf32, #tpu.memory_space<hbm>> -> memref<1x10240x128xf32, #tpu.memory_space<hbm>>
      %dma_start3A_61 = tpu.memref_squeeze %dma_start3A_60 : memref<1x10240x128xf32, #tpu.memory_space<hbm>> -> memref<10240x128xf32, #tpu.memory_space<hbm>>
      %dma_start3A_62 = arith.constant 0 : i32
      %dma_start3A_63 = tpu.memref_slice %dma_start3A_61[%mul3A_57, %dma_start3A_62] : memref<10240x128xf32, #tpu.memory_space<hbm>> -> memref<640x128xf32, #tpu.memory_space<hbm>>
      %dma_start3A_64 = arith.constant 0 : i32
      %dma_start3A_65 = tpu.memref_slice %arg9[%mul3A_55, %dma_start3A_64] : memref<10240x128xf32, #tpu.memory_space<vmem_shared>> -> memref<640x128xf32, #tpu.memory_space<vmem_shared>>
      tpu.enqueue_dma source(%dma_start3A_65 : memref<640x128xf32, #tpu.memory_space<vmem_shared>>) target(%dma_start3A_63 : memref<640x128xf32, #tpu.memory_space<hbm>>) target_semaphore(%run_scoped3A : memref<!tpu.dma_semaphore, #tpu.memory_space<semaphore_mem>>)
      %dma_wait3A = arith.constant 0 : i32
      %dma_wait3A_66 = arith.constant 0 : i32
      %dma_wait3A_67 = tpu.memref_slice %arg4[%arg0, %dma_wait3A, %dma_wait3A_66] : memref<2x10240x128xf32, #tpu.memory_space<hbm>> -> memref<1x10240x128xf32, #tpu.memory_space<hbm>>
      %dma_wait3A_68 = tpu.memref_squeeze %dma_wait3A_67 : memref<1x10240x128xf32, #tpu.memory_space<hbm>> -> memref<10240x128xf32, #tpu.memory_space<hbm>>
      %dma_wait3A_69 = arith.constant 0 : i32
      %dma_wait3A_70 = tpu.memref_slice %dma_wait3A_68[%mul3A_57, %dma_wait3A_69] : memref<10240x128xf32, #tpu.memory_space<hbm>> -> memref<640x128xf32, #tpu.memory_space<hbm>>
      %dma_wait3A_71 = arith.constant 0 : i32
      %dma_wait3A_72 = tpu.memref_slice %arg9[%mul3A_55, %dma_wait3A_71] : memref<10240x128xf32, #tpu.memory_space<vmem_shared>> -> memref<640x128xf32, #tpu.memory_space<vmem_shared>>
      tpu.wait_dma2 semaphore(%run_scoped3A : memref<!tpu.dma_semaphore, #tpu.memory_space<semaphore_mem>>) src(%dma_wait3A_72 : memref<640x128xf32, #tpu.memory_space<vmem_shared>>) dst(%dma_wait3A_70 : memref<640x128xf32, #tpu.memory_space<hbm>>)
      tpu.yield
    }) : () -> ()
    return
  }
}

#map = affine_map<(d0, d1) -> (0, 0, 0)>
module attributes {stable_mosaic.version = 14 : i64} {
  func.func @_deg_kernel(%arg0: i32, %arg1: i32, %arg2: memref<2560x2x128xi32, #tpu.memory_space<hbm>>, %arg3: memref<2x10240x128xf32, #tpu.memory_space<hbm>>, %arg4: memref<2x128xi32, #tpu.memory_space<vmem>>, %arg5: memref<2x128xi32, #tpu.memory_space<vmem>>, %arg6: memref<128x128xf32, #tpu.memory_space<vmem>>, %arg7: memref<10240x128xf32, #tpu.memory_space<vmem_shared>>, %arg8: memref<!tpu.dma_semaphore, #tpu.memory_space<semaphore_mem>>, %arg9: memref<!tpu.dma_semaphore, #tpu.memory_space<semaphore_mem>>) attributes {dimension_semantics = [#tpu.dimension_semantics<core_parallel>, #tpu.dimension_semantics<subcore_parallel>], iteration_bounds = array<i64: 2, 16>, scalar_prefetch = 0 : i64, scratch_operands = 6 : i64, tpu.core_type = #tpu.core_type<sc_vector_subcore>, window_params = [{transform_indices = #map}, {transform_indices = #map}]} {
    %mul3A = arith.constant 2 : i32
    %mul3A_0 = arith.muli %arg1, %mul3A : i32
    %add3A = arith.addi %mul3A_0, %arg0 : i32
    %mul3A_1 = arith.constant 80 : i32
    %mul3A_2 = arith.muli %add3A, %mul3A_1 : i32
    %scan3A = arith.constant 0 : i32
    %scan3A_3 = arith.constant 0 : i32
    %scan3A_4 = arith.constant 128 : i32
    %scan3A_5 = arith.addi %scan3A_3, %scan3A_4 : i32
    %scan3A_6 = arith.constant 1 : i32
    scf.for %scan3A_45 = %scan3A_3 to %scan3A_5 step %scan3A_6  : i32 {
      %broadcast_in_dim3A = arith.constant 0.000000e+00 : f32
      %broadcast_in_dim3A_46 = vector.broadcast %broadcast_in_dim3A : f32 to vector<16xf32>
      %swap3A = arith.index_cast %scan3A_45 : i32 to index
      %swap3A_47 = arith.constant 0 : index
      %swap3A_48 = tpu.vector_load %arg6[%swap3A, %swap3A_47] {strides = array<i32>} : memref<128x128xf32, #tpu.memory_space<vmem>>, vector<1x16xf32>,
      %swap3A_49 = vector.shape_cast %swap3A_48 : vector<1x16xf32> to vector<16xf32>
      %swap3A_50 = vector.shape_cast %broadcast_in_dim3A_46 : vector<16xf32> to vector<1x16xf32>
      tpu.vector_store %arg6[%swap3A, %swap3A_47], %swap3A_50 {strides = array<i32>} : memref<128x128xf32, #tpu.memory_space<vmem>>, vector<1x16xf32>,
      %broadcast_in_dim3A_51 = arith.constant 0.000000e+00 : f32
      %broadcast_in_dim3A_52 = vector.broadcast %broadcast_in_dim3A_51 : f32 to vector<16xf32>
      %swap3A_53 = arith.index_cast %scan3A_45 : i32 to index
      %swap3A_54 = arith.constant 16 : index
      %swap3A_55 = tpu.vector_load %arg6[%swap3A_53, %swap3A_54] {strides = array<i32>} : memref<128x128xf32, #tpu.memory_space<vmem>>, vector<1x16xf32>,
      %swap3A_56 = vector.shape_cast %swap3A_55 : vector<1x16xf32> to vector<16xf32>
      %swap3A_57 = vector.shape_cast %broadcast_in_dim3A_52 : vector<16xf32> to vector<1x16xf32>
      tpu.vector_store %arg6[%swap3A_53, %swap3A_54], %swap3A_57 {strides = array<i32>} : memref<128x128xf32, #tpu.memory_space<vmem>>, vector<1x16xf32>,
      %broadcast_in_dim3A_58 = arith.constant 0.000000e+00 : f32
      %broadcast_in_dim3A_59 = vector.broadcast %broadcast_in_dim3A_58 : f32 to vector<16xf32>
      %swap3A_60 = arith.index_cast %scan3A_45 : i32 to index
      %swap3A_61 = arith.constant 32 : index
      %swap3A_62 = tpu.vector_load %arg6[%swap3A_60, %swap3A_61] {strides = array<i32>} : memref<128x128xf32, #tpu.memory_space<vmem>>, vector<1x16xf32>,
      %swap3A_63 = vector.shape_cast %swap3A_62 : vector<1x16xf32> to vector<16xf32>
      %swap3A_64 = vector.shape_cast %broadcast_in_dim3A_59 : vector<16xf32> to vector<1x16xf32>
      tpu.vector_store %arg6[%swap3A_60, %swap3A_61], %swap3A_64 {strides = array<i32>} : memref<128x128xf32, #tpu.memory_space<vmem>>, vector<1x16xf32>,
      %broadcast_in_dim3A_65 = arith.constant 0.000000e+00 : f32
      %broadcast_in_dim3A_66 = vector.broadcast %broadcast_in_dim3A_65 : f32 to vector<16xf32>
      %swap3A_67 = arith.index_cast %scan3A_45 : i32 to index
      %swap3A_68 = arith.constant 48 : index
      %swap3A_69 = tpu.vector_load %arg6[%swap3A_67, %swap3A_68] {strides = array<i32>} : memref<128x128xf32, #tpu.memory_space<vmem>>, vector<1x16xf32>,
      %swap3A_70 = vector.shape_cast %swap3A_69 : vector<1x16xf32> to vector<16xf32>
      %swap3A_71 = vector.shape_cast %broadcast_in_dim3A_66 : vector<16xf32> to vector<1x16xf32>
      tpu.vector_store %arg6[%swap3A_67, %swap3A_68], %swap3A_71 {strides = array<i32>} : memref<128x128xf32, #tpu.memory_space<vmem>>, vector<1x16xf32>,
      %broadcast_in_dim3A_72 = arith.constant 0.000000e+00 : f32
      %broadcast_in_dim3A_73 = vector.broadcast %broadcast_in_dim3A_72 : f32 to vector<16xf32>
      %swap3A_74 = arith.index_cast %scan3A_45 : i32 to index
      %swap3A_75 = arith.constant 64 : index
      %swap3A_76 = tpu.vector_load %arg6[%swap3A_74, %swap3A_75] {strides = array<i32>} : memref<128x128xf32, #tpu.memory_space<vmem>>, vector<1x16xf32>,
      %swap3A_77 = vector.shape_cast %swap3A_76 : vector<1x16xf32> to vector<16xf32>
      %swap3A_78 = vector.shape_cast %broadcast_in_dim3A_73 : vector<16xf32> to vector<1x16xf32>
      tpu.vector_store %arg6[%swap3A_74, %swap3A_75], %swap3A_78 {strides = array<i32>} : memref<128x128xf32, #tpu.memory_space<vmem>>, vector<1x16xf32>,
      %broadcast_in_dim3A_79 = arith.constant 0.000000e+00 : f32
      %broadcast_in_dim3A_80 = vector.broadcast %broadcast_in_dim3A_79 : f32 to vector<16xf32>
      %swap3A_81 = arith.index_cast %scan3A_45 : i32 to index
      %swap3A_82 = arith.constant 80 : index
      %swap3A_83 = tpu.vector_load %arg6[%swap3A_81, %swap3A_82] {strides = array<i32>} : memref<128x128xf32, #tpu.memory_space<vmem>>, vector<1x16xf32>,
      %swap3A_84 = vector.shape_cast %swap3A_83 : vector<1x16xf32> to vector<16xf32>
      %swap3A_85 = vector.shape_cast %broadcast_in_dim3A_80 : vector<16xf32> to vector<1x16xf32>
      tpu.vector_store %arg6[%swap3A_81, %swap3A_82], %swap3A_85 {strides = array<i32>} : memref<128x128xf32, #tpu.memory_space<vmem>>, vector<1x16xf32>,
      %broadcast_in_dim3A_86 = arith.constant 0.000000e+00 : f32
      %broadcast_in_dim3A_87 = vector.broadcast %broadcast_in_dim3A_86 : f32 to vector<16xf32>
      %swap3A_88 = arith.index_cast %scan3A_45 : i32 to index
      %swap3A_89 = arith.constant 96 : index
      %swap3A_90 = tpu.vector_load %arg6[%swap3A_88, %swap3A_89] {strides = array<i32>} : memref<128x128xf32, #tpu.memory_space<vmem>>, vector<1x16xf32>,
      %swap3A_91 = vector.shape_cast %swap3A_90 : vector<1x16xf32> to vector<16xf32>
      %swap3A_92 = vector.shape_cast %broadcast_in_dim3A_87 : vector<16xf32> to vector<1x16xf32>
      tpu.vector_store %arg6[%swap3A_88, %swap3A_89], %swap3A_92 {strides = array<i32>} : memref<128x128xf32, #tpu.memory_space<vmem>>, vector<1x16xf32>,
      %broadcast_in_dim3A_93 = arith.constant 0.000000e+00 : f32
      %broadcast_in_dim3A_94 = vector.broadcast %broadcast_in_dim3A_93 : f32 to vector<16xf32>
      %swap3A_95 = arith.index_cast %scan3A_45 : i32 to index
      %swap3A_96 = arith.constant 112 : index
      %swap3A_97 = tpu.vector_load %arg6[%swap3A_95, %swap3A_96] {strides = array<i32>} : memref<128x128xf32, #tpu.memory_space<vmem>>, vector<1x16xf32>,
      %swap3A_98 = vector.shape_cast %swap3A_97 : vector<1x16xf32> to vector<16xf32>
      %swap3A_99 = vector.shape_cast %broadcast_in_dim3A_94 : vector<16xf32> to vector<1x16xf32>
      tpu.vector_store %arg6[%swap3A_95, %swap3A_96], %swap3A_99 {strides = array<i32>} : memref<128x128xf32, #tpu.memory_space<vmem>>, vector<1x16xf32>,
    }
    %scan3A_7 = arith.constant 128 : i32
    %mul3A_8 = arith.constant 640 : i32
    %mul3A_9 = arith.muli %arg1, %mul3A_8 : i32
    %add3A_10 = arith.constant 0 : i32
    %add3A_11 = arith.addi %mul3A_9, %add3A_10 : i32
    "tpu.region"() ({
      %run_scoped3A = tpu.sem_alloc : memref<!tpu.dma_semaphore, #tpu.memory_space<semaphore_mem>>
      %dma_start3A = arith.constant 0 : i32
      %dma_start3A_45 = tpu.memref_slice %arg7[%add3A_11, %dma_start3A] : memref<10240x128xf32, #tpu.memory_space<vmem_shared>> -> memref<128x128xf32, #tpu.memory_space<vmem_shared>>
      %dma_start3A_46 = arith.constant 0 : i32
      %dma_start3A_47 = tpu.memref_slice %arg7[%add3A_11, %dma_start3A_46] : memref<10240x128xf32, #tpu.memory_space<vmem_shared>> -> memref<128x128xf32, #tpu.memory_space<vmem_shared>>
      tpu.enqueue_dma source(%arg6 : memref<128x128xf32, #tpu.memory_space<vmem>>) target(%dma_start3A_47 : memref<128x128xf32, #tpu.memory_space<vmem_shared>>) target_semaphore(%run_scoped3A : memref<!tpu.dma_semaphore, #tpu.memory_space<semaphore_mem>>)
      %dma_wait3A = arith.constant 0 : i32
      %dma_wait3A_48 = tpu.memref_slice %arg7[%add3A_11, %dma_wait3A] : memref<10240x128xf32, #tpu.memory_space<vmem_shared>> -> memref<128x128xf32, #tpu.memory_space<vmem_shared>>
      %dma_wait3A_49 = arith.constant 0 : i32
      %dma_wait3A_50 = tpu.memref_slice %arg7[%add3A_11, %dma_wait3A_49] : memref<10240x128xf32, #tpu.memory_space<vmem_shared>> -> memref<128x128xf32, #tpu.memory_space<vmem_shared>>
      tpu.wait_dma2 semaphore(%run_scoped3A : memref<!tpu.dma_semaphore, #tpu.memory_space<semaphore_mem>>) src(%arg6 : memref<128x128xf32, #tpu.memory_space<vmem>>) dst(%dma_wait3A_50 : memref<128x128xf32, #tpu.memory_space<vmem_shared>>)
      tpu.yield
    }) : () -> ()
    %mul3A_12 = arith.constant 640 : i32
    %mul3A_13 = arith.muli %arg1, %mul3A_12 : i32
    %add3A_14 = arith.constant 128 : i32
    %add3A_15 = arith.addi %mul3A_13, %add3A_14 : i32
    "tpu.region"() ({
      %run_scoped3A = tpu.sem_alloc : memref<!tpu.dma_semaphore, #tpu.memory_space<semaphore_mem>>
      %dma_start3A = arith.constant 0 : i32
      %dma_start3A_45 = tpu.memref_slice %arg7[%add3A_15, %dma_start3A] : memref<10240x128xf32, #tpu.memory_space<vmem_shared>> -> memref<128x128xf32, #tpu.memory_space<vmem_shared>>
      %dma_start3A_46 = arith.constant 0 : i32
      %dma_start3A_47 = tpu.memref_slice %arg7[%add3A_15, %dma_start3A_46] : memref<10240x128xf32, #tpu.memory_space<vmem_shared>> -> memref<128x128xf32, #tpu.memory_space<vmem_shared>>
      tpu.enqueue_dma source(%arg6 : memref<128x128xf32, #tpu.memory_space<vmem>>) target(%dma_start3A_47 : memref<128x128xf32, #tpu.memory_space<vmem_shared>>) target_semaphore(%run_scoped3A : memref<!tpu.dma_semaphore, #tpu.memory_space<semaphore_mem>>)
      %dma_wait3A = arith.constant 0 : i32
      %dma_wait3A_48 = tpu.memref_slice %arg7[%add3A_15, %dma_wait3A] : memref<10240x128xf32, #tpu.memory_space<vmem_shared>> -> memref<128x128xf32, #tpu.memory_space<vmem_shared>>
      %dma_wait3A_49 = arith.constant 0 : i32
      %dma_wait3A_50 = tpu.memref_slice %arg7[%add3A_15, %dma_wait3A_49] : memref<10240x128xf32, #tpu.memory_space<vmem_shared>> -> memref<128x128xf32, #tpu.memory_space<vmem_shared>>
      tpu.wait_dma2 semaphore(%run_scoped3A : memref<!tpu.dma_semaphore, #tpu.memory_space<semaphore_mem>>) src(%arg6 : memref<128x128xf32, #tpu.memory_space<vmem>>) dst(%dma_wait3A_50 : memref<128x128xf32, #tpu.memory_space<vmem_shared>>)
      tpu.yield
    }) : () -> ()
    %mul3A_16 = arith.constant 640 : i32
    %mul3A_17 = arith.muli %arg1, %mul3A_16 : i32
    %add3A_18 = arith.constant 256 : i32
    %add3A_19 = arith.addi %mul3A_17, %add3A_18 : i32
    "tpu.region"() ({
      %run_scoped3A = tpu.sem_alloc : memref<!tpu.dma_semaphore, #tpu.memory_space<semaphore_mem>>
      %dma_start3A = arith.constant 0 : i32
      %dma_start3A_45 = tpu.memref_slice %arg7[%add3A_19, %dma_start3A] : memref<10240x128xf32, #tpu.memory_space<vmem_shared>> -> memref<128x128xf32, #tpu.memory_space<vmem_shared>>
      %dma_start3A_46 = arith.constant 0 : i32
      %dma_start3A_47 = tpu.memref_slice %arg7[%add3A_19, %dma_start3A_46] : memref<10240x128xf32, #tpu.memory_space<vmem_shared>> -> memref<128x128xf32, #tpu.memory_space<vmem_shared>>
      tpu.enqueue_dma source(%arg6 : memref<128x128xf32, #tpu.memory_space<vmem>>) target(%dma_start3A_47 : memref<128x128xf32, #tpu.memory_space<vmem_shared>>) target_semaphore(%run_scoped3A : memref<!tpu.dma_semaphore, #tpu.memory_space<semaphore_mem>>)
      %dma_wait3A = arith.constant 0 : i32
      %dma_wait3A_48 = tpu.memref_slice %arg7[%add3A_19, %dma_wait3A] : memref<10240x128xf32, #tpu.memory_space<vmem_shared>> -> memref<128x128xf32, #tpu.memory_space<vmem_shared>>
      %dma_wait3A_49 = arith.constant 0 : i32
      %dma_wait3A_50 = tpu.memref_slice %arg7[%add3A_19, %dma_wait3A_49] : memref<10240x128xf32, #tpu.memory_space<vmem_shared>> -> memref<128x128xf32, #tpu.memory_space<vmem_shared>>
      tpu.wait_dma2 semaphore(%run_scoped3A : memref<!tpu.dma_semaphore, #tpu.memory_space<semaphore_mem>>) src(%arg6 : memref<128x128xf32, #tpu.memory_space<vmem>>) dst(%dma_wait3A_50 : memref<128x128xf32, #tpu.memory_space<vmem_shared>>)
      tpu.yield
    }) : () -> ()
    %mul3A_20 = arith.constant 640 : i32
    %mul3A_21 = arith.muli %arg1, %mul3A_20 : i32
    %add3A_22 = arith.constant 384 : i32
    %add3A_23 = arith.addi %mul3A_21, %add3A_22 : i32
    "tpu.region"() ({
      %run_scoped3A = tpu.sem_alloc : memref<!tpu.dma_semaphore, #tpu.memory_space<semaphore_mem>>
      %dma_start3A = arith.constant 0 : i32
      %dma_start3A_45 = tpu.memref_slice %arg7[%add3A_23, %dma_start3A] : memref<10240x128xf32, #tpu.memory_space<vmem_shared>> -> memref<128x128xf32, #tpu.memory_space<vmem_shared>>
      %dma_start3A_46 = arith.constant 0 : i32
      %dma_start3A_47 = tpu.memref_slice %arg7[%add3A_23, %dma_start3A_46] : memref<10240x128xf32, #tpu.memory_space<vmem_shared>> -> memref<128x128xf32, #tpu.memory_space<vmem_shared>>
      tpu.enqueue_dma source(%arg6 : memref<128x128xf32, #tpu.memory_space<vmem>>) target(%dma_start3A_47 : memref<128x128xf32, #tpu.memory_space<vmem_shared>>) target_semaphore(%run_scoped3A : memref<!tpu.dma_semaphore, #tpu.memory_space<semaphore_mem>>)
      %dma_wait3A = arith.constant 0 : i32
      %dma_wait3A_48 = tpu.memref_slice %arg7[%add3A_23, %dma_wait3A] : memref<10240x128xf32, #tpu.memory_space<vmem_shared>> -> memref<128x128xf32, #tpu.memory_space<vmem_shared>>
      %dma_wait3A_49 = arith.constant 0 : i32
      %dma_wait3A_50 = tpu.memref_slice %arg7[%add3A_23, %dma_wait3A_49] : memref<10240x128xf32, #tpu.memory_space<vmem_shared>> -> memref<128x128xf32, #tpu.memory_space<vmem_shared>>
      tpu.wait_dma2 semaphore(%run_scoped3A : memref<!tpu.dma_semaphore, #tpu.memory_space<semaphore_mem>>) src(%arg6 : memref<128x128xf32, #tpu.memory_space<vmem>>) dst(%dma_wait3A_50 : memref<128x128xf32, #tpu.memory_space<vmem_shared>>)
      tpu.yield
    }) : () -> ()
    %mul3A_24 = arith.constant 640 : i32
    %mul3A_25 = arith.muli %arg1, %mul3A_24 : i32
    %add3A_26 = arith.constant 512 : i32
    %add3A_27 = arith.addi %mul3A_25, %add3A_26 : i32
    "tpu.region"() ({
      %run_scoped3A = tpu.sem_alloc : memref<!tpu.dma_semaphore, #tpu.memory_space<semaphore_mem>>
      %dma_start3A = arith.constant 0 : i32
      %dma_start3A_45 = tpu.memref_slice %arg7[%add3A_27, %dma_start3A] : memref<10240x128xf32, #tpu.memory_space<vmem_shared>> -> memref<128x128xf32, #tpu.memory_space<vmem_shared>>
      %dma_start3A_46 = arith.constant 0 : i32
      %dma_start3A_47 = tpu.memref_slice %arg7[%add3A_27, %dma_start3A_46] : memref<10240x128xf32, #tpu.memory_space<vmem_shared>> -> memref<128x128xf32, #tpu.memory_space<vmem_shared>>
      tpu.enqueue_dma source(%arg6 : memref<128x128xf32, #tpu.memory_space<vmem>>) target(%dma_start3A_47 : memref<128x128xf32, #tpu.memory_space<vmem_shared>>) target_semaphore(%run_scoped3A : memref<!tpu.dma_semaphore, #tpu.memory_space<semaphore_mem>>)
      %dma_wait3A = arith.constant 0 : i32
      %dma_wait3A_48 = tpu.memref_slice %arg7[%add3A_27, %dma_wait3A] : memref<10240x128xf32, #tpu.memory_space<vmem_shared>> -> memref<128x128xf32, #tpu.memory_space<vmem_shared>>
      %dma_wait3A_49 = arith.constant 0 : i32
      %dma_wait3A_50 = tpu.memref_slice %arg7[%add3A_27, %dma_wait3A_49] : memref<10240x128xf32, #tpu.memory_space<vmem_shared>> -> memref<128x128xf32, #tpu.memory_space<vmem_shared>>
      tpu.wait_dma2 semaphore(%run_scoped3A : memref<!tpu.dma_semaphore, #tpu.memory_space<semaphore_mem>>) src(%arg6 : memref<128x128xf32, #tpu.memory_space<vmem>>) dst(%dma_wait3A_50 : memref<128x128xf32, #tpu.memory_space<vmem_shared>>)
      tpu.yield
    }) : () -> ()
    %scan3A_28 = arith.constant 0 : i32
    %scan3A_29 = arith.constant 0 : i32
    %scan3A_30 = arith.constant 128 : i32
    %scan3A_31 = arith.addi %scan3A_29, %scan3A_30 : i32
    %scan3A_32 = arith.constant 1 : i32
    scf.for %scan3A_45 = %scan3A_29 to %scan3A_31 step %scan3A_32  : i32 {
      %broadcast_in_dim3A = arith.constant 1.000000e+00 : f32
      %broadcast_in_dim3A_46 = vector.broadcast %broadcast_in_dim3A : f32 to vector<16xf32>
      %swap3A = arith.index_cast %scan3A_45 : i32 to index
      %swap3A_47 = arith.constant 0 : index
      %swap3A_48 = tpu.vector_load %arg6[%swap3A, %swap3A_47] {strides = array<i32>} : memref<128x128xf32, #tpu.memory_space<vmem>>, vector<1x16xf32>,
      %swap3A_49 = vector.shape_cast %swap3A_48 : vector<1x16xf32> to vector<16xf32>
      %swap3A_50 = vector.shape_cast %broadcast_in_dim3A_46 : vector<16xf32> to vector<1x16xf32>
      tpu.vector_store %arg6[%swap3A, %swap3A_47], %swap3A_50 {strides = array<i32>} : memref<128x128xf32, #tpu.memory_space<vmem>>, vector<1x16xf32>,
      %broadcast_in_dim3A_51 = arith.constant 1.000000e+00 : f32
      %broadcast_in_dim3A_52 = vector.broadcast %broadcast_in_dim3A_51 : f32 to vector<16xf32>
      %swap3A_53 = arith.index_cast %scan3A_45 : i32 to index
      %swap3A_54 = arith.constant 16 : index
      %swap3A_55 = tpu.vector_load %arg6[%swap3A_53, %swap3A_54] {strides = array<i32>} : memref<128x128xf32, #tpu.memory_space<vmem>>, vector<1x16xf32>,
      %swap3A_56 = vector.shape_cast %swap3A_55 : vector<1x16xf32> to vector<16xf32>
      %swap3A_57 = vector.shape_cast %broadcast_in_dim3A_52 : vector<16xf32> to vector<1x16xf32>
      tpu.vector_store %arg6[%swap3A_53, %swap3A_54], %swap3A_57 {strides = array<i32>} : memref<128x128xf32, #tpu.memory_space<vmem>>, vector<1x16xf32>,
      %broadcast_in_dim3A_58 = arith.constant 1.000000e+00 : f32
      %broadcast_in_dim3A_59 = vector.broadcast %broadcast_in_dim3A_58 : f32 to vector<16xf32>
      %swap3A_60 = arith.index_cast %scan3A_45 : i32 to index
      %swap3A_61 = arith.constant 32 : index
      %swap3A_62 = tpu.vector_load %arg6[%swap3A_60, %swap3A_61] {strides = array<i32>} : memref<128x128xf32, #tpu.memory_space<vmem>>, vector<1x16xf32>,
      %swap3A_63 = vector.shape_cast %swap3A_62 : vector<1x16xf32> to vector<16xf32>
      %swap3A_64 = vector.shape_cast %broadcast_in_dim3A_59 : vector<16xf32> to vector<1x16xf32>
      tpu.vector_store %arg6[%swap3A_60, %swap3A_61], %swap3A_64 {strides = array<i32>} : memref<128x128xf32, #tpu.memory_space<vmem>>, vector<1x16xf32>,
      %broadcast_in_dim3A_65 = arith.constant 1.000000e+00 : f32
      %broadcast_in_dim3A_66 = vector.broadcast %broadcast_in_dim3A_65 : f32 to vector<16xf32>
      %swap3A_67 = arith.index_cast %scan3A_45 : i32 to index
      %swap3A_68 = arith.constant 48 : index
      %swap3A_69 = tpu.vector_load %arg6[%swap3A_67, %swap3A_68] {strides = array<i32>} : memref<128x128xf32, #tpu.memory_space<vmem>>, vector<1x16xf32>,
      %swap3A_70 = vector.shape_cast %swap3A_69 : vector<1x16xf32> to vector<16xf32>
      %swap3A_71 = vector.shape_cast %broadcast_in_dim3A_66 : vector<16xf32> to vector<1x16xf32>
      tpu.vector_store %arg6[%swap3A_67, %swap3A_68], %swap3A_71 {strides = array<i32>} : memref<128x128xf32, #tpu.memory_space<vmem>>, vector<1x16xf32>,
      %broadcast_in_dim3A_72 = arith.constant 1.000000e+00 : f32
      %broadcast_in_dim3A_73 = vector.broadcast %broadcast_in_dim3A_72 : f32 to vector<16xf32>
      %swap3A_74 = arith.index_cast %scan3A_45 : i32 to index
      %swap3A_75 = arith.constant 64 : index
      %swap3A_76 = tpu.vector_load %arg6[%swap3A_74, %swap3A_75] {strides = array<i32>} : memref<128x128xf32, #tpu.memory_space<vmem>>, vector<1x16xf32>,
      %swap3A_77 = vector.shape_cast %swap3A_76 : vector<1x16xf32> to vector<16xf32>
      %swap3A_78 = vector.shape_cast %broadcast_in_dim3A_73 : vector<16xf32> to vector<1x16xf32>
      tpu.vector_store %arg6[%swap3A_74, %swap3A_75], %swap3A_78 {strides = array<i32>} : memref<128x128xf32, #tpu.memory_space<vmem>>, vector<1x16xf32>,
      %broadcast_in_dim3A_79 = arith.constant 1.000000e+00 : f32
      %broadcast_in_dim3A_80 = vector.broadcast %broadcast_in_dim3A_79 : f32 to vector<16xf32>
      %swap3A_81 = arith.index_cast %scan3A_45 : i32 to index
      %swap3A_82 = arith.constant 80 : index
      %swap3A_83 = tpu.vector_load %arg6[%swap3A_81, %swap3A_82] {strides = array<i32>} : memref<128x128xf32, #tpu.memory_space<vmem>>, vector<1x16xf32>,
      %swap3A_84 = vector.shape_cast %swap3A_83 : vector<1x16xf32> to vector<16xf32>
      %swap3A_85 = vector.shape_cast %broadcast_in_dim3A_80 : vector<16xf32> to vector<1x16xf32>
      tpu.vector_store %arg6[%swap3A_81, %swap3A_82], %swap3A_85 {strides = array<i32>} : memref<128x128xf32, #tpu.memory_space<vmem>>, vector<1x16xf32>,
      %broadcast_in_dim3A_86 = arith.constant 1.000000e+00 : f32
      %broadcast_in_dim3A_87 = vector.broadcast %broadcast_in_dim3A_86 : f32 to vector<16xf32>
      %swap3A_88 = arith.index_cast %scan3A_45 : i32 to index
      %swap3A_89 = arith.constant 96 : index
      %swap3A_90 = tpu.vector_load %arg6[%swap3A_88, %swap3A_89] {strides = array<i32>} : memref<128x128xf32, #tpu.memory_space<vmem>>, vector<1x16xf32>,
      %swap3A_91 = vector.shape_cast %swap3A_90 : vector<1x16xf32> to vector<16xf32>
      %swap3A_92 = vector.shape_cast %broadcast_in_dim3A_87 : vector<16xf32> to vector<1x16xf32>
      tpu.vector_store %arg6[%swap3A_88, %swap3A_89], %swap3A_92 {strides = array<i32>} : memref<128x128xf32, #tpu.memory_space<vmem>>, vector<1x16xf32>,
      %broadcast_in_dim3A_93 = arith.constant 1.000000e+00 : f32
      %broadcast_in_dim3A_94 = vector.broadcast %broadcast_in_dim3A_93 : f32 to vector<16xf32>
      %swap3A_95 = arith.index_cast %scan3A_45 : i32 to index
      %swap3A_96 = arith.constant 112 : index
      %swap3A_97 = tpu.vector_load %arg6[%swap3A_95, %swap3A_96] {strides = array<i32>} : memref<128x128xf32, #tpu.memory_space<vmem>>, vector<1x16xf32>,
      %swap3A_98 = vector.shape_cast %swap3A_97 : vector<1x16xf32> to vector<16xf32>
      %swap3A_99 = vector.shape_cast %broadcast_in_dim3A_94 : vector<16xf32> to vector<1x16xf32>
      tpu.vector_store %arg6[%swap3A_95, %swap3A_96], %swap3A_99 {strides = array<i32>} : memref<128x128xf32, #tpu.memory_space<vmem>>, vector<1x16xf32>,
    }
    %scan3A_33 = arith.constant 128 : i32
    %barrier3A = arith.constant 0 : index
    tpu.barrier barrier_id(%barrier3A)
    "tpu.region"() ({
      %run_scoped3A = tpu.sem_alloc : memref<!tpu.dma_semaphore, #tpu.memory_space<semaphore_mem>>
      %dma_start3A = arith.constant 0 : i32
      %dma_start3A_45 = arith.constant 0 : i32
      %dma_start3A_46 = tpu.memref_slice %arg2[%mul3A_2, %dma_start3A, %dma_start3A_45] : memref<2560x2x128xi32, #tpu.memory_space<hbm>> -> memref<1x2x128xi32, #tpu.memory_space<hbm>>
      %dma_start3A_47 = tpu.memref_squeeze %dma_start3A_46 : memref<1x2x128xi32, #tpu.memory_space<hbm>> -> memref<2x128xi32, #tpu.memory_space<hbm>>
      %dma_start3A_48 = arith.constant 0 : i32
      %dma_start3A_49 = arith.constant 0 : i32
      %dma_start3A_50 = tpu.memref_slice %arg2[%mul3A_2, %dma_start3A_48, %dma_start3A_49] : memref<2560x2x128xi32, #tpu.memory_space<hbm>> -> memref<1x2x128xi32, #tpu.memory_space<hbm>>
      %dma_start3A_51 = tpu.memref_squeeze %dma_start3A_50 : memref<1x2x128xi32, #tpu.memory_space<hbm>> -> memref<2x128xi32, #tpu.memory_space<hbm>>
      tpu.enqueue_dma source(%dma_start3A_51 : memref<2x128xi32, #tpu.memory_space<hbm>>) target(%arg4 : memref<2x128xi32, #tpu.memory_space<vmem>>) target_semaphore(%run_scoped3A : memref<!tpu.dma_semaphore, #tpu.memory_space<semaphore_mem>>)
      %dma_wait3A = arith.constant 0 : i32
      %dma_wait3A_52 = arith.constant 0 : i32
      %dma_wait3A_53 = tpu.memref_slice %arg2[%mul3A_2, %dma_wait3A, %dma_wait3A_52] : memref<2560x2x128xi32, #tpu.memory_space<hbm>> -> memref<1x2x128xi32, #tpu.memory_space<hbm>>
      %dma_wait3A_54 = tpu.memref_squeeze %dma_wait3A_53 : memref<1x2x128xi32, #tpu.memory_space<hbm>> -> memref<2x128xi32, #tpu.memory_space<hbm>>
      %dma_wait3A_55 = arith.constant 0 : i32
      %dma_wait3A_56 = arith.constant 0 : i32
      %dma_wait3A_57 = tpu.memref_slice %arg2[%mul3A_2, %dma_wait3A_55, %dma_wait3A_56] : memref<2560x2x128xi32, #tpu.memory_space<hbm>> -> memref<1x2x128xi32, #tpu.memory_space<hbm>>
      %dma_wait3A_58 = tpu.memref_squeeze %dma_wait3A_57 : memref<1x2x128xi32, #tpu.memory_space<hbm>> -> memref<2x128xi32, #tpu.memory_space<hbm>>
      tpu.wait_dma2 semaphore(%run_scoped3A : memref<!tpu.dma_semaphore, #tpu.memory_space<semaphore_mem>>) src(%dma_wait3A_58 : memref<2x128xi32, #tpu.memory_space<hbm>>) dst(%arg4 : memref<2x128xi32, #tpu.memory_space<vmem>>)
      tpu.yield
    }) : () -> ()
    %scan3A_34 = arith.constant 0 : i32
    %scan3A_35 = arith.constant 0 : i32
    %scan3A_36 = arith.constant 40 : i32
    %scan3A_37 = arith.addi %scan3A_35, %scan3A_36 : i32
    %scan3A_38 = arith.constant 1 : i32
    scf.for %scan3A_45 = %scan3A_35 to %scan3A_37 step %scan3A_38  : i32 {
      %mul3A_46 = arith.constant 2 : i32
      %mul3A_47 = arith.muli %mul3A_46, %scan3A_45 : i32
      %add3A_48 = arith.addi %mul3A_2, %mul3A_47 : i32
      %add3A_49 = arith.constant 1 : i32
      %add3A_50 = arith.addi %add3A_48, %add3A_49 : i32
      %dma_start3A = arith.constant 0 : i32
      %dma_start3A_51 = arith.constant 0 : i32
      %dma_start3A_52 = tpu.memref_slice %arg2[%add3A_50, %dma_start3A, %dma_start3A_51] : memref<2560x2x128xi32, #tpu.memory_space<hbm>> -> memref<1x2x128xi32, #tpu.memory_space<hbm>>
      %dma_start3A_53 = tpu.memref_squeeze %dma_start3A_52 : memref<1x2x128xi32, #tpu.memory_space<hbm>> -> memref<2x128xi32, #tpu.memory_space<hbm>>
      %dma_start3A_54 = arith.constant 0 : i32
      %dma_start3A_55 = arith.constant 0 : i32
      %dma_start3A_56 = tpu.memref_slice %arg2[%add3A_50, %dma_start3A_54, %dma_start3A_55] : memref<2560x2x128xi32, #tpu.memory_space<hbm>> -> memref<1x2x128xi32, #tpu.memory_space<hbm>>
      %dma_start3A_57 = tpu.memref_squeeze %dma_start3A_56 : memref<1x2x128xi32, #tpu.memory_space<hbm>> -> memref<2x128xi32, #tpu.memory_space<hbm>>
      tpu.enqueue_dma source(%dma_start3A_57 : memref<2x128xi32, #tpu.memory_space<hbm>>) target(%arg5 : memref<2x128xi32, #tpu.memory_space<vmem>>) target_semaphore(%arg9 : memref<!tpu.dma_semaphore, #tpu.memory_space<semaphore_mem>>)
      %run_scoped3A = arith.constant 1 : i32
      "tpu.region"() ({
        %run_scoped3A_75 = tpu.sem_alloc : memref<!tpu.dma_semaphore, #tpu.memory_space<semaphore_mem>>
        %dma_start3A_76 = arith.constant 0 : i32
        %dma_start3A_77 = tpu.memref_slice %arg4[%run_scoped3A, %dma_start3A_76] : memref<2x128xi32, #tpu.memory_space<vmem>> -> memref<1x128xi32, #tpu.memory_space<vmem>>
        %dma_start3A_78 = tpu.memref_squeeze %dma_start3A_77 : memref<1x128xi32, #tpu.memory_space<vmem>> -> memref<128xi32, #tpu.memory_space<vmem>>
        %dma_start3A_79 = arith.constant 0 : i32
        %dma_start3A_80 = arith.constant 0 : i32
        %dma_start3A_81 = tpu.memref_slice %arg7[%dma_start3A_79, %dma_start3A_80] : memref<10240x128xf32, #tpu.memory_space<vmem_shared>> -> memref<10240x128xf32, #tpu.memory_space<vmem_shared>>
        tpu.enqueue_indirect_dma source(%arg6 : memref<128x128xf32, #tpu.memory_space<vmem>>) target(%dma_start3A_81 : memref<10240x128xf32, #tpu.memory_space<vmem_shared>>) offsets(%dma_start3A_78 : memref<128xi32, #tpu.memory_space<vmem>>) semaphore(%run_scoped3A_75 : memref<!tpu.dma_semaphore, #tpu.memory_space<semaphore_mem>>) {add = true}
        %dma_wait3A_82 = arith.constant 0 : i32
        %dma_wait3A_83 = tpu.memref_slice %arg4[%run_scoped3A, %dma_wait3A_82] : memref<2x128xi32, #tpu.memory_space<vmem>> -> memref<1x128xi32, #tpu.memory_space<vmem>>
        %dma_wait3A_84 = tpu.memref_squeeze %dma_wait3A_83 : memref<1x128xi32, #tpu.memory_space<vmem>> -> memref<128xi32, #tpu.memory_space<vmem>>
        %dma_wait3A_85 = arith.constant 0 : i32
        %dma_wait3A_86 = arith.constant 0 : i32
        %dma_wait3A_87 = tpu.memref_slice %arg7[%dma_wait3A_85, %dma_wait3A_86] : memref<10240x128xf32, #tpu.memory_space<vmem_shared>> -> memref<10240x128xf32, #tpu.memory_space<vmem_shared>>
        tpu.wait_indirect_dma semaphore(%run_scoped3A_75 : memref<!tpu.dma_semaphore, #tpu.memory_space<semaphore_mem>>) src(%arg6 : memref<128x128xf32, #tpu.memory_space<vmem>>) dst(%dma_wait3A_87 : memref<10240x128xf32, #tpu.memory_space<vmem_shared>>)
        tpu.yield
      }) : () -> ()
      %lt3A = arith.constant 39 : i32
      %lt3A_58 = arith.cmpi slt, %scan3A_45, %lt3A : i32
      %convert_element_type3A = arith.extui %lt3A_58 : i1 to i32
      %cond3A = arith.constant 0 : i32
      %cond3A_59 = arith.cmpi ne, %convert_element_type3A, %cond3A : i32
      scf.if %cond3A_59 {
        %add3A_75 = arith.constant 2 : i32
        %add3A_76 = arith.addi %add3A_48, %add3A_75 : i32
        %dma_start3A_77 = arith.constant 0 : i32
        %dma_start3A_78 = arith.constant 0 : i32
        %dma_start3A_79 = tpu.memref_slice %arg2[%add3A_76, %dma_start3A_77, %dma_start3A_78] : memref<2560x2x128xi32, #tpu.memory_space<hbm>> -> memref<1x2x128xi32, #tpu.memory_space<hbm>>
        %dma_start3A_80 = tpu.memref_squeeze %dma_start3A_79 : memref<1x2x128xi32, #tpu.memory_space<hbm>> -> memref<2x128xi32, #tpu.memory_space<hbm>>
        %dma_start3A_81 = arith.constant 0 : i32
        %dma_start3A_82 = arith.constant 0 : i32
        %dma_start3A_83 = tpu.memref_slice %arg2[%add3A_76, %dma_start3A_81, %dma_start3A_82] : memref<2560x2x128xi32, #tpu.memory_space<hbm>> -> memref<1x2x128xi32, #tpu.memory_space<hbm>>
        %dma_start3A_84 = tpu.memref_squeeze %dma_start3A_83 : memref<1x2x128xi32, #tpu.memory_space<hbm>> -> memref<2x128xi32, #tpu.memory_space<hbm>>
        tpu.enqueue_dma source(%dma_start3A_84 : memref<2x128xi32, #tpu.memory_space<hbm>>) target(%arg4 : memref<2x128xi32, #tpu.memory_space<vmem>>) target_semaphore(%arg8 : memref<!tpu.dma_semaphore, #tpu.memory_space<semaphore_mem>>)
      } else {
      }
      %add3A_60 = arith.constant 1 : i32
      %add3A_61 = arith.addi %add3A_48, %add3A_60 : i32
      %dma_wait3A = arith.constant 0 : i32
      %dma_wait3A_62 = arith.constant 0 : i32
      %dma_wait3A_63 = tpu.memref_slice %arg2[%add3A_61, %dma_wait3A, %dma_wait3A_62] : memref<2560x2x128xi32, #tpu.memory_space<hbm>> -> memref<1x2x128xi32, #tpu.memory_space<hbm>>
      %dma_wait3A_64 = tpu.memref_squeeze %dma_wait3A_63 : memref<1x2x128xi32, #tpu.memory_space<hbm>> -> memref<2x128xi32, #tpu.memory_space<hbm>>
      %dma_wait3A_65 = arith.constant 0 : i32
      %dma_wait3A_66 = arith.constant 0 : i32
      %dma_wait3A_67 = tpu.memref_slice %arg2[%add3A_61, %dma_wait3A_65, %dma_wait3A_66] : memref<2560x2x128xi32, #tpu.memory_space<hbm>> -> memref<1x2x128xi32, #tpu.memory_space<hbm>>
      %dma_wait3A_68 = tpu.memref_squeeze %dma_wait3A_67 : memref<1x2x128xi32, #tpu.memory_space<hbm>> -> memref<2x128xi32, #tpu.memory_space<hbm>>
      tpu.wait_dma2 semaphore(%arg9 : memref<!tpu.dma_semaphore, #tpu.memory_space<semaphore_mem>>) src(%dma_wait3A_68 : memref<2x128xi32, #tpu.memory_space<hbm>>) dst(%arg5 : memref<2x128xi32, #tpu.memory_space<vmem>>)
      %run_scoped3A_69 = arith.constant 1 : i32
      "tpu.region"() ({
        %run_scoped3A_75 = tpu.sem_alloc : memref<!tpu.dma_semaphore, #tpu.memory_space<semaphore_mem>>
        %dma_start3A_76 = arith.constant 0 : i32
        %dma_start3A_77 = tpu.memref_slice %arg5[%run_scoped3A_69, %dma_start3A_76] : memref<2x128xi32, #tpu.memory_space<vmem>> -> memref<1x128xi32, #tpu.memory_space<vmem>>
        %dma_start3A_78 = tpu.memref_squeeze %dma_start3A_77 : memref<1x128xi32, #tpu.memory_space<vmem>> -> memref<128xi32, #tpu.memory_space<vmem>>
        %dma_start3A_79 = arith.constant 0 : i32
        %dma_start3A_80 = arith.constant 0 : i32
        %dma_start3A_81 = tpu.memref_slice %arg7[%dma_start3A_79, %dma_start3A_80] : memref<10240x128xf32, #tpu.memory_space<vmem_shared>> -> memref<10240x128xf32, #tpu.memory_space<vmem_shared>>
        tpu.enqueue_indirect_dma source(%arg6 : memref<128x128xf32, #tpu.memory_space<vmem>>) target(%dma_start3A_81 : memref<10240x128xf32, #tpu.memory_space<vmem_shared>>) offsets(%dma_start3A_78 : memref<128xi32, #tpu.memory_space<vmem>>) semaphore(%run_scoped3A_75 : memref<!tpu.dma_semaphore, #tpu.memory_space<semaphore_mem>>) {add = true}
        %dma_wait3A_82 = arith.constant 0 : i32
        %dma_wait3A_83 = tpu.memref_slice %arg5[%run_scoped3A_69, %dma_wait3A_82] : memref<2x128xi32, #tpu.memory_space<vmem>> -> memref<1x128xi32, #tpu.memory_space<vmem>>
        %dma_wait3A_84 = tpu.memref_squeeze %dma_wait3A_83 : memref<1x128xi32, #tpu.memory_space<vmem>> -> memref<128xi32, #tpu.memory_space<vmem>>
        %dma_wait3A_85 = arith.constant 0 : i32
        %dma_wait3A_86 = arith.constant 0 : i32
        %dma_wait3A_87 = tpu.memref_slice %arg7[%dma_wait3A_85, %dma_wait3A_86] : memref<10240x128xf32, #tpu.memory_space<vmem_shared>> -> memref<10240x128xf32, #tpu.memory_space<vmem_shared>>
        tpu.wait_indirect_dma semaphore(%run_scoped3A_75 : memref<!tpu.dma_semaphore, #tpu.memory_space<semaphore_mem>>) src(%arg6 : memref<128x128xf32, #tpu.memory_space<vmem>>) dst(%dma_wait3A_87 : memref<10240x128xf32, #tpu.memory_space<vmem_shared>>)
        tpu.yield
      }) : () -> ()
      %lt3A_70 = arith.constant 39 : i32
      %lt3A_71 = arith.cmpi slt, %scan3A_45, %lt3A_70 : i32
      %convert_element_type3A_72 = arith.extui %lt3A_71 : i1 to i32
      %cond3A_73 = arith.constant 0 : i32
      %cond3A_74 = arith.cmpi ne, %convert_element_type3A_72, %cond3A_73 : i32
      scf.if %cond3A_74 {
        %add3A_75 = arith.constant 2 : i32
        %add3A_76 = arith.addi %add3A_48, %add3A_75 : i32
        %dma_wait3A_77 = arith.constant 0 : i32
        %dma_wait3A_78 = arith.constant 0 : i32
        %dma_wait3A_79 = tpu.memref_slice %arg2[%add3A_76, %dma_wait3A_77, %dma_wait3A_78] : memref<2560x2x128xi32, #tpu.memory_space<hbm>> -> memref<1x2x128xi32, #tpu.memory_space<hbm>>
        %dma_wait3A_80 = tpu.memref_squeeze %dma_wait3A_79 : memref<1x2x128xi32, #tpu.memory_space<hbm>> -> memref<2x128xi32, #tpu.memory_space<hbm>>
        %dma_wait3A_81 = arith.constant 0 : i32
        %dma_wait3A_82 = arith.constant 0 : i32
        %dma_wait3A_83 = tpu.memref_slice %arg2[%add3A_76, %dma_wait3A_81, %dma_wait3A_82] : memref<2560x2x128xi32, #tpu.memory_space<hbm>> -> memref<1x2x128xi32, #tpu.memory_space<hbm>>
        %dma_wait3A_84 = tpu.memref_squeeze %dma_wait3A_83 : memref<1x2x128xi32, #tpu.memory_space<hbm>> -> memref<2x128xi32, #tpu.memory_space<hbm>>
        tpu.wait_dma2 semaphore(%arg8 : memref<!tpu.dma_semaphore, #tpu.memory_space<semaphore_mem>>) src(%dma_wait3A_84 : memref<2x128xi32, #tpu.memory_space<hbm>>) dst(%arg4 : memref<2x128xi32, #tpu.memory_space<vmem>>)
      } else {
      }
    }
    %scan3A_39 = arith.constant 40 : i32
    %barrier3A_40 = arith.constant 0 : index
    tpu.barrier barrier_id(%barrier3A_40)
    %mul3A_41 = arith.constant 640 : i32
    %mul3A_42 = arith.muli %arg1, %mul3A_41 : i32
    %mul3A_43 = arith.constant 640 : i32
    %mul3A_44 = arith.muli %arg1, %mul3A_43 : i32
    "tpu.region"() ({
      %run_scoped3A = tpu.sem_alloc : memref<!tpu.dma_semaphore, #tpu.memory_space<semaphore_mem>>
      %dma_start3A = arith.constant 0 : i32
      %dma_start3A_45 = arith.constant 0 : i32
      %dma_start3A_46 = tpu.memref_slice %arg3[%arg0, %dma_start3A, %dma_start3A_45] : memref<2x10240x128xf32, #tpu.memory_space<hbm>> -> memref<1x10240x128xf32, #tpu.memory_space<hbm>>
      %dma_start3A_47 = tpu.memref_squeeze %dma_start3A_46 : memref<1x10240x128xf32, #tpu.memory_space<hbm>> -> memref<10240x128xf32, #tpu.memory_space<hbm>>
      %dma_start3A_48 = arith.constant 0 : i32
      %dma_start3A_49 = tpu.memref_slice %dma_start3A_47[%mul3A_44, %dma_start3A_48] : memref<10240x128xf32, #tpu.memory_space<hbm>> -> memref<640x128xf32, #tpu.memory_space<hbm>>
      %dma_start3A_50 = arith.constant 0 : i32
      %dma_start3A_51 = tpu.memref_slice %arg7[%mul3A_42, %dma_start3A_50] : memref<10240x128xf32, #tpu.memory_space<vmem_shared>> -> memref<640x128xf32, #tpu.memory_space<vmem_shared>>
      tpu.enqueue_dma source(%dma_start3A_51 : memref<640x128xf32, #tpu.memory_space<vmem_shared>>) target(%dma_start3A_49 : memref<640x128xf32, #tpu.memory_space<hbm>>) target_semaphore(%run_scoped3A : memref<!tpu.dma_semaphore, #tpu.memory_space<semaphore_mem>>)
      %dma_wait3A = arith.constant 0 : i32
      %dma_wait3A_52 = arith.constant 0 : i32
      %dma_wait3A_53 = tpu.memref_slice %arg3[%arg0, %dma_wait3A, %dma_wait3A_52] : memref<2x10240x128xf32, #tpu.memory_space<hbm>> -> memref<1x10240x128xf32, #tpu.memory_space<hbm>>
      %dma_wait3A_54 = tpu.memref_squeeze %dma_wait3A_53 : memref<1x10240x128xf32, #tpu.memory_space<hbm>> -> memref<10240x128xf32, #tpu.memory_space<hbm>>
      %dma_wait3A_55 = arith.constant 0 : i32
      %dma_wait3A_56 = tpu.memref_slice %dma_wait3A_54[%mul3A_44, %dma_wait3A_55] : memref<10240x128xf32, #tpu.memory_space<hbm>> -> memref<640x128xf32, #tpu.memory_space<hbm>>
      %dma_wait3A_57 = arith.constant 0 : i32
      %dma_wait3A_58 = tpu.memref_slice %arg7[%mul3A_42, %dma_wait3A_57] : memref<10240x128xf32, #tpu.memory_space<vmem_shared>> -> memref<640x128xf32, #tpu.memory_space<vmem_shared>>
      tpu.wait_dma2 semaphore(%run_scoped3A : memref<!tpu.dma_semaphore, #tpu.memory_space<semaphore_mem>>) src(%dma_wait3A_58 : memref<640x128xf32, #tpu.memory_space<vmem_shared>>) dst(%dma_wait3A_56 : memref<640x128xf32, #tpu.memory_space<hbm>>)
      tpu.yield
    }) : () -> ()
    return
  }
}

module attributes {stable_mosaic.version = 14 : i64} {
  func.func @_prep_body(%arg0: i32, %arg1: memref<1000x128xf32, #tpu.memory_space<vmem>>, %arg2: memref<128x128xf32, #tpu.memory_space<vmem>>, %arg3: memref<2x1000x128xf32, #tpu.memory_space<vmem>>, %arg4: memref<1000x128xf32, #tpu.memory_space<vmem>>) attributes {dimension_semantics = [#tpu.dimension_semantics<arbitrary>], iteration_bounds = array<i64: 10>, scalar_prefetch = 0 : i64, scratch_operands = 0 : i64, tpu.core_type = #tpu.core_type<tc>, window_params = [{transform_indices = @transform_0, window_bounds = array<i64: 1000, 128>}, {pipeline_mode = #tpu.pipeline_mode<synchronous>, transform_indices = @transform_1, window_bounds = array<i64: 128, 128>}, {transform_indices = @transform_2, window_bounds = array<i64: 2, 1000, 128>}, {transform_indices = @transform_3, window_bounds = array<i64: 1000, 128>}]} {
    %get3A = arith.constant 0 : index
    %get3A_0 = arith.constant 0 : index
    %get3A_1 = arith.constant 0 : index
    %get3A_2 = vector.load %arg3[%get3A, %get3A_0, %get3A_1] : memref<2x1000x128xf32, #tpu.memory_space<vmem>>, vector<1x1000x1xf32>
    %get3A_3 = vector.shape_cast %get3A_2 : vector<1x1000x1xf32> to vector<1000x1xf32>
    %get3A_4 = arith.constant 1 : index
    %get3A_5 = arith.constant 0 : index
    %get3A_6 = arith.constant 0 : index
    %get3A_7 = vector.load %arg3[%get3A_4, %get3A_5, %get3A_6] : memref<2x1000x128xf32, #tpu.memory_space<vmem>>, vector<1x1000x1xf32>
    %get3A_8 = vector.shape_cast %get3A_7 : vector<1x1000x1xf32> to vector<1000x1xf32>
    %add3A = arith.addf %get3A_3, %get3A_8 : vector<1000x1xf32>
    %add3A_9 = arith.constant 1.000000e+00 : f32
    %add3A_10 = vector.broadcast %add3A_9 : f32 to vector<1000x1xf32>
    %add3A_11 = arith.addf %add3A, %add3A_10 : vector<1000x1xf32>
    %rsqrt3A = math.rsqrt %add3A_11 : vector<1000x1xf32>
    %get3A_12 = arith.constant 0 : index
    %get3A_13 = arith.constant 0 : index
    %get3A_14 = vector.load %arg1[%get3A_12, %get3A_13] : memref<1000x128xf32, #tpu.memory_space<vmem>>, vector<1000x128xf32>
    %get3A_15 = arith.constant 0 : index
    %get3A_16 = arith.constant 0 : index
    %get3A_17 = vector.load %arg2[%get3A_15, %get3A_16] : memref<128x128xf32, #tpu.memory_space<vmem>>, vector<128x128xf32>
    %dot_general3A = arith.constant dense<0.000000e+00> : vector<1000x128xf32>
    %dot_general3A_18 = tpu.matmul %get3A_14, %get3A_17, %dot_general3A {dimension_numbers = #tpu.dot_dimension_numbers<[1], [0], [0], [1], [0, 0, 1, 1], [], []>, transpose_lhs_hint = false} : vector<1000x128xf32>, vector<128x128xf32>, vector<1000x128xf32> -> vector<1000x128xf32>
    %mul3A = vector.broadcast %rsqrt3A : vector<1000x1xf32> to vector<1000x128xf32>
    %mul3A_19 = arith.mulf %dot_general3A_18, %mul3A : vector<1000x128xf32>
    %swap3A = arith.constant 0 : index
    %swap3A_20 = arith.constant 0 : index
    %swap3A_21 = vector.load %arg4[%swap3A, %swap3A_20] : memref<1000x128xf32, #tpu.memory_space<vmem>>, vector<1000x128xf32>
    tpu.vector_store %arg4[%swap3A, %swap3A_20], %mul3A_19 {strides = array<i32>} : memref<1000x128xf32, #tpu.memory_space<vmem>>, vector<1000x128xf32>,
    return
  }
  func.func @transform_0(%arg0: i32) -> (i32, i32) {
    %c0_i32 = arith.constant 0 : i32
    %c0_i32_0 = arith.constant 0 : i32
    return %arg0, %c0_i32 : i32, i32
  }
  func.func @transform_1(%arg0: i32) -> (i32, i32) {
    %c0_i32 = arith.constant 0 : i32
    %c0_i32_0 = arith.constant 0 : i32
    %c0_i32_1 = arith.constant 0 : i32
    return %c0_i32, %c0_i32_0 : i32, i32
  }
  func.func @transform_2(%arg0: i32) -> (i32, i32, i32) {
    %c0_i32 = arith.constant 0 : i32
    %c0_i32_0 = arith.constant 0 : i32
    %c0_i32_1 = arith.constant 0 : i32
    return %c0_i32, %arg0, %c0_i32_0 : i32, i32, i32
  }
  func.func @transform_3(%arg0: i32) -> (i32, i32) {
    %c0_i32 = arith.constant 0 : i32
    %c0_i32_0 = arith.constant 0 : i32
    return %arg0, %c0_i32 : i32, i32
  }
}

module attributes {stable_mosaic.version = 14 : i64} {
  func.func @_comb_mm_body(%arg0: i32, %arg1: memref<2x1000x128xf32, #tpu.memory_space<vmem>>, %arg2: memref<1000x128xf32, #tpu.memory_space<vmem>>, %arg3: memref<2x1000x128xf32, #tpu.memory_space<vmem>>, %arg4: memref<1x128xf32, #tpu.memory_space<vmem>>, %arg5: memref<128x128xf32, #tpu.memory_space<vmem>>, %arg6: memref<1000x128xf32, #tpu.memory_space<vmem>>) attributes {dimension_semantics = [#tpu.dimension_semantics<arbitrary>], iteration_bounds = array<i64: 10>, scalar_prefetch = 0 : i64, scratch_operands = 0 : i64, tpu.core_type = #tpu.core_type<tc>, window_params = [{transform_indices = @transform_0, window_bounds = array<i64: 2, 1000, 128>}, {transform_indices = @transform_1, window_bounds = array<i64: 1000, 128>}, {transform_indices = @transform_2, window_bounds = array<i64: 2, 1000, 128>}, {pipeline_mode = #tpu.pipeline_mode<synchronous>, transform_indices = @transform_3, window_bounds = array<i64: 1, 128>}, {pipeline_mode = #tpu.pipeline_mode<synchronous>, transform_indices = @transform_4, window_bounds = array<i64: 128, 128>}, {transform_indices = @transform_5, window_bounds = array<i64: 1000, 128>}]} {
    %get3A = arith.constant 0 : index
    %get3A_0 = arith.constant 0 : index
    %get3A_1 = arith.constant 0 : index
    %get3A_2 = vector.load %arg3[%get3A, %get3A_0, %get3A_1] : memref<2x1000x128xf32, #tpu.memory_space<vmem>>, vector<1x1000x1xf32>
    %get3A_3 = vector.shape_cast %get3A_2 : vector<1x1000x1xf32> to vector<1000x1xf32>
    %get3A_4 = arith.constant 1 : index
    %get3A_5 = arith.constant 0 : index
    %get3A_6 = arith.constant 0 : index
    %get3A_7 = vector.load %arg3[%get3A_4, %get3A_5, %get3A_6] : memref<2x1000x128xf32, #tpu.memory_space<vmem>>, vector<1x1000x1xf32>
    %get3A_8 = vector.shape_cast %get3A_7 : vector<1x1000x1xf32> to vector<1000x1xf32>
    %add3A = arith.addf %get3A_3, %get3A_8 : vector<1000x1xf32>
    %add3A_9 = arith.constant 1.000000e+00 : f32
    %add3A_10 = vector.broadcast %add3A_9 : f32 to vector<1000x1xf32>
    %add3A_11 = arith.addf %add3A, %add3A_10 : vector<1000x1xf32>
    %rsqrt3A = math.rsqrt %add3A_11 : vector<1000x1xf32>
    %get3A_12 = arith.constant 0 : index
    %get3A_13 = arith.constant 0 : index
    %get3A_14 = arith.constant 0 : index
    %get3A_15 = vector.load %arg1[%get3A_12, %get3A_13, %get3A_14] : memref<2x1000x128xf32, #tpu.memory_space<vmem>>, vector<1x1000x128xf32>
    %get3A_16 = vector.shape_cast %get3A_15 : vector<1x1000x128xf32> to vector<1000x128xf32>
    %get3A_17 = arith.constant 1 : index
    %get3A_18 = arith.constant 0 : index
    %get3A_19 = arith.constant 0 : index
    %get3A_20 = vector.load %arg1[%get3A_17, %get3A_18, %get3A_19] : memref<2x1000x128xf32, #tpu.memory_space<vmem>>, vector<1x1000x128xf32>
    %get3A_21 = vector.shape_cast %get3A_20 : vector<1x1000x128xf32> to vector<1000x128xf32>
    %add3A_22 = arith.addf %get3A_16, %get3A_21 : vector<1000x128xf32>
    %get3A_23 = arith.constant 0 : index
    %get3A_24 = arith.constant 0 : index
    %get3A_25 = vector.load %arg2[%get3A_23, %get3A_24] : memref<1000x128xf32, #tpu.memory_space<vmem>>, vector<1000x128xf32>
    %add3A_26 = arith.addf %add3A_22, %get3A_25 : vector<1000x128xf32>
    %mul3A = vector.broadcast %rsqrt3A : vector<1000x1xf32> to vector<1000x128xf32>
    %mul3A_27 = arith.mulf %add3A_26, %mul3A : vector<1000x128xf32>
    %get3A_28 = arith.constant 0 : index
    %get3A_29 = arith.constant 0 : index
    %get3A_30 = vector.load %arg4[%get3A_28, %get3A_29] : memref<1x128xf32, #tpu.memory_space<vmem>>, vector<1x128xf32>
    %add3A_31 = vector.broadcast %get3A_30 : vector<1x128xf32> to vector<1000x128xf32>
    %add3A_32 = arith.addf %mul3A_27, %add3A_31 : vector<1000x128xf32>
    %max3A = arith.constant 0.000000e+00 : f32
    %max3A_33 = vector.broadcast %max3A : f32 to vector<1000x128xf32>
    %max3A_34 = arith.maximumf %add3A_32, %max3A_33 : vector<1000x128xf32>
    %get3A_35 = arith.constant 0 : index
    %get3A_36 = arith.constant 0 : index
    %get3A_37 = vector.load %arg5[%get3A_35, %get3A_36] : memref<128x128xf32, #tpu.memory_space<vmem>>, vector<128x128xf32>
    %dot_general3A = arith.constant dense<0.000000e+00> : vector<1000x128xf32>
    %dot_general3A_38 = tpu.matmul %max3A_34, %get3A_37, %dot_general3A {dimension_numbers = #tpu.dot_dimension_numbers<[1], [0], [0], [1], [0, 0, 1, 1], [], []>, transpose_lhs_hint = false} : vector<1000x128xf32>, vector<128x128xf32>, vector<1000x128xf32> -> vector<1000x128xf32>
    %mul3A_39 = vector.broadcast %rsqrt3A : vector<1000x1xf32> to vector<1000x128xf32>
    %mul3A_40 = arith.mulf %dot_general3A_38, %mul3A_39 : vector<1000x128xf32>
    %swap3A = arith.constant 0 : index
    %swap3A_41 = arith.constant 0 : index
    %swap3A_42 = vector.load %arg6[%swap3A, %swap3A_41] : memref<1000x128xf32, #tpu.memory_space<vmem>>, vector<1000x128xf32>
    tpu.vector_store %arg6[%swap3A, %swap3A_41], %mul3A_40 {strides = array<i32>} : memref<1000x128xf32, #tpu.memory_space<vmem>>, vector<1000x128xf32>,
    return
  }
  func.func @transform_0(%arg0: i32) -> (i32, i32, i32) {
    %c0_i32 = arith.constant 0 : i32
    %c0_i32_0 = arith.constant 0 : i32
    %c0_i32_1 = arith.constant 0 : i32
    return %c0_i32, %arg0, %c0_i32_0 : i32, i32, i32
  }
  func.func @transform_1(%arg0: i32) -> (i32, i32) {
    %c0_i32 = arith.constant 0 : i32
    %c0_i32_0 = arith.constant 0 : i32
    return %arg0, %c0_i32 : i32, i32
  }
  func.func @transform_2(%arg0: i32) -> (i32, i32, i32) {
    %c0_i32 = arith.constant 0 : i32
    %c0_i32_0 = arith.constant 0 : i32
    %c0_i32_1 = arith.constant 0 : i32
    return %c0_i32, %arg0, %c0_i32_0 : i32, i32, i32
  }
  func.func @transform_3(%arg0: i32) -> (i32, i32) {
    %c0_i32 = arith.constant 0 : i32
    %c0_i32_0 = arith.constant 0 : i32
    %c0_i32_1 = arith.constant 0 : i32
    return %c0_i32, %c0_i32_0 : i32, i32
  }
  func.func @transform_4(%arg0: i32) -> (i32, i32) {
    %c0_i32 = arith.constant 0 : i32
    %c0_i32_0 = arith.constant 0 : i32
    %c0_i32_1 = arith.constant 0 : i32
    return %c0_i32, %c0_i32_0 : i32, i32
  }
  func.func @transform_5(%arg0: i32) -> (i32, i32) {
    %c0_i32 = arith.constant 0 : i32
    %c0_i32_0 = arith.constant 0 : i32
    return %arg0, %c0_i32 : i32, i32
  }
}

module attributes {stable_mosaic.version = 14 : i64} {
  func.func @_comb_body(%arg0: i32, %arg1: memref<2x1000x128xf32, #tpu.memory_space<vmem>>, %arg2: memref<1000x128xf32, #tpu.memory_space<vmem>>, %arg3: memref<2x1000x128xf32, #tpu.memory_space<vmem>>, %arg4: memref<1x128xf32, #tpu.memory_space<vmem>>, %arg5: memref<1000x128xf32, #tpu.memory_space<vmem>>) attributes {dimension_semantics = [#tpu.dimension_semantics<arbitrary>], iteration_bounds = array<i64: 10>, scalar_prefetch = 0 : i64, scratch_operands = 0 : i64, tpu.core_type = #tpu.core_type<tc>, window_params = [{transform_indices = @transform_0, window_bounds = array<i64: 2, 1000, 128>}, {transform_indices = @transform_1, window_bounds = array<i64: 1000, 128>}, {transform_indices = @transform_2, window_bounds = array<i64: 2, 1000, 128>}, {pipeline_mode = #tpu.pipeline_mode<synchronous>, transform_indices = @transform_3, window_bounds = array<i64: 1, 128>}, {transform_indices = @transform_4, window_bounds = array<i64: 1000, 128>}]} {
    %get3A = arith.constant 0 : index
    %get3A_0 = arith.constant 0 : index
    %get3A_1 = arith.constant 0 : index
    %get3A_2 = vector.load %arg3[%get3A, %get3A_0, %get3A_1] : memref<2x1000x128xf32, #tpu.memory_space<vmem>>, vector<1x1000x1xf32>
    %get3A_3 = vector.shape_cast %get3A_2 : vector<1x1000x1xf32> to vector<1000x1xf32>
    %get3A_4 = arith.constant 1 : index
    %get3A_5 = arith.constant 0 : index
    %get3A_6 = arith.constant 0 : index
    %get3A_7 = vector.load %arg3[%get3A_4, %get3A_5, %get3A_6] : memref<2x1000x128xf32, #tpu.memory_space<vmem>>, vector<1x1000x1xf32>
    %get3A_8 = vector.shape_cast %get3A_7 : vector<1x1000x1xf32> to vector<1000x1xf32>
    %add3A = arith.addf %get3A_3, %get3A_8 : vector<1000x1xf32>
    %add3A_9 = arith.constant 1.000000e+00 : f32
    %add3A_10 = vector.broadcast %add3A_9 : f32 to vector<1000x1xf32>
    %add3A_11 = arith.addf %add3A, %add3A_10 : vector<1000x1xf32>
    %rsqrt3A = math.rsqrt %add3A_11 : vector<1000x1xf32>
    %get3A_12 = arith.constant 0 : index
    %get3A_13 = arith.constant 0 : index
    %get3A_14 = arith.constant 0 : index
    %get3A_15 = vector.load %arg1[%get3A_12, %get3A_13, %get3A_14] : memref<2x1000x128xf32, #tpu.memory_space<vmem>>, vector<1x1000x128xf32>
    %get3A_16 = vector.shape_cast %get3A_15 : vector<1x1000x128xf32> to vector<1000x128xf32>
    %get3A_17 = arith.constant 1 : index
    %get3A_18 = arith.constant 0 : index
    %get3A_19 = arith.constant 0 : index
    %get3A_20 = vector.load %arg1[%get3A_17, %get3A_18, %get3A_19] : memref<2x1000x128xf32, #tpu.memory_space<vmem>>, vector<1x1000x128xf32>
    %get3A_21 = vector.shape_cast %get3A_20 : vector<1x1000x128xf32> to vector<1000x128xf32>
    %add3A_22 = arith.addf %get3A_16, %get3A_21 : vector<1000x128xf32>
    %get3A_23 = arith.constant 0 : index
    %get3A_24 = arith.constant 0 : index
    %get3A_25 = vector.load %arg2[%get3A_23, %get3A_24] : memref<1000x128xf32, #tpu.memory_space<vmem>>, vector<1000x128xf32>
    %add3A_26 = arith.addf %add3A_22, %get3A_25 : vector<1000x128xf32>
    %mul3A = vector.broadcast %rsqrt3A : vector<1000x1xf32> to vector<1000x128xf32>
    %mul3A_27 = arith.mulf %add3A_26, %mul3A : vector<1000x128xf32>
    %get3A_28 = arith.constant 0 : index
    %get3A_29 = arith.constant 0 : index
    %get3A_30 = vector.load %arg4[%get3A_28, %get3A_29] : memref<1x128xf32, #tpu.memory_space<vmem>>, vector<1x128xf32>
    %add3A_31 = vector.broadcast %get3A_30 : vector<1x128xf32> to vector<1000x128xf32>
    %add3A_32 = arith.addf %mul3A_27, %add3A_31 : vector<1000x128xf32>
    %max3A = arith.constant 0.000000e+00 : f32
    %max3A_33 = vector.broadcast %max3A : f32 to vector<1000x128xf32>
    %max3A_34 = arith.maximumf %add3A_32, %max3A_33 : vector<1000x128xf32>
    %swap3A = arith.constant 0 : index
    %swap3A_35 = arith.constant 0 : index
    %swap3A_36 = vector.load %arg5[%swap3A, %swap3A_35] : memref<1000x128xf32, #tpu.memory_space<vmem>>, vector<1000x128xf32>
    tpu.vector_store %arg5[%swap3A, %swap3A_35], %max3A_34 {strides = array<i32>} : memref<1000x128xf32, #tpu.memory_space<vmem>>, vector<1000x128xf32>,
    return
  }
  func.func @transform_0(%arg0: i32) -> (i32, i32, i32) {
    %c0_i32 = arith.constant 0 : i32
    %c0_i32_0 = arith.constant 0 : i32
    %c0_i32_1 = arith.constant 0 : i32
    return %c0_i32, %arg0, %c0_i32_0 : i32, i32, i32
  }
  func.func @transform_1(%arg0: i32) -> (i32, i32) {
    %c0_i32 = arith.constant 0 : i32
    %c0_i32_0 = arith.constant 0 : i32
    return %arg0, %c0_i32 : i32, i32
  }
  func.func @transform_2(%arg0: i32) -> (i32, i32, i32) {
    %c0_i32 = arith.constant 0 : i32
    %c0_i32_0 = arith.constant 0 : i32
    %c0_i32_1 = arith.constant 0 : i32
    return %c0_i32, %arg0, %c0_i32_0 : i32, i32, i32
  }
  func.func @transform_3(%arg0: i32) -> (i32, i32) {
    %c0_i32 = arith.constant 0 : i32
    %c0_i32_0 = arith.constant 0 : i32
    %c0_i32_1 = arith.constant 0 : i32
    return %c0_i32, %c0_i32_0 : i32, i32
  }
  func.func @transform_4(%arg0: i32) -> (i32, i32) {
    %c0_i32 = arith.constant 0 : i32
    %c0_i32_0 = arith.constant 0 : i32
    return %arg0, %c0_i32 : i32, i32
  }
}

</mosaic_0001>

<sc_bundles>
// kernel: kernel.11.cloned.1.call-start
scs
__scs_entry_jumppad:
0x0: {  	(pc) =	sbr.rel $0x88, $3  }
0x1: {  	(tag) =	ssettag $0x0;
	lr =	simm.s32 $0x1  }
0x2: {  	[smem:$0x3F9B] =	sst lr;
	_ =	strace $0xD0000000  }
0x3: {  	_ = 	snop  }
0x4: {  	_ = 	snop  }
0x5: {  	_ = 	snop  }
0x6: {  	_ = 	snop  }
0x7: {  	_ = 	snop  }
__scs_overlays_trampoline_lowered:
0x8: {  	[smem:$0x3FAA] =	sst s0  }
0x9: {  	[smem:$0x3FAB] =	sst s1  }
0xa: {  	[smem:$0x3FAC] =	sst s2  }
0xb: {  	[smem:$0x3FAD] =	sst s3  }
0xc: {  	[smem:$0x3FAE] =	sst s4  }
0xd: {  	[smem:$0x3FAF] =	sst s5  }
0xe: {  	[smem:$0x3FB0] =	sst s6  }
0xf: {  	[smem:$0x3FB1] =	sst s7  }
0x10: {  	[smem:$0x3FB2] =	sst s8  }
0x11: {  	[smem:$0x3FB3] =	sst s9;
	s0 =	simm.s32 @!p0 $0x0  }
0x12: {  	s1 =	sld [smem:$0x3F99];
	s0 =	simm.s32 @p0 $0x1  }
0x13: {  	[smem:$0x3FB4] =	sst s0;
	s0 =	simm.s32 @!p1 $0x0  }
0x14: {  	s2 =	sld [smem:$0x3F98];
	s0 =	simm.s32 @p1 $0x1  }
0x15: {  	[smem:$0x3FB5] =	sst s0;
	s0 =	simm.s32 @!p2 $0x0  }
0x16: {  	s3 =	sld [smem:$0x3FDB];
	s0 =	simm.s32 @p2 $0x1  }
0x17: {  	s4 =	simm.s32 $0x1BF5;
	[smem:$0x3FB7] =	sst s0  }
0x18: {  	s0 =	sld [smem:$0x3F9A];
	_ =	swait.ge [sflag:s4], $0x0  }
0x19: {  	s7 =	sld [smem:$0x3F9B]  }
0x1a: {  	s8 =	sadd.s32 $0xFFFFE003, lr  }
0x1b: {  	s9 =	sadd.s32 $0xFFFFFEF7, lr;
	s5 =	simm.s32 $0xFFFFFFFF;
	p2 =	slt.u32 s8, $0xFFFFF086  }
0x1c: {  	p1 =	slt.u32 s9, $0xF7A;
	s5 =	simm.s32 @!p2 $0x0  }
0x1d: {  	s5 =	simm.s32 @p1 $0x1;
	p0 =	seq.s32 s7, s2  }
0x1e: {  	s7 =	smul.u32 @!p0 $0xF7A, s2;
	p2 =	seq.s32 @!p0 s5, $0x0  }
0x1f: {  	s9 =	smul.u32 $0xF7A, s1;
	s8 =	simm.s32 @!p0 $0x1BF5;
	p2 =	por !p2, p0  }
0x20: {  	[sflag:s8] =	ssyncset.s32 @!p0 $0xFFFFF086;
	s6 =	sadd.s32 @!p0 s3, s7;
	s7 =	simm.s32 @!p0 $0x108  }
0x21: {  	s3 =	sadd.s32 s3, s9;
	s6 =	sadd.s32 @!p0 $0x88, s6;
	s7 =	simm.s32 @p2 $0x1082  }
0x22: {  	[simem:s7], [sflag:s8] =	dma.local @!p0 [hbm:s6], $0xF7A  }
0x23: {  	s9 =	sor.u32 $0xD0000000, s2;
	s6 =	simm.s32 $0x108;
	_ =	swait.ge @!p0 [sflag:s8], $0x0  }
0x24: {  	s3 =	sadd.s32 $0x88, s3;
	s6 =	simm.s32 @!p1 $0x1082;
	[sflag:s4] =	ssyncset.s32 $0xFFFFF086  }
0x25: {  	[simem:s6], [sflag:s4] =	dma.local [hbm:s3], $0xF7A  }
0x26: {  	[smem:$0x3F9B] =	sst s1;
	(tag) =	ssettag s2;
	_ =	strace s9  }
0x27: {  	s1 =	sld [smem:$0x3FAB]  }
0x28: {  	s2 =	sld [smem:$0x3FAC]  }
0x29: {  	s4 =	sld [smem:$0x3FAE]  }
0x2a: {  	p0 =	seq.s32 s5, $0x0;
	s5 =	sld [smem:$0x3FAF]  }
0x2b: {  	s6 =	sld [smem:$0x3FB0]  }
0x2c: {  	s7 =	sld [smem:$0x3FB1]  }
0x2d: {  	s3 =	simm.s32 $0x108;
	s8 =	sld [smem:$0x3FB2]  }
0x2e: {  	s3 =	simm.s32 @!p0 $0x1082;
	s9 =	sld [smem:$0x3FB3]  }
0x2f: {  	lr =	sadd.s32 s0, s3;
	s0 =	sld [smem:$0x3FAA]  }
0x30: {  	s3 =	sld [smem:$0x3FAD]  }
0x31: {  	[smem:$0x3FB6] =	sst s10  }
0x32: {  	s10 =	sld [smem:$0x3FB4];
	_ =	sdelay $0x3  }
0x33: {  	p0 =	seq.s32 s10, $0x1;
	s10 =	sld [smem:$0x3FB6];
	_ =	sdelay $0x3  }
0x34: {  	[smem:$0x3FB6] =	sst s10  }
0x35: {  	s10 =	sld [smem:$0x3FB5];
	_ =	sdelay $0x3  }
0x36: {  	p1 =	seq.s32 s10, $0x1;
	s10 =	sld [smem:$0x3FB6];
	_ =	sdelay $0x3  }
0x37: {  	[smem:$0x3FB6] =	sst s10  }
0x38: {  	s10 =	sld [smem:$0x3FB7]  }
0x39: {  	_ = 	snop;
	(pc) =	sbr.ind lr, $3  }
0x3a: {  	_ = 	snop  }
0x3b: {  	_ = 	snop  }
0x3c: {  	p2 =	seq.s32 s10, $0x1;
	s10 =	sld [smem:$0x3FB6]  }
0x3d: {  	_ =	shalt  }
0x3e: {  	_ =	shalt  }
0x3f: {  	_ =	shalt  }
0x40: {  	_ =	shalt  }
0x41: {  	_ =	shalt  }
0x42: {  	_ =	shalt  }
0x43: {  	_ =	shalt  }
0x44: {  	_ =	shalt  }
0x45: {  	_ =	shalt  }
0x46: {  	_ =	shalt  }
0x47: {  	_ =	shalt  }
0x48: {  	_ =	shalt  }
0x49: {  	_ =	shalt  }
0x4a: {  	_ =	shalt  }
0x4b: {  	_ =	shalt  }
0x4c: {  	_ =	shalt  }
0x4d: {  	_ =	shalt  }
0x4e: {  	_ =	shalt  }
0x4f: {  	_ =	shalt  }
0x50: {  	_ =	shalt  }
0x51: {  	_ =	shalt  }
0x52: {  	_ =	shalt  }
0x53: {  	_ =	shalt  }
0x54: {  	_ =	shalt  }
0x55: {  	_ =	shalt  }
0x56: {  	_ =	shalt  }
0x57: {  	_ =	shalt  }
0x58: {  	_ =	shalt  }
0x59: {  	_ =	shalt  }
0x5a: {  	_ =	shalt  }
0x5b: {  	_ =	shalt  }
0x5c: {  	_ =	shalt  }
0x5d: {  	_ =	shalt  }
0x5e: {  	_ =	shalt  }
0x5f: {  	_ =	shalt  }
0x60: {  	_ =	shalt  }
0x61: {  	_ =	shalt  }
0x62: {  	_ =	shalt  }
0x63: {  	_ =	shalt  }
0x64: {  	_ =	shalt  }
0x65: {  	_ =	shalt  }
0x66: {  	_ =	shalt  }
0x67: {  	_ =	shalt  }
0x68: {  	_ =	shalt  }
0x69: {  	_ =	shalt  }
0x6a: {  	_ =	shalt  }
0x6b: {  	_ =	shalt  }
0x6c: {  	_ =	shalt  }
0x6d: {  	_ =	shalt  }
0x6e: {  	_ =	shalt  }
0x6f: {  	_ =	shalt  }
0x70: {  	_ =	shalt  }
0x71: {  	_ =	shalt  }
0x72: {  	_ =	shalt  }
0x73: {  	_ =	shalt  }
0x74: {  	_ =	shalt  }
0x75: {  	_ =	shalt  }
0x76: {  	_ =	shalt  }
0x77: {  	_ =	shalt  }
0x78: {  	_ =	shalt  }
0x79: {  	_ =	shalt  }
0x7a: {  	_ =	shalt  }
0x7b: {  	_ =	shalt  }
0x7c: {  	_ =	shalt  }
0x7d: {  	_ =	shalt  }
0x7e: {  	_ =	shalt  }
0x7f: {  	_ =	shalt  }
0x80: {  	_ =	shalt  }
0x81: {  	_ =	shalt  }
0x82: {  	_ =	shalt  }
0x83: {  	_ =	shalt  }
0x84: {  	_ =	shalt  }
0x85: {  	_ =	shalt  }
0x86: {  	_ =	shalt  }
0x87: {  	_ =	shalt  }
.Lfunc_end0:
.L_simem_size_0:
called_computation.1_lowered:
.L_overlay_start_0:
0x88: {  	s2 =	sld [smem:$0x3FD9]  }
0x89: {  	s3 =	sld [smem:$0x3FFE];
	_ =	sdelay $0x1  }
0x8a: {  	s1 =	srdreg.scid  }
0x8b: {  	s0 =	sand.u32 $0x1, s1  }
0x8c: {  	s17 =	sshll.u32 s0, $0xA;
	s2 =	sadd.s32 s3, s2  }
0x8d: {  	s2 =	sadd.s32 s2, s17  }
0x8e: {  	[smem:$0x3FC2] =	sst s2  }
0x8f: {  	_ = 	snop  }
0x90: {  	s2 =	sld [smem:$0x3FD0];
	(tm) =	ssettm $0x1  }
0x91: {  	s18 =	sld [smem:$0x3FFB];
	_ =	sdelay $0x3  }
0x92: {  	_ =	strace s18  }
0x93: {  	s3 =	sld [smem:$0x3FFC];
	_ =	sdelay $0x3  }
0x94: {  	_ =	strace s3  }
0x95: {  	s3 =	sld [smem:$0x3FFD];
	_ =	sdelay $0x3  }
0x96: {  	_ =	strace s3  }
0x97: {  	_ =	strace $0x8FFFFFFF  }
0x98: {  	s19 =	sld [smem:$0x3FDB];
	_ =	sdelay $0x1  }
0x99: {  	s4 =	simm.s32 $_scs_section_size  }
0x9a: {  	s5 =	simm.s32 $_size__tile_overlayer_lowered;
	s6 =	simm.s32 $_tile_overlayer_lowered  }
0x9b: {  	s22 =	simm.s32 $0x1BFF;
	s21 =	sshll.u32 s6, $0x1;
	s3 =	sadd.s32 s4, s19  }
0x9c: {  	s7 =	simm.s32 $0x0;
	s20 =	sshll.u32 s5, $0x1;
	s5 =	sadd.s32 s21, s3  }
0x9d: {  	[timem:s7], [sflag:s22] =	dma.local [hbm:s5], s20  }
0x9e: {  	_ =	swait.ge [sflag:s22], s20  }
0x9f: {  	s4 =	ssub.s32 $0x0, s20;
	[sflag:s22] =	ssyncset.done $0x0  }
0xa0: {  	[sflag:s22] =	ssyncadd.s32 s4;
	_ =	sdelay $0x1  }
0xa1: {  	s23 =	simm.s32 $0x1B8B  }
0xa2: {  	_ =	swait.ge [sflag:s23], $0x1  }
0xa3: {  	[sflag:s23] =	ssyncset.done $0x0  }
0xa4: {  	s25 =	simm.s32 $0x1B8E;
	s24 =	sld [smem:$0x3FFE];
	[sflag:s23] =	ssyncadd.s32 $0xFFFFFFFF  }
0xa5: {  	s26 =	simm.s32 $execute0_lowered;
	[smem:$0x3FD2] =	sst s25  }
0xa6: {  	s5 =	sshll.u32 s26, $0x1;
	_ =	strace $0x80000049;
	[dreg:$0x1] =	wrdreg $0xFFFFFFFF  }
0xa7: {  	s28 =	simm.s32 $_size_execute0_lowered;
	s3 =	sadd.s32 s3, s5;
	[dreg:$0x0] =	wrdreg $0x0  }
0xa8: {  	s5 =	sshll.u32 s28, $0x1;
	[dreg:$0x2] =	wrdreg s3  }
0xa9: {  	[dreg:$0x3] =	wrdreg s5  }
0xaa: {  	[dreg:$0x4] =	wrdreg $0xC0  }
0xab: {  	_ =	task [dreg:s7], $0x5FFFF  }
0xac: {  	[dreg:$0x1] =	wrdreg $0xFFFFFFFF  }
0xad: {  	[dreg:$0x0] =	wrdreg $0x60  }
0xae: {  	[dreg:$0x2] =	wrdreg s2  }
0xaf: {  	[dreg:$0x3] =	wrdreg s24  }
0xb0: {  	[dreg:$0x4] =	wrdreg $0x84000  }
0xb1: {  	[dreg:$0x5] =	wrdreg $0x9  }
0xb2: {  	_ =	task.clear_ibuf [dreg:s7], $0x6FFFF;
	_ =	strace $0x90000049  }
0xb3: {  	s29 =	simm.s32 $0x9;
	_ =	strace $0x8000004B  }
0xb4: {  	_ =	swait.ge [sflag:s29], $0x1  }
0xb5: {  	[sflag:s29] =	ssyncadd.s32 $0xFFFFFFFF  }
0xb6: {  	_ =	strace $0x9000004B  }
0xb7: {  	_ =	sfence  }
0xb8: {  	s30 =	sld [smem:$0x0];
	_ =	sdelay $0x2  }
0xb9: {  	s31 =	sshll.u32 s1, $0xD;
	s1 =	sshrl.u32 s1, $0x2  }
0xba: {  	s3 =	sand.u32 $0x4000, s31;
	s1 =	sadd.s32 s1, s30  }
0xbb: {  	s0 =	sor.u32 s3, s0;
	s1 =	sshll.u32 s1, $0x11  }
0xbc: {  	s0 =	sor.u32 s1, s0  }
0xbd: {  	s0 =	sadd.s32 $0x8F2B, s0  }
0xbe: {  	[sflag:s0] =	ssyncadd.remote.s32 $0x1  }
0xbf: {  	_ =	sfence.sel $0xFFFF  }
0xc0: {  	[dreg:$0x0] =	wrdreg $0xFFFFFFFF;
	(pc) =	sbr.abs _section_cstart, $3  }
0xc1: {  	[dreg:$0x1] =	wrdreg $0xFFFFFFFF  }
0xc2: {  	_ =	task.clear_ibuf [dreg:s7], $0x2FFFF;
	_ =	strace $0x9FFFFFFF  }
0xc3: {  	(tm) =	ssettm $0x7FFFFFFF  }
tec
execute0_lowered:
.L_overlay_start_1:
0x0: {  	(tag) =	ssettag $0x1  }
0x1: {  	s1 =	rddreg [dreg:$0x0]  }
0x2: {  	s0 =	rddreg [dreg:$0x1]  }
0x3: {  	s2 =	rddreg [dreg:$0x2];
	s3 =	simm.s32 $0x0;
	s4 =	srdreg.scid  }
0x4: {  	s15 =	stileid.u32;
	s16 =	simm.s32 $0x5;
	s17 =	simm.s32 $0x80  }
0x5: {  	s18 =	simm.s32 $0x200;
	s19 =	simm.s32 $0x100;
	s20 =	simm.s32 $0x4400  }
0x6: {  	s21 =	simm.s32 $0x1;
	s22 =	simm.s32 $0x4;
	s23 =	simm.s32 $0x2  }
0x7: {  	s28 =	simm.s32 $0x280;
	s29 =	simm.s32 $0x3;
	s30 =	simm.s32 $0x380  }
0x8: {  	s31 =	simm.s32 $0x0;
	[smem:$0x7FF] =	sst s3;
	s7 =	smul.u32 $0x50000, s15  }
0x9: {  	s4 =	sand.u32 $0x1, s4;
	s14 =	sadd.s32 $0x52400, s0;
	s13 =	smul.u32 $0xA000, s15  }
0xa: {  	s6 =	sshll.u32 s15, $0x1;
	s24 =	smul.u32 $0x2800, s15;
	s15 =	simm.s32 $0x400  }
0xb: {  	_ =	strace $0x8000004A;
	s5 =	smul.u32 $0x28000, s4;
	s25 =	ssub.s32 $0x2, s4  }
0xc: {  	s6 =	sor.u32 s4, s6;
	s4 =	smul.u32 $0x5000, s4;
	s8 =	sshrl.u32 s25, $0x1  }
0xd: {  	s7 =	sshrl.u32 s7, $0x2;
	s10 =	smul.u32 $0xA00, s6;
	s0 =	sadd.s32 s5, s0  }
0xe: {  	s12 =	ssub.s32 s25, s8;
	s5 =	sadd.s32 s7, s2;
	s4 =	sadd.s32 s4, s13  }
0xf: {  	s25 =	simm.s32 $0x180;
	s26 =	sadd.s32 $0x4000, s5;
	s7 =	sadd.s32 $0x8000, s5  }
0x10: {  	s8 =	sadd.s32 $0xC000, s5;
	s9 =	sadd.s32 $0x10000, s5;
	s10 =	sadd.s32 s14, s10  }
0x11: {  	s0 =	sadd.s32 $0x66400, s0;
	s13 =	sor.u32 $0x600, s4;
	s4 =	sor.u32 $0x400, s4  }
0x12: {  	s12 =	smax.u32 s12, $0x1;
	[dreg:$0x4] =	wrdreg s26;
	s11 =	sadd.s32 $0x40, s10  }
0x13: {  	s13 =	sshrl.u32 s13, $0x3;
	s4 =	sshrl.u32 s4, $0x3;
	s24 =	sadd.s32 s24, s0  }
0x14: {  	v0 =	vimm.f32 $0.0e+00;
	s26 =	simm.s32 $0x300;
	s13 =	sadd.s32 s13, s14;
	s14 =	sadd.s32 s4, s14  }
.LBB2_1:
0x15: {  	s0 =	simm.s32 $0x0;
	s4 =	simm.s32 $0x200  }
.LBB2_2:
0x16: {  	p0 =	sne.s32 s4, $0xFE00;
	[tilespmem:s0+$0x470] =	vst v0  }
0x17: {  	[tilespmem:s0+$0x400] =	vst v0  }
0x18: {  	[tilespmem:s0+$0x410] =	vst v0  }
.Ltmp0:
0x19: {  	[tilespmem:s0+$0x420] =	vst v0;
	(pc) =	sbr.rel @p0 .LBB2_2-.Ltmp0, $4  }
0x1a: {  	[tilespmem:s0+$0x430] =	vst v0  }
0x1b: {  	[tilespmem:s0+$0x440] =	vst v0  }
0x1c: {  	[tilespmem:s0+$0x450] =	vst v0  }
0x1d: {  	[tilespmem:s0+$0x460] =	vst v0;
	s0 =	sshra.s32 s4, $0x2;
	s4 =	sadd.s32 $0x200, s4  }
0x1e: {  	[tilespmem:s0+$0x470] =	vst v0  }
0x1f: {  	[tilespmem:s0+$0x400] =	vst v0  }
0x20: {  	[tilespmem:s0+$0x410] =	vst v0  }
0x21: {  	[tilespmem:s0+$0x420] =	vst v0  }
0x22: {  	[tilespmem:s0+$0x430] =	vst v0  }
0x23: {  	[tilespmem:s0+$0x440] =	vst v0  }
0x24: {  	[tilespmem:s0+$0x450] =	vst v0  }
0x25: {  	[tilespmem:s0+$0x460] =	vst v0  }
0x26: {  	[spmem:s5] =	stream.linear.scatter [tilespmem:s15], [sflag:$0x5], $0x4000, $0x38;
	[tilespmem:$0x1C400] =	vst v63  }
0x27: {  	_ =	swait.ge [sflag:s16], $0x4000  }
0x28: {  	[sflag:s16] =	ssyncset.done $0x0  }
0x29: {  	s6 =	rddreg [dreg:$0x4];
	[sflag:s16] =	ssyncadd.s32 $0xFFFFC000  }
0x2a: {  	[spmem:s6] =	stream.linear.scatter [tilespmem:s15], [sflag:$0x5], $0x4000, $0x38;
	[tilespmem:$0x1C400] =	vst v63  }
0x2b: {  	_ =	swait.ge [sflag:s16], $0x4000  }
0x2c: {  	[sflag:s16] =	ssyncset.done $0x0  }
0x2d: {  	[sflag:s16] =	ssyncadd.s32 $0xFFFFC000  }
0x2e: {  	[spmem:s7] =	stream.linear.scatter [tilespmem:s15], [sflag:$0x5], $0x4000, $0x38;
	[tilespmem:$0x1C400] =	vst v63  }
0x2f: {  	_ =	swait.ge [sflag:s16], $0x4000  }
0x30: {  	[sflag:s16] =	ssyncset.done $0x0  }
0x31: {  	[sflag:s16] =	ssyncadd.s32 $0xFFFFC000  }
0x32: {  	[spmem:s8] =	stream.linear.scatter [tilespmem:s15], [sflag:$0x5], $0x4000, $0x38;
	[tilespmem:$0x1C400] =	vst v63  }
0x33: {  	_ =	swait.ge [sflag:s16], $0x4000  }
0x34: {  	[sflag:s16] =	ssyncset.done $0x0  }
0x35: {  	[sflag:s16] =	ssyncadd.s32 $0xFFFFC000  }
0x36: {  	[spmem:s9] =	stream.linear.scatter [tilespmem:s15], [sflag:$0x5], $0x4000, $0x38;
	[tilespmem:$0x1C400] =	vst v63  }
0x37: {  	_ =	swait.ge [sflag:s16], $0x4000  }
0x38: {  	[sflag:s16] =	ssyncset.done $0x0  }
0x39: {  	[sflag:s16] =	ssyncadd.s32 $0xFFFFC000  }
0x3a: {  	s4 =	simm.s32 $0x0;
	[bflag:$0x0] =	sbarrier.arrive $0xFFFF  }
0x3b: {  	[tilespmem:s4], [sflag:$0x5] =	stream.linear.gather [hbm4b:s10+s4], $0x200, $0x38;
	[tilespmem:$0x1C400] =	vst v63  }
0x3c: {  	_ =	swait.ge [sflag:s16], $0x200  }
0x3d: {  	[sflag:s16] =	ssyncset.done $0x0  }
0x3e: {  	[sflag:s16] =	ssyncadd.s32 $0xFFFFFE00  }
0x3f: {  	[tilespmem:s15], [sflag:$0x1] =	stream.indirect.gather [hbm4b:s1+s17], $0x80, s4, s17, $0xb8;
	[tilespmem:$0x1C400] =	vst v63  }
0x40: {  	_ = 	snop  }
0x41: {  	[tilespmem:s18], [sflag:$0x4] =	stream.linear.gather [hbm4b:s11+s4], $0x200, $0x38;
	[tilespmem:$0x1C400] =	vst v63  }
0x42: {  	_ = 	snop  }
0x43: {  	[tilespmem:s20], [sflag:$0x2] =	stream.indirect.gather [hbm4b:s1+s17], $0x80, s19, s17, $0xb8;
	[tilespmem:$0x1C400] =	vst v63  }
0x44: {  	_ =	swait.ge [sflag:s21], $0x4000  }
0x45: {  	[sflag:s21] =	ssyncset.done $0x0  }
0x46: {  	[sflag:s21] =	ssyncadd.s32 $0xFFFFC000  }
0x47: {  	[spmem:s2] =	stream.indirect.scatter.add.f32 [tilespmem:s15], [sflag:$0x5], $0x80, s17, s17, $0xb8;
	[tilespmem:$0x1C400] =	vst v63  }
0x48: {  	_ =	swait.ge [sflag:s16], $0x4000  }
0x49: {  	[sflag:s16] =	ssyncset.done $0x0  }
0x4a: {  	[sflag:s16] =	ssyncadd.s32 $0xFFFFC000  }
0x4b: {  	_ =	swait.ge [sflag:s22], $0x200  }
0x4c: {  	[sflag:s22] =	ssyncset.done $0x0  }
0x4d: {  	[sflag:s22] =	ssyncadd.s32 $0xFFFFFE00  }
0x4e: {  	[tilespmem:s15], [sflag:$0x1] =	stream.indirect.gather [hbm4b:s1+s17], $0x80, s18, s17, $0xb8;
	[tilespmem:$0x1C400] =	vst v63  }
0x4f: {  	_ =	swait.ge [sflag:s23], $0x4000  }
0x50: {  	[sflag:s23] =	ssyncset.done $0x0  }
0x51: {  	[sflag:s23] =	ssyncadd.s32 $0xFFFFC000  }
0x52: {  	[spmem:s2] =	stream.indirect.scatter.add.f32 [tilespmem:s20], [sflag:$0x5], $0x80, s25, s17, $0xb8;
	[tilespmem:$0x1C400] =	vst v63  }
0x53: {  	_ =	swait.ge [sflag:s16], $0x4000  }
0x54: {  	[sflag:s16] =	ssyncset.done $0x0  }
0x55: {  	s6 =	sadd.s32 $0x0, s14;
	[sflag:s16] =	ssyncadd.s32 $0xFFFFC000  }
0x56: {  	[tilespmem:s3], [sflag:$0x3] =	stream.linear.gather [hbm4b:s6+s3], $0x200, $0x38;
	[tilespmem:$0x1C400] =	vst v63  }
0x57: {  	_ = 	snop  }
0x58: {  	[tilespmem:s20], [sflag:$0x2] =	stream.indirect.gather [hbm4b:s1+s17], $0x80, s26, s17, $0xb8;
	[tilespmem:$0x1C400] =	vst v63  }
0x59: {  	_ =	swait.ge [sflag:s21], $0x4000  }
0x5a: {  	[sflag:s21] =	ssyncset.done $0x0  }
0x5b: {  	[sflag:s21] =	ssyncadd.s32 $0xFFFFC000  }
0x5c: {  	[spmem:s2] =	stream.indirect.scatter.add.f32 [tilespmem:s15], [sflag:$0x5], $0x80, s28, s17, $0xb8;
	[tilespmem:$0x1C400] =	vst v63  }
0x5d: {  	_ =	swait.ge [sflag:s16], $0x4000  }
0x5e: {  	[sflag:s16] =	ssyncset.done $0x0  }
0x5f: {  	[sflag:s16] =	ssyncadd.s32 $0xFFFFC000  }
0x60: {  	_ =	swait.ge [sflag:s29], $0x200  }
0x61: {  	[sflag:s29] =	ssyncset.done $0x0  }
0x62: {  	[sflag:s29] =	ssyncadd.s32 $0xFFFFFE00  }
0x63: {  	[tilespmem:s15], [sflag:$0x1] =	stream.indirect.gather [hbm4b:s1+s17], $0x80, s3, s17, $0xb8;
	[tilespmem:$0x1C400] =	vst v63  }
0x64: {  	_ =	swait.ge [sflag:s23], $0x4000  }
0x65: {  	[sflag:s23] =	ssyncset.done $0x0  }
0x66: {  	[sflag:s23] =	ssyncadd.s32 $0xFFFFC000  }
0x67: {  	[spmem:s2] =	stream.indirect.scatter.add.f32 [tilespmem:s20], [sflag:$0x5], $0x80, s30, s17, $0xb8;
	[tilespmem:$0x1C400] =	vst v63  }
0x68: {  	_ =	swait.ge [sflag:s16], $0x4000  }
0x69: {  	[sflag:s16] =	ssyncset.done $0x0  }
0x6a: {  	s0 =	simm.s32 $0x80;
	s4 =	sadd.s32 $0x0, s13;
	[sflag:s16] =	ssyncadd.s32 $0xFFFFC000  }
.LBB2_4:
0x6b: {  	[tilespmem:s18], [sflag:$0x4] =	stream.linear.gather [hbm4b:s4+s3], $0x200, $0x38;
	[tilespmem:$0x1C400] =	vst v63  }
0x6c: {  	p0 =	sne.s32 s0, $0x900;
	s4 =	smov.u32 s0;
	s0 =	sadd.s32 $0x80, s0  }
0x6d: {  	[tilespmem:s20], [sflag:$0x2] =	stream.indirect.gather [hbm4b:s1+s17], $0x80, s19, s17, $0xb8;
	[tilespmem:$0x1C400] =	vst v63  }
0x6e: {  	_ =	swait.ge [sflag:s21], $0x4000  }
0x6f: {  	[sflag:s21] =	ssyncset.done $0x0  }
0x70: {  	[sflag:s21] =	ssyncadd.s32 $0xFFFFC000  }
0x71: {  	[spmem:s2] =	stream.indirect.scatter.add.f32 [tilespmem:s15], [sflag:$0x5], $0x80, s17, s17, $0xb8;
	[tilespmem:$0x1C400] =	vst v63  }
0x72: {  	_ =	swait.ge [sflag:s16], $0x4000  }
0x73: {  	[sflag:s16] =	ssyncset.done $0x0  }
0x74: {  	[sflag:s16] =	ssyncadd.s32 $0xFFFFC000  }
0x75: {  	_ =	swait.ge [sflag:s22], $0x200  }
0x76: {  	[sflag:s22] =	ssyncset.done $0x0  }
0x77: {  	[sflag:s22] =	ssyncadd.s32 $0xFFFFFE00  }
0x78: {  	[tilespmem:s15], [sflag:$0x1] =	stream.indirect.gather [hbm4b:s1+s17], $0x80, s18, s17, $0xb8;
	[tilespmem:$0x1C400] =	vst v63  }
0x79: {  	_ =	swait.ge [sflag:s23], $0x4000  }
0x7a: {  	[sflag:s23] =	ssyncset.done $0x0  }
0x7b: {  	[sflag:s23] =	ssyncadd.s32 $0xFFFFC000  }
0x7c: {  	[spmem:s2] =	stream.indirect.scatter.add.f32 [tilespmem:s20], [sflag:$0x5], $0x80, s25, s17, $0xb8;
	[tilespmem:$0x1C400] =	vst v63  }
0x7d: {  	_ =	swait.ge [sflag:s16], $0x4000  }
0x7e: {  	[sflag:s16] =	ssyncset.done $0x0  }
0x7f: {  	s6 =	sadd.s32 s4, s14;
	[sflag:s16] =	ssyncadd.s32 $0xFFFFC000  }
0x80: {  	[tilespmem:s3], [sflag:$0x3] =	stream.linear.gather [hbm4b:s6+s3], $0x200, $0x38;
	[tilespmem:$0x1C400] =	vst v63  }
0x81: {  	_ = 	snop  }
0x82: {  	[tilespmem:s20], [sflag:$0x2] =	stream.indirect.gather [hbm4b:s1+s17], $0x80, s26, s17, $0xb8;
	[tilespmem:$0x1C400] =	vst v63  }
0x83: {  	_ =	swait.ge [sflag:s21], $0x4000  }
0x84: {  	[sflag:s21] =	ssyncset.done $0x0  }
0x85: {  	[sflag:s21] =	ssyncadd.s32 $0xFFFFC000  }
0x86: {  	[spmem:s2] =	stream.indirect.scatter.add.f32 [tilespmem:s15], [sflag:$0x5], $0x80, s28, s17, $0xb8;
	[tilespmem:$0x1C400] =	vst v63  }
0x87: {  	_ =	swait.ge [sflag:s16], $0x4000  }
0x88: {  	[sflag:s16] =	ssyncset.done $0x0  }
0x89: {  	[sflag:s16] =	ssyncadd.s32 $0xFFFFC000  }
0x8a: {  	_ =	swait.ge [sflag:s29], $0x200  }
0x8b: {  	[sflag:s29] =	ssyncset.done $0x0  }
0x8c: {  	[sflag:s29] =	ssyncadd.s32 $0xFFFFFE00  }
0x8d: {  	[tilespmem:s15], [sflag:$0x1] =	stream.indirect.gather [hbm4b:s1+s17], $0x80, s3, s17, $0xb8;
	[tilespmem:$0x1C400] =	vst v63  }
0x8e: {  	_ =	swait.ge [sflag:s23], $0x4000  }
0x8f: {  	[sflag:s23] =	ssyncset.done $0x0  }
.Ltmp1:
0x90: {  	[sflag:s23] =	ssyncadd.s32 $0xFFFFC000;
	(pc) =	sbr.rel @p0 .LBB2_4-.Ltmp1, $4  }
0x91: {  	[spmem:s2] =	stream.indirect.scatter.add.f32 [tilespmem:s20], [sflag:$0x5], $0x80, s30, s17, $0xb8;
	[tilespmem:$0x1C400] =	vst v63  }
0x92: {  	_ =	swait.ge [sflag:s16], $0x4000  }
0x93: {  	[sflag:s16] =	ssyncset.done $0x0  }
0x94: {  	s4 =	sadd.s32 s4, s13;
	[sflag:s16] =	ssyncadd.s32 $0xFFFFC000  }
0x95: {  	[tilespmem:s18], [sflag:$0x4] =	stream.linear.gather [hbm4b:s4+s3], $0x200, $0x38;
	[tilespmem:$0x1C400] =	vst v63  }
0x96: {  	_ = 	snop  }
0x97: {  	[tilespmem:s20], [sflag:$0x2] =	stream.indirect.gather [hbm4b:s1+s17], $0x80, s19, s17, $0xb8;
	[tilespmem:$0x1C400] =	vst v63  }
0x98: {  	_ =	swait.ge [sflag:s21], $0x4000  }
0x99: {  	[sflag:s21] =	ssyncset.done $0x0  }
0x9a: {  	[sflag:s21] =	ssyncadd.s32 $0xFFFFC000  }
0x9b: {  	[spmem:s2] =	stream.indirect.scatter.add.f32 [tilespmem:s15], [sflag:$0x5], $0x80, s17, s17, $0xb8;
	[tilespmem:$0x1C400] =	vst v63  }
0x9c: {  	_ =	swait.ge [sflag:s16], $0x4000  }
0x9d: {  	[sflag:s16] =	ssyncset.done $0x0  }
0x9e: {  	[sflag:s16] =	ssyncadd.s32 $0xFFFFC000  }
0x9f: {  	_ =	swait.ge [sflag:s22], $0x200  }
0xa0: {  	[sflag:s22] =	ssyncset.done $0x0  }
0xa1: {  	[sflag:s22] =	ssyncadd.s32 $0xFFFFFE00  }
0xa2: {  	[tilespmem:s15], [sflag:$0x1] =	stream.indirect.gather [hbm4b:s1+s17], $0x80, s18, s17, $0xb8;
	[tilespmem:$0x1C400] =	vst v63  }
0xa3: {  	_ =	swait.ge [sflag:s23], $0x4000  }
0xa4: {  	[sflag:s23] =	ssyncset.done $0x0  }
0xa5: {  	[sflag:s23] =	ssyncadd.s32 $0xFFFFC000  }
0xa6: {  	[spmem:s2] =	stream.indirect.scatter.add.f32 [tilespmem:s20], [sflag:$0x5], $0x80, s25, s17, $0xb8;
	[tilespmem:$0x1C400] =	vst v63  }
0xa7: {  	_ =	swait.ge [sflag:s16], $0x4000  }
0xa8: {  	[sflag:s16] =	ssyncset.done $0x0  }
0xa9: {  	[sflag:s16] =	ssyncadd.s32 $0xFFFFC000  }
0xaa: {  	[tilespmem:s20], [sflag:$0x2] =	stream.indirect.gather [hbm4b:s1+s17], $0x80, s26, s17, $0xb8;
	[tilespmem:$0x1C400] =	vst v63  }
0xab: {  	_ =	swait.ge [sflag:s21], $0x4000  }
0xac: {  	[sflag:s21] =	ssyncset.done $0x0  }
0xad: {  	[sflag:s21] =	ssyncadd.s32 $0xFFFFC000  }
0xae: {  	[spmem:s2] =	stream.indirect.scatter.add.f32 [tilespmem:s15], [sflag:$0x5], $0x80, s28, s17, $0xb8;
	[tilespmem:$0x1C400] =	vst v63  }
0xaf: {  	_ =	swait.ge [sflag:s16], $0x4000  }
0xb0: {  	[sflag:s16] =	ssyncset.done $0x0  }
0xb1: {  	[sflag:s16] =	ssyncadd.s32 $0xFFFFC000  }
0xb2: {  	_ =	swait.ge [sflag:s23], $0x4000  }
0xb3: {  	[sflag:s23] =	ssyncset.done $0x0  }
0xb4: {  	[sflag:s23] =	ssyncadd.s32 $0xFFFFC000  }
0xb5: {  	[spmem:s2] =	stream.indirect.scatter.add.f32 [tilespmem:s20], [sflag:$0x5], $0x80, s30, s17, $0xb8;
	[tilespmem:$0x1C400] =	vst v63  }
0xb6: {  	s0 =	stileid.u32;
	_ =	swait.ge [sflag:s16], $0x4000  }
0xb7: {  	s6 =	sshrl.u32 s5, $0x3;
	s31 =	sadd.s32 $0x1, s31;
	[sflag:s16] =	ssyncset.done $0x0  }
0xb8: {  	s0 =	sshll.u32 s0, $0x6;
	p0 =	sne.s32 s31, s12;
	[sflag:s16] =	ssyncadd.s32 $0xFFFFC000  }
.Ltmp2:
0xb9: {  	s0 =	sor.u32 $0x1C05, s0;
	[bflag:$0x0] =	sbarrier.arrive $0xFFFF;
	(pc) =	sbr.rel @p0 .LBB2_1-.Ltmp2, $4  }
0xba: {  	[hbm:s24], [sflag:s0] =	dma.local [spmem:s6], $0x2800  }
0xbb: {  	_ =	swait.ge [sflag:s16], $0x2800  }
0xbc: {  	[sflag:s16] =	ssyncset.done $0x0  }
0xbd: {  	[sflag:s16] =	ssyncadd.s32 $0xFFFFD800  }
0xbe: {  	_ =	sfence.sel $0x180000  }
0xbf: {  	[bflag:$0x0] =	sbarrier.arrive $0xFFFF  }
0xc0: {  	_ =	strace $0x9000004A  }
0xc1: {  	s0 =	stileid.u32;
	[bflag:$0x2] =	sbarrier.arrive $0xFFFF  }
0xc2: {  	p0 =	sne.s32 s0, $0x0;
	s0 =	rddreg [dreg:$0x3]  }
0xc3: {  	s0 =	sadd.s32 @!p0 $0x100000, s0  }
0xc4: {  	[sflag:s0] =	ssyncadd.tile.s32 @!p0 $0x1;
	_ =	shalt  }
.Lfunc_end2:
_tile_overlayer_lowered:
.L_overlay_start_2:
0xc5: {  	(tag) =	ssettag $0x2  }
0xc6: {  	s0 =	rddreg [dreg:$0x0];
	s2 =	stileid.u32  }
0xc7: {  	s1 =	rddreg [dreg:$0x1];
	p0 =	sne.s32 s2, $0x0  }
0xc8: {  	s3 =	rddreg [dreg:$0x2];
	[bflag:$0x3] =	sbarrier.arrive $0xFFFF;
	s2 =	simm.s32 @!p0 $0x1C05  }
0xc9: {  	[timem:s3], [sflag:s2] =	dma.local @!p0 [hbm:s0], s1  }
0xca: {  	s0 =	simm.s32 @!p0 $0x5  }
0xcb: {  	_ =	swait.ge @!p0 [sflag:s0], s1  }
0xcc: {  	s1 =	ssub.s32 @!p0 $0x0, s1;
	[sflag:s0] =	ssyncset.done @!p0 $0x0  }
0xcd: {  	[sflag:s0] =	ssyncadd.s32 @!p0 s1  }
0xce: {  	[bflag:$0x3] =	sbarrier.arrive $0xFFFF  }
0xcf: {  	_ =	shalt  }

// kernel: kernel.14.cloned.1.call-start
scs
__scs_entry_jumppad:
0x0: {  	(pc) =	sbr.rel $0x88, $3  }
0x1: {  	(tag) =	ssettag $0x0;
	lr =	simm.s32 $0x1  }
0x2: {  	[smem:$0x3F9B] =	sst lr;
	_ =	strace $0xD0000000  }
0x3: {  	_ = 	snop  }
0x4: {  	_ = 	snop  }
0x5: {  	_ = 	snop  }
0x6: {  	_ = 	snop  }
0x7: {  	_ = 	snop  }
__scs_overlays_trampoline_lowered:
0x8: {  	[smem:$0x3FAA] =	sst s0  }
0x9: {  	[smem:$0x3FAB] =	sst s1  }
0xa: {  	[smem:$0x3FAC] =	sst s2  }
0xb: {  	[smem:$0x3FAD] =	sst s3  }
0xc: {  	[smem:$0x3FAE] =	sst s4  }
0xd: {  	[smem:$0x3FAF] =	sst s5  }
0xe: {  	[smem:$0x3FB0] =	sst s6  }
0xf: {  	[smem:$0x3FB1] =	sst s7  }
0x10: {  	[smem:$0x3FB2] =	sst s8  }
0x11: {  	[smem:$0x3FB3] =	sst s9;
	s0 =	simm.s32 @!p0 $0x0  }
0x12: {  	s1 =	sld [smem:$0x3F99];
	s0 =	simm.s32 @p0 $0x1  }
0x13: {  	[smem:$0x3FB4] =	sst s0;
	s0 =	simm.s32 @!p1 $0x0  }
0x14: {  	s2 =	sld [smem:$0x3F98];
	s0 =	simm.s32 @p1 $0x1  }
0x15: {  	[smem:$0x3FB5] =	sst s0;
	s0 =	simm.s32 @!p2 $0x0  }
0x16: {  	s3 =	sld [smem:$0x3FDB];
	s0 =	simm.s32 @p2 $0x1  }
0x17: {  	s4 =	simm.s32 $0x1BF5;
	[smem:$0x3FB7] =	sst s0  }
0x18: {  	s0 =	sld [smem:$0x3F9A];
	_ =	swait.ge [sflag:s4], $0x0  }
0x19: {  	s7 =	sld [smem:$0x3F9B]  }
0x1a: {  	s8 =	sadd.s32 $0xFFFFE003, lr  }
0x1b: {  	s9 =	sadd.s32 $0xFFFFFEF7, lr;
	s5 =	simm.s32 $0xFFFFFFFF;
	p2 =	slt.u32 s8, $0xFFFFF086  }
0x1c: {  	p1 =	slt.u32 s9, $0xF7A;
	s5 =	simm.s32 @!p2 $0x0  }
0x1d: {  	s5 =	simm.s32 @p1 $0x1;
	p0 =	seq.s32 s7, s2  }
0x1e: {  	s7 =	smul.u32 @!p0 $0xF7A, s2;
	p2 =	seq.s32 @!p0 s5, $0x0  }
0x1f: {  	s9 =	smul.u32 $0xF7A, s1;
	s8 =	simm.s32 @!p0 $0x1BF5;
	p2 =	por !p2, p0  }
0x20: {  	[sflag:s8] =	ssyncset.s32 @!p0 $0xFFFFF086;
	s6 =	sadd.s32 @!p0 s3, s7;
	s7 =	simm.s32 @!p0 $0x108  }
0x21: {  	s3 =	sadd.s32 s3, s9;
	s6 =	sadd.s32 @!p0 $0x88, s6;
	s7 =	simm.s32 @p2 $0x1082  }
0x22: {  	[simem:s7], [sflag:s8] =	dma.local @!p0 [hbm:s6], $0xF7A  }
0x23: {  	s9 =	sor.u32 $0xD0000000, s2;
	s6 =	simm.s32 $0x108;
	_ =	swait.ge @!p0 [sflag:s8], $0x0  }
0x24: {  	s3 =	sadd.s32 $0x88, s3;
	s6 =	simm.s32 @!p1 $0x1082;
	[sflag:s4] =	ssyncset.s32 $0xFFFFF086  }
0x25: {  	[simem:s6], [sflag:s4] =	dma.local [hbm:s3], $0xF7A  }
0x26: {  	[smem:$0x3F9B] =	sst s1;
	(tag) =	ssettag s2;
	_ =	strace s9  }
0x27: {  	s1 =	sld [smem:$0x3FAB]  }
0x28: {  	s2 =	sld [smem:$0x3FAC]  }
0x29: {  	s4 =	sld [smem:$0x3FAE]  }
0x2a: {  	p0 =	seq.s32 s5, $0x0;
	s5 =	sld [smem:$0x3FAF]  }
0x2b: {  	s6 =	sld [smem:$0x3FB0]  }
0x2c: {  	s7 =	sld [smem:$0x3FB1]  }
0x2d: {  	s3 =	simm.s32 $0x108;
	s8 =	sld [smem:$0x3FB2]  }
0x2e: {  	s3 =	simm.s32 @!p0 $0x1082;
	s9 =	sld [smem:$0x3FB3]  }
0x2f: {  	lr =	sadd.s32 s0, s3;
	s0 =	sld [smem:$0x3FAA]  }
0x30: {  	s3 =	sld [smem:$0x3FAD]  }
0x31: {  	[smem:$0x3FB6] =	sst s10  }
0x32: {  	s10 =	sld [smem:$0x3FB4];
	_ =	sdelay $0x3  }
0x33: {  	p0 =	seq.s32 s10, $0x1;
	s10 =	sld [smem:$0x3FB6];
	_ =	sdelay $0x3  }
0x34: {  	[smem:$0x3FB6] =	sst s10  }
0x35: {  	s10 =	sld [smem:$0x3FB5];
	_ =	sdelay $0x3  }
0x36: {  	p1 =	seq.s32 s10, $0x1;
	s10 =	sld [smem:$0x3FB6];
	_ =	sdelay $0x3  }
0x37: {  	[smem:$0x3FB6] =	sst s10  }
0x38: {  	s10 =	sld [smem:$0x3FB7]  }
0x39: {  	_ = 	snop;
	(pc) =	sbr.ind lr, $3  }
0x3a: {  	_ = 	snop  }
0x3b: {  	_ = 	snop  }
0x3c: {  	p2 =	seq.s32 s10, $0x1;
	s10 =	sld [smem:$0x3FB6]  }
0x3d: {  	_ =	shalt  }
0x3e: {  	_ =	shalt  }
0x3f: {  	_ =	shalt  }
0x40: {  	_ =	shalt  }
0x41: {  	_ =	shalt  }
0x42: {  	_ =	shalt  }
0x43: {  	_ =	shalt  }
0x44: {  	_ =	shalt  }
0x45: {  	_ =	shalt  }
0x46: {  	_ =	shalt  }
0x47: {  	_ =	shalt  }
0x48: {  	_ =	shalt  }
0x49: {  	_ =	shalt  }
0x4a: {  	_ =	shalt  }
0x4b: {  	_ =	shalt  }
0x4c: {  	_ =	shalt  }
0x4d: {  	_ =	shalt  }
0x4e: {  	_ =	shalt  }
0x4f: {  	_ =	shalt  }
0x50: {  	_ =	shalt  }
0x51: {  	_ =	shalt  }
0x52: {  	_ =	shalt  }
0x53: {  	_ =	shalt  }
0x54: {  	_ =	shalt  }
0x55: {  	_ =	shalt  }
0x56: {  	_ =	shalt  }
0x57: {  	_ =	shalt  }
0x58: {  	_ =	shalt  }
0x59: {  	_ =	shalt  }
0x5a: {  	_ =	shalt  }
0x5b: {  	_ =	shalt  }
0x5c: {  	_ =	shalt  }
0x5d: {  	_ =	shalt  }
0x5e: {  	_ =	shalt  }
0x5f: {  	_ =	shalt  }
0x60: {  	_ =	shalt  }
0x61: {  	_ =	shalt  }
0x62: {  	_ =	shalt  }
0x63: {  	_ =	shalt  }
0x64: {  	_ =	shalt  }
0x65: {  	_ =	shalt  }
0x66: {  	_ =	shalt  }
0x67: {  	_ =	shalt  }
0x68: {  	_ =	shalt  }
0x69: {  	_ =	shalt  }
0x6a: {  	_ =	shalt  }
0x6b: {  	_ =	shalt  }
0x6c: {  	_ =	shalt  }
0x6d: {  	_ =	shalt  }
0x6e: {  	_ =	shalt  }
0x6f: {  	_ =	shalt  }
0x70: {  	_ =	shalt  }
0x71: {  	_ =	shalt  }
0x72: {  	_ =	shalt  }
0x73: {  	_ =	shalt  }
0x74: {  	_ =	shalt  }
0x75: {  	_ =	shalt  }
0x76: {  	_ =	shalt  }
0x77: {  	_ =	shalt  }
0x78: {  	_ =	shalt  }
0x79: {  	_ =	shalt  }
0x7a: {  	_ =	shalt  }
0x7b: {  	_ =	shalt  }
0x7c: {  	_ =	shalt  }
0x7d: {  	_ =	shalt  }
0x7e: {  	_ =	shalt  }
0x7f: {  	_ =	shalt  }
0x80: {  	_ =	shalt  }
0x81: {  	_ =	shalt  }
0x82: {  	_ =	shalt  }
0x83: {  	_ =	shalt  }
0x84: {  	_ =	shalt  }
0x85: {  	_ =	shalt  }
0x86: {  	_ =	shalt  }
0x87: {  	_ =	shalt  }
.Lfunc_end0:
.L_simem_size_0:
called_computation.2_lowered:
.L_overlay_start_0:
0x88: {  	s2 =	sld [smem:$0x3FD9]  }
0x89: {  	s3 =	sld [smem:$0x3FFE];
	_ =	sdelay $0x1  }
0x8a: {  	s1 =	srdreg.scid  }
0x8b: {  	s0 =	sand.u32 $0x1, s1  }
0x8c: {  	s17 =	sshll.u32 s0, $0xA;
	s2 =	sadd.s32 s3, s2  }
0x8d: {  	s2 =	sadd.s32 s2, s17  }
0x8e: {  	[smem:$0x3FC2] =	sst s2  }
0x8f: {  	_ = 	snop  }
0x90: {  	s2 =	sld [smem:$0x3FD0];
	(tm) =	ssettm $0x1  }
0x91: {  	s18 =	sld [smem:$0x3FFB];
	_ =	sdelay $0x3  }
0x92: {  	_ =	strace s18  }
0x93: {  	s3 =	sld [smem:$0x3FFC];
	_ =	sdelay $0x3  }
0x94: {  	_ =	strace s3  }
0x95: {  	s3 =	sld [smem:$0x3FFD];
	_ =	sdelay $0x3  }
0x96: {  	_ =	strace s3  }
0x97: {  	_ =	strace $0x8FFFFFFF  }
0x98: {  	s19 =	sld [smem:$0x3FDB];
	_ =	sdelay $0x1  }
0x99: {  	s4 =	simm.s32 $_scs_section_size  }
0x9a: {  	s5 =	simm.s32 $_size__tile_overlayer_lowered;
	s6 =	simm.s32 $_tile_overlayer_lowered  }
0x9b: {  	s22 =	simm.s32 $0x1BFF;
	s21 =	sshll.u32 s6, $0x1;
	s3 =	sadd.s32 s4, s19  }
0x9c: {  	s7 =	simm.s32 $0x0;
	s20 =	sshll.u32 s5, $0x1;
	s5 =	sadd.s32 s21, s3  }
0x9d: {  	[timem:s7], [sflag:s22] =	dma.local [hbm:s5], s20  }
0x9e: {  	_ =	swait.ge [sflag:s22], s20  }
0x9f: {  	s4 =	ssub.s32 $0x0, s20;
	[sflag:s22] =	ssyncset.done $0x0  }
0xa0: {  	[sflag:s22] =	ssyncadd.s32 s4;
	_ =	sdelay $0x1  }
0xa1: {  	s23 =	simm.s32 $0x1B8B  }
0xa2: {  	_ =	swait.ge [sflag:s23], $0x1  }
0xa3: {  	[sflag:s23] =	ssyncset.done $0x0  }
0xa4: {  	s25 =	simm.s32 $0x1B8E;
	s24 =	sld [smem:$0x3FFE];
	[sflag:s23] =	ssyncadd.s32 $0xFFFFFFFF  }
0xa5: {  	s26 =	simm.s32 $execute0_lowered;
	[smem:$0x3FD2] =	sst s25  }
0xa6: {  	s5 =	sshll.u32 s26, $0x1;
	_ =	strace $0x8000004C;
	[dreg:$0x1] =	wrdreg $0xFFFFFFFF  }
0xa7: {  	s28 =	simm.s32 $_size_execute0_lowered;
	s3 =	sadd.s32 s3, s5;
	[dreg:$0x0] =	wrdreg $0x0  }
0xa8: {  	s5 =	sshll.u32 s28, $0x1;
	[dreg:$0x2] =	wrdreg s3  }
0xa9: {  	[dreg:$0x3] =	wrdreg s5  }
0xaa: {  	[dreg:$0x4] =	wrdreg $0xC0  }
0xab: {  	_ =	task [dreg:s7], $0x5FFFF  }
0xac: {  	[dreg:$0x1] =	wrdreg $0xFFFFFFFF  }
0xad: {  	[dreg:$0x0] =	wrdreg $0x60  }
0xae: {  	[dreg:$0x2] =	wrdreg s2  }
0xaf: {  	[dreg:$0x3] =	wrdreg s24  }
0xb0: {  	[dreg:$0x4] =	wrdreg $0x84000  }
0xb1: {  	[dreg:$0x5] =	wrdreg $0x9  }
0xb2: {  	_ =	task.clear_ibuf [dreg:s7], $0x6FFFF;
	_ =	strace $0x9000004C  }
0xb3: {  	s29 =	simm.s32 $0x9;
	_ =	strace $0x8000004E  }
0xb4: {  	_ =	swait.ge [sflag:s29], $0x1  }
0xb5: {  	[sflag:s29] =	ssyncadd.s32 $0xFFFFFFFF  }
0xb6: {  	_ =	strace $0x9000004E  }
0xb7: {  	_ =	sfence  }
0xb8: {  	s30 =	sld [smem:$0x0];
	_ =	sdelay $0x2  }
0xb9: {  	s31 =	sshll.u32 s1, $0xD;
	s1 =	sshrl.u32 s1, $0x2  }
0xba: {  	s3 =	sand.u32 $0x4000, s31;
	s1 =	sadd.s32 s1, s30  }
0xbb: {  	s0 =	sor.u32 s3, s0;
	s1 =	sshll.u32 s1, $0x11  }
0xbc: {  	s0 =	sor.u32 s1, s0  }
0xbd: {  	s0 =	sadd.s32 $0x8F2B, s0  }
0xbe: {  	[sflag:s0] =	ssyncadd.remote.s32 $0x1  }
0xbf: {  	_ =	sfence.sel $0xFFFF  }
0xc0: {  	[dreg:$0x0] =	wrdreg $0xFFFFFFFF;
	(pc) =	sbr.abs _section_cstart, $3  }
0xc1: {  	[dreg:$0x1] =	wrdreg $0xFFFFFFFF  }
0xc2: {  	_ =	task.clear_ibuf [dreg:s7], $0x2FFFF;
	_ =	strace $0x9FFFFFFF  }
0xc3: {  	(tm) =	ssettm $0x7FFFFFFF  }
tec
execute0_lowered:
.L_overlay_start_1:
0x0: {  	(tag) =	ssettag $0x1  }
0x1: {  	s1 =	rddreg [dreg:$0x0]  }
0x2: {  	s0 =	rddreg [dreg:$0x1]  }
0x3: {  	s2 =	rddreg [dreg:$0x2];
	s3 =	simm.s32 $0x0;
	s4 =	srdreg.scid  }
0x4: {  	s15 =	stileid.u32;
	s16 =	simm.s32 $0x5;
	s17 =	simm.s32 $0x80  }
0x5: {  	s18 =	simm.s32 $0x200;
	s19 =	simm.s32 $0x100;
	s20 =	simm.s32 $0x4400  }
0x6: {  	s21 =	simm.s32 $0x1;
	s22 =	simm.s32 $0x4;
	s23 =	simm.s32 $0x2  }
0x7: {  	s28 =	simm.s32 $0x280;
	s29 =	simm.s32 $0x3;
	s30 =	simm.s32 $0x380  }
0x8: {  	s31 =	simm.s32 $0x0;
	[smem:$0x7FF] =	sst s3;
	s7 =	smul.u32 $0x50000, s15  }
0x9: {  	s4 =	sand.u32 $0x1, s4;
	s14 =	sadd.s32 $0x52400, s0;
	s13 =	smul.u32 $0xA000, s15  }
0xa: {  	s6 =	sshll.u32 s15, $0x1;
	s24 =	smul.u32 $0x2800, s15;
	s15 =	simm.s32 $0x400  }
0xb: {  	_ =	strace $0x8000004D;
	s5 =	smul.u32 $0x28000, s4;
	s25 =	ssub.s32 $0x2, s4  }
0xc: {  	s6 =	sor.u32 s4, s6;
	s4 =	smul.u32 $0x5000, s4;
	s8 =	sshrl.u32 s25, $0x1  }
0xd: {  	s7 =	sshrl.u32 s7, $0x2;
	s10 =	smul.u32 $0xA00, s6;
	s0 =	sadd.s32 s5, s0  }
0xe: {  	s12 =	ssub.s32 s25, s8;
	s5 =	sadd.s32 s7, s2;
	s4 =	sadd.s32 s4, s13  }
0xf: {  	s25 =	simm.s32 $0x180;
	s26 =	sadd.s32 $0x4000, s5;
	s7 =	sadd.s32 $0x8000, s5  }
0x10: {  	s8 =	sadd.s32 $0xC000, s5;
	s9 =	sadd.s32 $0x10000, s5;
	s10 =	sadd.s32 s14, s10  }
0x11: {  	s0 =	sadd.s32 $0x66400, s0;
	s13 =	sor.u32 $0x600, s4;
	s4 =	sor.u32 $0x400, s4  }
0x12: {  	s12 =	smax.u32 s12, $0x1;
	[dreg:$0x4] =	wrdreg s26;
	s11 =	sadd.s32 $0x40, s10  }
0x13: {  	s13 =	sshrl.u32 s13, $0x3;
	s4 =	sshrl.u32 s4, $0x3;
	s24 =	sadd.s32 s24, s0  }
0x14: {  	v0 =	vimm.f32 $0.0e+00;
	s26 =	simm.s32 $0x300;
	s13 =	sadd.s32 s13, s14;
	s14 =	sadd.s32 s4, s14  }
.LBB2_1:
0x15: {  	s0 =	simm.s32 $0x0;
	s4 =	simm.s32 $0x200  }
.LBB2_2:
0x16: {  	p0 =	sne.s32 s4, $0xFE00;
	[tilespmem:s0+$0x470] =	vst v0  }
0x17: {  	[tilespmem:s0+$0x400] =	vst v0  }
0x18: {  	[tilespmem:s0+$0x410] =	vst v0  }
.Ltmp0:
0x19: {  	[tilespmem:s0+$0x420] =	vst v0;
	(pc) =	sbr.rel @p0 .LBB2_2-.Ltmp0, $4  }
0x1a: {  	[tilespmem:s0+$0x430] =	vst v0  }
0x1b: {  	[tilespmem:s0+$0x440] =	vst v0  }
0x1c: {  	[tilespmem:s0+$0x450] =	vst v0  }
0x1d: {  	[tilespmem:s0+$0x460] =	vst v0;
	s0 =	sshra.s32 s4, $0x2;
	s4 =	sadd.s32 $0x200, s4  }
0x1e: {  	[tilespmem:s0+$0x470] =	vst v0  }
0x1f: {  	[tilespmem:s0+$0x400] =	vst v0  }
0x20: {  	[tilespmem:s0+$0x410] =	vst v0  }
0x21: {  	[tilespmem:s0+$0x420] =	vst v0  }
0x22: {  	[tilespmem:s0+$0x430] =	vst v0  }
0x23: {  	[tilespmem:s0+$0x440] =	vst v0  }
0x24: {  	[tilespmem:s0+$0x450] =	vst v0  }
0x25: {  	[tilespmem:s0+$0x460] =	vst v0  }
0x26: {  	[spmem:s5] =	stream.linear.scatter [tilespmem:s15], [sflag:$0x5], $0x4000, $0x38;
	[tilespmem:$0x1C400] =	vst v63  }
0x27: {  	_ =	swait.ge [sflag:s16], $0x4000  }
0x28: {  	[sflag:s16] =	ssyncset.done $0x0  }
0x29: {  	s6 =	rddreg [dreg:$0x4];
	[sflag:s16] =	ssyncadd.s32 $0xFFFFC000  }
0x2a: {  	[spmem:s6] =	stream.linear.scatter [tilespmem:s15], [sflag:$0x5], $0x4000, $0x38;
	[tilespmem:$0x1C400] =	vst v63  }
0x2b: {  	_ =	swait.ge [sflag:s16], $0x4000  }
0x2c: {  	[sflag:s16] =	ssyncset.done $0x0  }
0x2d: {  	[sflag:s16] =	ssyncadd.s32 $0xFFFFC000  }
0x2e: {  	[spmem:s7] =	stream.linear.scatter [tilespmem:s15], [sflag:$0x5], $0x4000, $0x38;
	[tilespmem:$0x1C400] =	vst v63  }
0x2f: {  	_ =	swait.ge [sflag:s16], $0x4000  }
0x30: {  	[sflag:s16] =	ssyncset.done $0x0  }
0x31: {  	[sflag:s16] =	ssyncadd.s32 $0xFFFFC000  }
0x32: {  	[spmem:s8] =	stream.linear.scatter [tilespmem:s15], [sflag:$0x5], $0x4000, $0x38;
	[tilespmem:$0x1C400] =	vst v63  }
0x33: {  	_ =	swait.ge [sflag:s16], $0x4000  }
0x34: {  	[sflag:s16] =	ssyncset.done $0x0  }
0x35: {  	[sflag:s16] =	ssyncadd.s32 $0xFFFFC000  }
0x36: {  	[spmem:s9] =	stream.linear.scatter [tilespmem:s15], [sflag:$0x5], $0x4000, $0x38;
	[tilespmem:$0x1C400] =	vst v63  }
0x37: {  	_ =	swait.ge [sflag:s16], $0x4000  }
0x38: {  	[sflag:s16] =	ssyncset.done $0x0  }
0x39: {  	[sflag:s16] =	ssyncadd.s32 $0xFFFFC000  }
0x3a: {  	s4 =	simm.s32 $0x0;
	[bflag:$0x0] =	sbarrier.arrive $0xFFFF  }
0x3b: {  	[tilespmem:s4], [sflag:$0x5] =	stream.linear.gather [hbm4b:s10+s4], $0x200, $0x38;
	[tilespmem:$0x1C400] =	vst v63  }
0x3c: {  	_ =	swait.ge [sflag:s16], $0x200  }
0x3d: {  	[sflag:s16] =	ssyncset.done $0x0  }
0x3e: {  	[sflag:s16] =	ssyncadd.s32 $0xFFFFFE00  }
0x3f: {  	[tilespmem:s15], [sflag:$0x1] =	stream.indirect.gather [hbm4b:s1+s17], $0x80, s4, s17, $0xb8;
	[tilespmem:$0x1C400] =	vst v63  }
0x40: {  	_ = 	snop  }
0x41: {  	[tilespmem:s18], [sflag:$0x4] =	stream.linear.gather [hbm4b:s11+s4], $0x200, $0x38;
	[tilespmem:$0x1C400] =	vst v63  }
0x42: {  	_ = 	snop  }
0x43: {  	[tilespmem:s20], [sflag:$0x2] =	stream.indirect.gather [hbm4b:s1+s17], $0x80, s19, s17, $0xb8;
	[tilespmem:$0x1C400] =	vst v63  }
0x44: {  	_ =	swait.ge [sflag:s21], $0x4000  }
0x45: {  	[sflag:s21] =	ssyncset.done $0x0  }
0x46: {  	[sflag:s21] =	ssyncadd.s32 $0xFFFFC000  }
0x47: {  	[spmem:s2] =	stream.indirect.scatter.add.f32 [tilespmem:s15], [sflag:$0x5], $0x80, s17, s17, $0xb8;
	[tilespmem:$0x1C400] =	vst v63  }
0x48: {  	_ =	swait.ge [sflag:s16], $0x4000  }
0x49: {  	[sflag:s16] =	ssyncset.done $0x0  }
0x4a: {  	[sflag:s16] =	ssyncadd.s32 $0xFFFFC000  }
0x4b: {  	_ =	swait.ge [sflag:s22], $0x200  }
0x4c: {  	[sflag:s22] =	ssyncset.done $0x0  }
0x4d: {  	[sflag:s22] =	ssyncadd.s32 $0xFFFFFE00  }
0x4e: {  	[tilespmem:s15], [sflag:$0x1] =	stream.indirect.gather [hbm4b:s1+s17], $0x80, s18, s17, $0xb8;
	[tilespmem:$0x1C400] =	vst v63  }
0x4f: {  	_ =	swait.ge [sflag:s23], $0x4000  }
0x50: {  	[sflag:s23] =	ssyncset.done $0x0  }
0x51: {  	[sflag:s23] =	ssyncadd.s32 $0xFFFFC000  }
0x52: {  	[spmem:s2] =	stream.indirect.scatter.add.f32 [tilespmem:s20], [sflag:$0x5], $0x80, s25, s17, $0xb8;
	[tilespmem:$0x1C400] =	vst v63  }
0x53: {  	_ =	swait.ge [sflag:s16], $0x4000  }
0x54: {  	[sflag:s16] =	ssyncset.done $0x0  }
0x55: {  	s6 =	sadd.s32 $0x0, s14;
	[sflag:s16] =	ssyncadd.s32 $0xFFFFC000  }
0x56: {  	[tilespmem:s3], [sflag:$0x3] =	stream.linear.gather [hbm4b:s6+s3], $0x200, $0x38;
	[tilespmem:$0x1C400] =	vst v63  }
0x57: {  	_ = 	snop  }
0x58: {  	[tilespmem:s20], [sflag:$0x2] =	stream.indirect.gather [hbm4b:s1+s17], $0x80, s26, s17, $0xb8;
	[tilespmem:$0x1C400] =	vst v63  }
0x59: {  	_ =	swait.ge [sflag:s21], $0x4000  }
0x5a: {  	[sflag:s21] =	ssyncset.done $0x0  }
0x5b: {  	[sflag:s21] =	ssyncadd.s32 $0xFFFFC000  }
0x5c: {  	[spmem:s2] =	stream.indirect.scatter.add.f32 [tilespmem:s15], [sflag:$0x5], $0x80, s28, s17, $0xb8;
	[tilespmem:$0x1C400] =	vst v63  }
0x5d: {  	_ =	swait.ge [sflag:s16], $0x4000  }
0x5e: {  	[sflag:s16] =	ssyncset.done $0x0  }
0x5f: {  	[sflag:s16] =	ssyncadd.s32 $0xFFFFC000  }
0x60: {  	_ =	swait.ge [sflag:s29], $0x200  }
0x61: {  	[sflag:s29] =	ssyncset.done $0x0  }
0x62: {  	[sflag:s29] =	ssyncadd.s32 $0xFFFFFE00  }
0x63: {  	[tilespmem:s15], [sflag:$0x1] =	stream.indirect.gather [hbm4b:s1+s17], $0x80, s3, s17, $0xb8;
	[tilespmem:$0x1C400] =	vst v63  }
0x64: {  	_ =	swait.ge [sflag:s23], $0x4000  }
0x65: {  	[sflag:s23] =	ssyncset.done $0x0  }
0x66: {  	[sflag:s23] =	ssyncadd.s32 $0xFFFFC000  }
0x67: {  	[spmem:s2] =	stream.indirect.scatter.add.f32 [tilespmem:s20], [sflag:$0x5], $0x80, s30, s17, $0xb8;
	[tilespmem:$0x1C400] =	vst v63  }
0x68: {  	_ =	swait.ge [sflag:s16], $0x4000  }
0x69: {  	[sflag:s16] =	ssyncset.done $0x0  }
0x6a: {  	s0 =	simm.s32 $0x80;
	s4 =	sadd.s32 $0x0, s13;
	[sflag:s16] =	ssyncadd.s32 $0xFFFFC000  }
.LBB2_4:
0x6b: {  	[tilespmem:s18], [sflag:$0x4] =	stream.linear.gather [hbm4b:s4+s3], $0x200, $0x38;
	[tilespmem:$0x1C400] =	vst v63  }
0x6c: {  	p0 =	sne.s32 s0, $0x900;
	s4 =	smov.u32 s0;
	s0 =	sadd.s32 $0x80, s0  }
0x6d: {  	[tilespmem:s20], [sflag:$0x2] =	stream.indirect.gather [hbm4b:s1+s17], $0x80, s19, s17, $0xb8;
	[tilespmem:$0x1C400] =	vst v63  }
0x6e: {  	_ =	swait.ge [sflag:s21], $0x4000  }
0x6f: {  	[sflag:s21] =	ssyncset.done $0x0  }
0x70: {  	[sflag:s21] =	ssyncadd.s32 $0xFFFFC000  }
0x71: {  	[spmem:s2] =	stream.indirect.scatter.add.f32 [tilespmem:s15], [sflag:$0x5], $0x80, s17, s17, $0xb8;
	[tilespmem:$0x1C400] =	vst v63  }
0x72: {  	_ =	swait.ge [sflag:s16], $0x4000  }
0x73: {  	[sflag:s16] =	ssyncset.done $0x0  }
0x74: {  	[sflag:s16] =	ssyncadd.s32 $0xFFFFC000  }
0x75: {  	_ =	swait.ge [sflag:s22], $0x200  }
0x76: {  	[sflag:s22] =	ssyncset.done $0x0  }
0x77: {  	[sflag:s22] =	ssyncadd.s32 $0xFFFFFE00  }
0x78: {  	[tilespmem:s15], [sflag:$0x1] =	stream.indirect.gather [hbm4b:s1+s17], $0x80, s18, s17, $0xb8;
	[tilespmem:$0x1C400] =	vst v63  }
0x79: {  	_ =	swait.ge [sflag:s23], $0x4000  }
0x7a: {  	[sflag:s23] =	ssyncset.done $0x0  }
0x7b: {  	[sflag:s23] =	ssyncadd.s32 $0xFFFFC000  }
0x7c: {  	[spmem:s2] =	stream.indirect.scatter.add.f32 [tilespmem:s20], [sflag:$0x5], $0x80, s25, s17, $0xb8;
	[tilespmem:$0x1C400] =	vst v63  }
0x7d: {  	_ =	swait.ge [sflag:s16], $0x4000  }
0x7e: {  	[sflag:s16] =	ssyncset.done $0x0  }
0x7f: {  	s6 =	sadd.s32 s4, s14;
	[sflag:s16] =	ssyncadd.s32 $0xFFFFC000  }
0x80: {  	[tilespmem:s3], [sflag:$0x3] =	stream.linear.gather [hbm4b:s6+s3], $0x200, $0x38;
	[tilespmem:$0x1C400] =	vst v63  }
0x81: {  	_ = 	snop  }
0x82: {  	[tilespmem:s20], [sflag:$0x2] =	stream.indirect.gather [hbm4b:s1+s17], $0x80, s26, s17, $0xb8;
	[tilespmem:$0x1C400] =	vst v63  }
0x83: {  	_ =	swait.ge [sflag:s21], $0x4000  }
0x84: {  	[sflag:s21] =	ssyncset.done $0x0  }
0x85: {  	[sflag:s21] =	ssyncadd.s32 $0xFFFFC000  }
0x86: {  	[spmem:s2] =	stream.indirect.scatter.add.f32 [tilespmem:s15], [sflag:$0x5], $0x80, s28, s17, $0xb8;
	[tilespmem:$0x1C400] =	vst v63  }
0x87: {  	_ =	swait.ge [sflag:s16], $0x4000  }
0x88: {  	[sflag:s16] =	ssyncset.done $0x0  }
0x89: {  	[sflag:s16] =	ssyncadd.s32 $0xFFFFC000  }
0x8a: {  	_ =	swait.ge [sflag:s29], $0x200  }
0x8b: {  	[sflag:s29] =	ssyncset.done $0x0  }
0x8c: {  	[sflag:s29] =	ssyncadd.s32 $0xFFFFFE00  }
0x8d: {  	[tilespmem:s15], [sflag:$0x1] =	stream.indirect.gather [hbm4b:s1+s17], $0x80, s3, s17, $0xb8;
	[tilespmem:$0x1C400] =	vst v63  }
0x8e: {  	_ =	swait.ge [sflag:s23], $0x4000  }
0x8f: {  	[sflag:s23] =	ssyncset.done $0x0  }
.Ltmp1:
0x90: {  	[sflag:s23] =	ssyncadd.s32 $0xFFFFC000;
	(pc) =	sbr.rel @p0 .LBB2_4-.Ltmp1, $4  }
0x91: {  	[spmem:s2] =	stream.indirect.scatter.add.f32 [tilespmem:s20], [sflag:$0x5], $0x80, s30, s17, $0xb8;
	[tilespmem:$0x1C400] =	vst v63  }
0x92: {  	_ =	swait.ge [sflag:s16], $0x4000  }
0x93: {  	[sflag:s16] =	ssyncset.done $0x0  }
0x94: {  	s4 =	sadd.s32 s4, s13;
	[sflag:s16] =	ssyncadd.s32 $0xFFFFC000  }
0x95: {  	[tilespmem:s18], [sflag:$0x4] =	stream.linear.gather [hbm4b:s4+s3], $0x200, $0x38;
	[tilespmem:$0x1C400] =	vst v63  }
0x96: {  	_ = 	snop  }
0x97: {  	[tilespmem:s20], [sflag:$0x2] =	stream.indirect.gather [hbm4b:s1+s17], $0x80, s19, s17, $0xb8;
	[tilespmem:$0x1C400] =	vst v63  }
0x98: {  	_ =	swait.ge [sflag:s21], $0x4000  }
0x99: {  	[sflag:s21] =	ssyncset.done $0x0  }
0x9a: {  	[sflag:s21] =	ssyncadd.s32 $0xFFFFC000  }
0x9b: {  	[spmem:s2] =	stream.indirect.scatter.add.f32 [tilespmem:s15], [sflag:$0x5], $0x80, s17, s17, $0xb8;
	[tilespmem:$0x1C400] =	vst v63  }
0x9c: {  	_ =	swait.ge [sflag:s16], $0x4000  }
0x9d: {  	[sflag:s16] =	ssyncset.done $0x0  }
0x9e: {  	[sflag:s16] =	ssyncadd.s32 $0xFFFFC000  }
0x9f: {  	_ =	swait.ge [sflag:s22], $0x200  }
0xa0: {  	[sflag:s22] =	ssyncset.done $0x0  }
0xa1: {  	[sflag:s22] =	ssyncadd.s32 $0xFFFFFE00  }
0xa2: {  	[tilespmem:s15], [sflag:$0x1] =	stream.indirect.gather [hbm4b:s1+s17], $0x80, s18, s17, $0xb8;
	[tilespmem:$0x1C400] =	vst v63  }
0xa3: {  	_ =	swait.ge [sflag:s23], $0x4000  }
0xa4: {  	[sflag:s23] =	ssyncset.done $0x0  }
0xa5: {  	[sflag:s23] =	ssyncadd.s32 $0xFFFFC000  }
0xa6: {  	[spmem:s2] =	stream.indirect.scatter.add.f32 [tilespmem:s20], [sflag:$0x5], $0x80, s25, s17, $0xb8;
	[tilespmem:$0x1C400] =	vst v63  }
0xa7: {  	_ =	swait.ge [sflag:s16], $0x4000  }
0xa8: {  	[sflag:s16] =	ssyncset.done $0x0  }
0xa9: {  	[sflag:s16] =	ssyncadd.s32 $0xFFFFC000  }
0xaa: {  	[tilespmem:s20], [sflag:$0x2] =	stream.indirect.gather [hbm4b:s1+s17], $0x80, s26, s17, $0xb8;
	[tilespmem:$0x1C400] =	vst v63  }
0xab: {  	_ =	swait.ge [sflag:s21], $0x4000  }
0xac: {  	[sflag:s21] =	ssyncset.done $0x0  }
0xad: {  	[sflag:s21] =	ssyncadd.s32 $0xFFFFC000  }
0xae: {  	[spmem:s2] =	stream.indirect.scatter.add.f32 [tilespmem:s15], [sflag:$0x5], $0x80, s28, s17, $0xb8;
	[tilespmem:$0x1C400] =	vst v63  }
0xaf: {  	_ =	swait.ge [sflag:s16], $0x4000  }
0xb0: {  	[sflag:s16] =	ssyncset.done $0x0  }
0xb1: {  	[sflag:s16] =	ssyncadd.s32 $0xFFFFC000  }
0xb2: {  	_ =	swait.ge [sflag:s23], $0x4000  }
0xb3: {  	[sflag:s23] =	ssyncset.done $0x0  }
0xb4: {  	[sflag:s23] =	ssyncadd.s32 $0xFFFFC000  }
0xb5: {  	[spmem:s2] =	stream.indirect.scatter.add.f32 [tilespmem:s20], [sflag:$0x5], $0x80, s30, s17, $0xb8;
	[tilespmem:$0x1C400] =	vst v63  }
0xb6: {  	s0 =	stileid.u32;
	_ =	swait.ge [sflag:s16], $0x4000  }
0xb7: {  	s6 =	sshrl.u32 s5, $0x3;
	s31 =	sadd.s32 $0x1, s31;
	[sflag:s16] =	ssyncset.done $0x0  }
0xb8: {  	s0 =	sshll.u32 s0, $0x6;
	p0 =	sne.s32 s31, s12;
	[sflag:s16] =	ssyncadd.s32 $0xFFFFC000  }
.Ltmp2:
0xb9: {  	s0 =	sor.u32 $0x1C05, s0;
	[bflag:$0x0] =	sbarrier.arrive $0xFFFF;
	(pc) =	sbr.rel @p0 .LBB2_1-.Ltmp2, $4  }
0xba: {  	[hbm:s24], [sflag:s0] =	dma.local [spmem:s6], $0x2800  }
0xbb: {  	_ =	swait.ge [sflag:s16], $0x2800  }
0xbc: {  	[sflag:s16] =	ssyncset.done $0x0  }
0xbd: {  	[sflag:s16] =	ssyncadd.s32 $0xFFFFD800  }
0xbe: {  	_ =	sfence.sel $0x180000  }
0xbf: {  	[bflag:$0x0] =	sbarrier.arrive $0xFFFF  }
0xc0: {  	_ =	strace $0x9000004D  }
0xc1: {  	s0 =	stileid.u32;
	[bflag:$0x2] =	sbarrier.arrive $0xFFFF  }
0xc2: {  	p0 =	sne.s32 s0, $0x0;
	s0 =	rddreg [dreg:$0x3]  }
0xc3: {  	s0 =	sadd.s32 @!p0 $0x100000, s0  }
0xc4: {  	[sflag:s0] =	ssyncadd.tile.s32 @!p0 $0x1;
	_ =	shalt  }
.Lfunc_end2:
_tile_overlayer_lowered:
.L_overlay_start_2:
0xc5: {  	(tag) =	ssettag $0x2  }
0xc6: {  	s0 =	rddreg [dreg:$0x0];
	s2 =	stileid.u32  }
0xc7: {  	s1 =	rddreg [dreg:$0x1];
	p0 =	sne.s32 s2, $0x0  }
0xc8: {  	s3 =	rddreg [dreg:$0x2];
	[bflag:$0x3] =	sbarrier.arrive $0xFFFF;
	s2 =	simm.s32 @!p0 $0x1C05  }
0xc9: {  	[timem:s3], [sflag:s2] =	dma.local @!p0 [hbm:s0], s1  }
0xca: {  	s0 =	simm.s32 @!p0 $0x5  }
0xcb: {  	_ =	swait.ge @!p0 [sflag:s0], s1  }
0xcc: {  	s1 =	ssub.s32 @!p0 $0x0, s1;
	[sflag:s0] =	ssyncset.done @!p0 $0x0  }
0xcd: {  	[sflag:s0] =	ssyncadd.s32 @!p0 s1  }
0xce: {  	[bflag:$0x3] =	sbarrier.arrive $0xFFFF  }
0xcf: {  	_ =	shalt  }

// kernel: kernel.8.cloned.1.call-start
scs
__scs_entry_jumppad:
0x0: {  	(pc) =	sbr.rel $0x88, $3  }
0x1: {  	(tag) =	ssettag $0x0;
	lr =	simm.s32 $0x1  }
0x2: {  	[smem:$0x3F9B] =	sst lr;
	_ =	strace $0xD0000000  }
0x3: {  	_ = 	snop  }
0x4: {  	_ = 	snop  }
0x5: {  	_ = 	snop  }
0x6: {  	_ = 	snop  }
0x7: {  	_ = 	snop  }
__scs_overlays_trampoline_lowered:
0x8: {  	[smem:$0x3FAA] =	sst s0  }
0x9: {  	[smem:$0x3FAB] =	sst s1  }
0xa: {  	[smem:$0x3FAC] =	sst s2  }
0xb: {  	[smem:$0x3FAD] =	sst s3  }
0xc: {  	[smem:$0x3FAE] =	sst s4  }
0xd: {  	[smem:$0x3FAF] =	sst s5  }
0xe: {  	[smem:$0x3FB0] =	sst s6  }
0xf: {  	[smem:$0x3FB1] =	sst s7  }
0x10: {  	[smem:$0x3FB2] =	sst s8  }
0x11: {  	[smem:$0x3FB3] =	sst s9;
	s0 =	simm.s32 @!p0 $0x0  }
0x12: {  	s1 =	sld [smem:$0x3F99];
	s0 =	simm.s32 @p0 $0x1  }
0x13: {  	[smem:$0x3FB4] =	sst s0;
	s0 =	simm.s32 @!p1 $0x0  }
0x14: {  	s2 =	sld [smem:$0x3F98];
	s0 =	simm.s32 @p1 $0x1  }
0x15: {  	[smem:$0x3FB5] =	sst s0;
	s0 =	simm.s32 @!p2 $0x0  }
0x16: {  	s3 =	sld [smem:$0x3FDB];
	s0 =	simm.s32 @p2 $0x1  }
0x17: {  	s4 =	simm.s32 $0x1BF5;
	[smem:$0x3FB7] =	sst s0  }
0x18: {  	s0 =	sld [smem:$0x3F9A];
	_ =	swait.ge [sflag:s4], $0x0  }
0x19: {  	s7 =	sld [smem:$0x3F9B]  }
0x1a: {  	s8 =	sadd.s32 $0xFFFFE003, lr  }
0x1b: {  	s9 =	sadd.s32 $0xFFFFFEF7, lr;
	s5 =	simm.s32 $0xFFFFFFFF;
	p2 =	slt.u32 s8, $0xFFFFF086  }
0x1c: {  	p1 =	slt.u32 s9, $0xF7A;
	s5 =	simm.s32 @!p2 $0x0  }
0x1d: {  	s5 =	simm.s32 @p1 $0x1;
	p0 =	seq.s32 s7, s2  }
0x1e: {  	s7 =	smul.u32 @!p0 $0xF7A, s2;
	p2 =	seq.s32 @!p0 s5, $0x0  }
0x1f: {  	s9 =	smul.u32 $0xF7A, s1;
	s8 =	simm.s32 @!p0 $0x1BF5;
	p2 =	por !p2, p0  }
0x20: {  	[sflag:s8] =	ssyncset.s32 @!p0 $0xFFFFF086;
	s6 =	sadd.s32 @!p0 s3, s7;
	s7 =	simm.s32 @!p0 $0x108  }
0x21: {  	s3 =	sadd.s32 s3, s9;
	s6 =	sadd.s32 @!p0 $0x88, s6;
	s7 =	simm.s32 @p2 $0x1082  }
0x22: {  	[simem:s7], [sflag:s8] =	dma.local @!p0 [hbm:s6], $0xF7A  }
0x23: {  	s9 =	sor.u32 $0xD0000000, s2;
	s6 =	simm.s32 $0x108;
	_ =	swait.ge @!p0 [sflag:s8], $0x0  }
0x24: {  	s3 =	sadd.s32 $0x88, s3;
	s6 =	simm.s32 @!p1 $0x1082;
	[sflag:s4] =	ssyncset.s32 $0xFFFFF086  }
0x25: {  	[simem:s6], [sflag:s4] =	dma.local [hbm:s3], $0xF7A  }
0x26: {  	[smem:$0x3F9B] =	sst s1;
	(tag) =	ssettag s2;
	_ =	strace s9  }
0x27: {  	s1 =	sld [smem:$0x3FAB]  }
0x28: {  	s2 =	sld [smem:$0x3FAC]  }
0x29: {  	s4 =	sld [smem:$0x3FAE]  }
0x2a: {  	p0 =	seq.s32 s5, $0x0;
	s5 =	sld [smem:$0x3FAF]  }
0x2b: {  	s6 =	sld [smem:$0x3FB0]  }
0x2c: {  	s7 =	sld [smem:$0x3FB1]  }
0x2d: {  	s3 =	simm.s32 $0x108;
	s8 =	sld [smem:$0x3FB2]  }
0x2e: {  	s3 =	simm.s32 @!p0 $0x1082;
	s9 =	sld [smem:$0x3FB3]  }
0x2f: {  	lr =	sadd.s32 s0, s3;
	s0 =	sld [smem:$0x3FAA]  }
0x30: {  	s3 =	sld [smem:$0x3FAD]  }
0x31: {  	[smem:$0x3FB6] =	sst s10  }
0x32: {  	s10 =	sld [smem:$0x3FB4];
	_ =	sdelay $0x3  }
0x33: {  	p0 =	seq.s32 s10, $0x1;
	s10 =	sld [smem:$0x3FB6];
	_ =	sdelay $0x3  }
0x34: {  	[smem:$0x3FB6] =	sst s10  }
0x35: {  	s10 =	sld [smem:$0x3FB5];
	_ =	sdelay $0x3  }
0x36: {  	p1 =	seq.s32 s10, $0x1;
	s10 =	sld [smem:$0x3FB6];
	_ =	sdelay $0x3  }
0x37: {  	[smem:$0x3FB6] =	sst s10  }
0x38: {  	s10 =	sld [smem:$0x3FB7]  }
0x39: {  	_ = 	snop;
	(pc) =	sbr.ind lr, $3  }
0x3a: {  	_ = 	snop  }
0x3b: {  	_ = 	snop  }
0x3c: {  	p2 =	seq.s32 s10, $0x1;
	s10 =	sld [smem:$0x3FB6]  }
0x3d: {  	_ =	shalt  }
0x3e: {  	_ =	shalt  }
0x3f: {  	_ =	shalt  }
0x40: {  	_ =	shalt  }
0x41: {  	_ =	shalt  }
0x42: {  	_ =	shalt  }
0x43: {  	_ =	shalt  }
0x44: {  	_ =	shalt  }
0x45: {  	_ =	shalt  }
0x46: {  	_ =	shalt  }
0x47: {  	_ =	shalt  }
0x48: {  	_ =	shalt  }
0x49: {  	_ =	shalt  }
0x4a: {  	_ =	shalt  }
0x4b: {  	_ =	shalt  }
0x4c: {  	_ =	shalt  }
0x4d: {  	_ =	shalt  }
0x4e: {  	_ =	shalt  }
0x4f: {  	_ =	shalt  }
0x50: {  	_ =	shalt  }
0x51: {  	_ =	shalt  }
0x52: {  	_ =	shalt  }
0x53: {  	_ =	shalt  }
0x54: {  	_ =	shalt  }
0x55: {  	_ =	shalt  }
0x56: {  	_ =	shalt  }
0x57: {  	_ =	shalt  }
0x58: {  	_ =	shalt  }
0x59: {  	_ =	shalt  }
0x5a: {  	_ =	shalt  }
0x5b: {  	_ =	shalt  }
0x5c: {  	_ =	shalt  }
0x5d: {  	_ =	shalt  }
0x5e: {  	_ =	shalt  }
0x5f: {  	_ =	shalt  }
0x60: {  	_ =	shalt  }
0x61: {  	_ =	shalt  }
0x62: {  	_ =	shalt  }
0x63: {  	_ =	shalt  }
0x64: {  	_ =	shalt  }
0x65: {  	_ =	shalt  }
0x66: {  	_ =	shalt  }
0x67: {  	_ =	shalt  }
0x68: {  	_ =	shalt  }
0x69: {  	_ =	shalt  }
0x6a: {  	_ =	shalt  }
0x6b: {  	_ =	shalt  }
0x6c: {  	_ =	shalt  }
0x6d: {  	_ =	shalt  }
0x6e: {  	_ =	shalt  }
0x6f: {  	_ =	shalt  }
0x70: {  	_ =	shalt  }
0x71: {  	_ =	shalt  }
0x72: {  	_ =	shalt  }
0x73: {  	_ =	shalt  }
0x74: {  	_ =	shalt  }
0x75: {  	_ =	shalt  }
0x76: {  	_ =	shalt  }
0x77: {  	_ =	shalt  }
0x78: {  	_ =	shalt  }
0x79: {  	_ =	shalt  }
0x7a: {  	_ =	shalt  }
0x7b: {  	_ =	shalt  }
0x7c: {  	_ =	shalt  }
0x7d: {  	_ =	shalt  }
0x7e: {  	_ =	shalt  }
0x7f: {  	_ =	shalt  }
0x80: {  	_ =	shalt  }
0x81: {  	_ =	shalt  }
0x82: {  	_ =	shalt  }
0x83: {  	_ =	shalt  }
0x84: {  	_ =	shalt  }
0x85: {  	_ =	shalt  }
0x86: {  	_ =	shalt  }
0x87: {  	_ =	shalt  }
.Lfunc_end0:
.L_simem_size_0:
called_computation_lowered:
.L_overlay_start_0:
0x88: {  	s2 =	sld [smem:$0x3FD9]  }
0x89: {  	s3 =	sld [smem:$0x3FFE];
	_ =	sdelay $0x1  }
0x8a: {  	s1 =	srdreg.scid  }
0x8b: {  	s0 =	sand.u32 $0x1, s1  }
0x8c: {  	s17 =	sshll.u32 s0, $0xA;
	s2 =	sadd.s32 s3, s2  }
0x8d: {  	s2 =	sadd.s32 s2, s17  }
0x8e: {  	[smem:$0x3FC2] =	sst s2  }
0x8f: {  	_ = 	snop  }
0x90: {  	s2 =	sld [smem:$0x3FD0];
	(tm) =	ssettm $0x1  }
0x91: {  	s18 =	sld [smem:$0x3FFB];
	_ =	sdelay $0x3  }
0x92: {  	_ =	strace s18  }
0x93: {  	s3 =	sld [smem:$0x3FFC];
	_ =	sdelay $0x3  }
0x94: {  	_ =	strace s3  }
0x95: {  	s3 =	sld [smem:$0x3FFD];
	_ =	sdelay $0x3  }
0x96: {  	_ =	strace s3  }
0x97: {  	_ =	strace $0x8FFFFFFF  }
0x98: {  	s19 =	sld [smem:$0x3FDB];
	_ =	sdelay $0x1  }
0x99: {  	s4 =	simm.s32 $_scs_section_size  }
0x9a: {  	s5 =	simm.s32 $_size__tile_overlayer_lowered;
	s6 =	simm.s32 $_tile_overlayer_lowered  }
0x9b: {  	s22 =	simm.s32 $0x1BFF;
	s21 =	sshll.u32 s6, $0x1;
	s3 =	sadd.s32 s4, s19  }
0x9c: {  	s7 =	simm.s32 $0x0;
	s20 =	sshll.u32 s5, $0x1;
	s5 =	sadd.s32 s21, s3  }
0x9d: {  	[timem:s7], [sflag:s22] =	dma.local [hbm:s5], s20  }
0x9e: {  	_ =	swait.ge [sflag:s22], s20  }
0x9f: {  	s4 =	ssub.s32 $0x0, s20;
	[sflag:s22] =	ssyncset.done $0x0  }
0xa0: {  	[sflag:s22] =	ssyncadd.s32 s4;
	_ =	sdelay $0x1  }
0xa1: {  	s23 =	simm.s32 $0x1B8B  }
0xa2: {  	_ =	swait.ge [sflag:s23], $0x1  }
0xa3: {  	[sflag:s23] =	ssyncset.done $0x0  }
0xa4: {  	s25 =	simm.s32 $0x1B8E;
	s24 =	sld [smem:$0x3FFE];
	[sflag:s23] =	ssyncadd.s32 $0xFFFFFFFF  }
0xa5: {  	s26 =	simm.s32 $execute0_lowered;
	[smem:$0x3FD2] =	sst s25  }
0xa6: {  	s5 =	sshll.u32 s26, $0x1;
	_ =	strace $0x80000046;
	[dreg:$0x1] =	wrdreg $0xFFFFFFFF  }
0xa7: {  	s28 =	simm.s32 $_size_execute0_lowered;
	s3 =	sadd.s32 s3, s5;
	[dreg:$0x0] =	wrdreg $0x0  }
0xa8: {  	s5 =	sshll.u32 s28, $0x1;
	[dreg:$0x2] =	wrdreg s3  }
0xa9: {  	[dreg:$0x3] =	wrdreg s5  }
0xaa: {  	[dreg:$0x4] =	wrdreg $0xC0  }
0xab: {  	_ =	task [dreg:s7], $0x5FFFF  }
0xac: {  	[dreg:$0x1] =	wrdreg $0xFFFFFFFF  }
0xad: {  	[dreg:$0x0] =	wrdreg $0x60  }
0xae: {  	[dreg:$0x2] =	wrdreg s2  }
0xaf: {  	[dreg:$0x3] =	wrdreg s24  }
0xb0: {  	[dreg:$0x4] =	wrdreg $0x42000  }
0xb1: {  	[dreg:$0x5] =	wrdreg $0x9  }
0xb2: {  	_ =	task.clear_ibuf [dreg:s7], $0x6FFFF;
	_ =	strace $0x90000046  }
0xb3: {  	s29 =	simm.s32 $0x9;
	_ =	strace $0x80000048  }
0xb4: {  	_ =	swait.ge [sflag:s29], $0x1  }
0xb5: {  	[sflag:s29] =	ssyncadd.s32 $0xFFFFFFFF  }
0xb6: {  	_ =	strace $0x90000048  }
0xb7: {  	_ =	sfence  }
0xb8: {  	s30 =	sld [smem:$0x0];
	_ =	sdelay $0x2  }
0xb9: {  	s31 =	sshll.u32 s1, $0xD;
	s1 =	sshrl.u32 s1, $0x2  }
0xba: {  	s3 =	sand.u32 $0x4000, s31;
	s1 =	sadd.s32 s1, s30  }
0xbb: {  	s0 =	sor.u32 s3, s0;
	s1 =	sshll.u32 s1, $0x11  }
0xbc: {  	s0 =	sor.u32 s1, s0  }
0xbd: {  	s0 =	sadd.s32 $0x8F2B, s0  }
0xbe: {  	[sflag:s0] =	ssyncadd.remote.s32 $0x1  }
0xbf: {  	_ =	sfence.sel $0xFFFF  }
0xc0: {  	[dreg:$0x0] =	wrdreg $0xFFFFFFFF;
	(pc) =	sbr.abs _section_cstart, $3  }
0xc1: {  	[dreg:$0x1] =	wrdreg $0xFFFFFFFF  }
0xc2: {  	_ =	task.clear_ibuf [dreg:s7], $0x2FFFF;
	_ =	strace $0x9FFFFFFF  }
0xc3: {  	(tm) =	ssettm $0x7FFFFFFF  }
tec
execute0_lowered:
.L_overlay_start_1:
0x0: {  	(tag) =	ssettag $0x1  }
0x1: {  	s12 =	rddreg [dreg:$0x0]  }
0x2: {  	s4 =	rddreg [dreg:$0x1]  }
0x3: {  	s1 =	rddreg [dreg:$0x2];
	s3 =	srdreg.scid  }
0x4: {  	s0 =	rddreg [dreg:$0x3];
	s10 =	sand.u32 $0x1, s3  }
0x5: {  	s2 =	simm.s32 $0x0;
	s3 =	stileid.u32;
	s5 =	smul.u32 $0x28000, s10  }
0x6: {  	s16 =	simm.s32 $0x80;
	s17 =	simm.s32 $0x2;
	s6 =	smul.u32 $0x50000, s3  }
0x7: {  	s18 =	simm.s32 $0x180;
	[smem:$0x7FF] =	sst s2;
	s20 =	smul.u32 $0x2800, s3  }
0x8: {  	s19 =	simm.s32 $0x1;
	_ =	strace $0x80000047;
	s14 =	smul.u32 $0x1400, s3  }
0x9: {  	s30 =	ssub.s32 $0x2, s10;
	s31 =	sshll.u32 s3, $0x1;
	s15 =	smul.u32 $0xA00, s10  }
0xa: {  	s22 =	sshll.u32 s3, $0x6;
	s7 =	sshrl.u32 s30, $0x1;
	s11 =	sadd.s32 s5, s4  }
0xb: {  	s5 =	sor.u32 s10, s31;
	s6 =	sshrl.u32 s6, $0x2;
	s13 =	ssub.s32 s30, s7  }
0xc: {  	s4 =	sadd.s32 s6, s1;
	s9 =	smul.u32 $0xA00, s5;
	s21 =	sadd.s32 $0x2400, s11  }
0xd: {  	s10 =	smax.u32 s13, $0x1;
	s13 =	simm.s32 $0x200;
	s5 =	sadd.s32 $0x4000, s4  }
0xe: {  	s6 =	sadd.s32 $0x8000, s4;
	s7 =	sadd.s32 $0xC000, s4;
	s8 =	sadd.s32 $0x10000, s4  }
0xf: {  	s20 =	sadd.s32 s20, s21;
	s21 =	sor.u32 $0x1C03, s22;
	s22 =	simm.s32 $0x0  }
0x10: {  	s9 =	sadd.s32 s12, s9;
	s12 =	sadd.s32 s14, s12;
	s14 =	simm.s32 $0x3  }
0x11: {  	v0 =	vimm.f32 $0.0e+00;
	v1 =	vimm.f32 $1.000000000e+00;
	s11 =	sadd.s32 $0x9E0, s9;
	s12 =	sadd.s32 s15, s12;
	s15 =	simm.s32 $0x100  }
.LBB2_1:
0x12: {  	s23 =	simm.s32 $0x0;
	s24 =	simm.s32 $0x200  }
.LBB2_2:
0x13: {  	p0 =	sne.s32 s24, $0xFE00;
	[tilespmem:s23+$0x270] =	vst v0  }
0x14: {  	[tilespmem:s23+$0x200] =	vst v0  }
0x15: {  	[tilespmem:s23+$0x210] =	vst v0  }
.Ltmp0:
0x16: {  	[tilespmem:s23+$0x220] =	vst v0;
	(pc) =	sbr.rel @p0 .LBB2_2-.Ltmp0, $4  }
0x17: {  	[tilespmem:s23+$0x230] =	vst v0  }
0x18: {  	[tilespmem:s23+$0x240] =	vst v0  }
0x19: {  	[tilespmem:s23+$0x250] =	vst v0  }
0x1a: {  	[tilespmem:s23+$0x260] =	vst v0;
	s23 =	sshra.s32 s24, $0x2;
	s24 =	sadd.s32 $0x200, s24  }
0x1b: {  	[tilespmem:s23+$0x270] =	vst v0  }
0x1c: {  	[tilespmem:s23+$0x200] =	vst v0  }
0x1d: {  	[tilespmem:s23+$0x210] =	vst v0  }
0x1e: {  	[tilespmem:s23+$0x220] =	vst v0  }
0x1f: {  	[tilespmem:s23+$0x230] =	vst v0  }
0x20: {  	[tilespmem:s23+$0x240] =	vst v0  }
0x21: {  	[tilespmem:s23+$0x250] =	vst v0  }
0x22: {  	[tilespmem:s23+$0x260] =	vst v0  }
0x23: {  	[spmem:s4] =	stream.linear.scatter [tilespmem:s13], [sflag:$0x3], $0x4000, $0x38;
	[tilespmem:$0x18200] =	vst v63  }
0x24: {  	_ =	swait.ge [sflag:s14], $0x4000  }
0x25: {  	[sflag:s14] =	ssyncset.done $0x0  }
0x26: {  	[sflag:s14] =	ssyncadd.s32 $0xFFFFC000  }
0x27: {  	[spmem:s5] =	stream.linear.scatter [tilespmem:s13], [sflag:$0x3], $0x4000, $0x38;
	[tilespmem:$0x18200] =	vst v63  }
0x28: {  	_ =	swait.ge [sflag:s14], $0x4000  }
0x29: {  	[sflag:s14] =	ssyncset.done $0x0  }
0x2a: {  	[sflag:s14] =	ssyncadd.s32 $0xFFFFC000  }
0x2b: {  	[spmem:s6] =	stream.linear.scatter [tilespmem:s13], [sflag:$0x3], $0x4000, $0x38;
	[tilespmem:$0x18200] =	vst v63  }
0x2c: {  	_ =	swait.ge [sflag:s14], $0x4000  }
0x2d: {  	[sflag:s14] =	ssyncset.done $0x0  }
0x2e: {  	[sflag:s14] =	ssyncadd.s32 $0xFFFFC000  }
0x2f: {  	[spmem:s7] =	stream.linear.scatter [tilespmem:s13], [sflag:$0x3], $0x4000, $0x38;
	[tilespmem:$0x18200] =	vst v63  }
0x30: {  	_ =	swait.ge [sflag:s14], $0x4000  }
0x31: {  	[sflag:s14] =	ssyncset.done $0x0  }
0x32: {  	[sflag:s14] =	ssyncadd.s32 $0xFFFFC000  }
0x33: {  	[spmem:s8] =	stream.linear.scatter [tilespmem:s13], [sflag:$0x3], $0x4000, $0x38;
	[tilespmem:$0x18200] =	vst v63  }
0x34: {  	_ =	swait.ge [sflag:s14], $0x4000  }
0x35: {  	[sflag:s14] =	ssyncset.done $0x0  }
0x36: {  	s23 =	simm.s32 $0x0;
	s24 =	simm.s32 $0x200;
	[sflag:s14] =	ssyncadd.s32 $0xFFFFC000  }
.LBB2_4:
0x37: {  	p0 =	sne.s32 s24, $0xFE00;
	[tilespmem:s23+$0x270] =	vst v1  }
0x38: {  	[tilespmem:s23+$0x200] =	vst v1  }
0x39: {  	[tilespmem:s23+$0x210] =	vst v1  }
.Ltmp1:
0x3a: {  	[tilespmem:s23+$0x220] =	vst v1;
	(pc) =	sbr.rel @p0 .LBB2_4-.Ltmp1, $4  }
0x3b: {  	[tilespmem:s23+$0x230] =	vst v1  }
0x3c: {  	[tilespmem:s23+$0x240] =	vst v1  }
0x3d: {  	[tilespmem:s23+$0x250] =	vst v1  }
0x3e: {  	[tilespmem:s23+$0x260] =	vst v1;
	s23 =	sshra.s32 s24, $0x2;
	s24 =	sadd.s32 $0x200, s24  }
0x3f: {  	[tilespmem:s23+$0x270] =	vst v1  }
0x40: {  	[tilespmem:s23+$0x200] =	vst v1  }
0x41: {  	[tilespmem:s23+$0x210] =	vst v1  }
0x42: {  	[tilespmem:s23+$0x220] =	vst v1  }
0x43: {  	[tilespmem:s23+$0x230] =	vst v1  }
0x44: {  	[tilespmem:s23+$0x240] =	vst v1  }
0x45: {  	[tilespmem:s23+$0x250] =	vst v1  }
0x46: {  	[tilespmem:s23+$0x260] =	vst v1  }
0x47: {  	[bflag:$0x0] =	sbarrier.arrive $0xFFFF  }
0x48: {  	[tilespmem:s2], [sflag:$0x3] =	stream.linear.gather [hbm4b:s9+s2], $0x100, $0x38;
	[tilespmem:$0x18200] =	vst v63  }
0x49: {  	_ =	swait.ge [sflag:s14], $0x100  }
0x4a: {  	s31 =	sadd.s32 $0xFFFFF640, s12;
	[sflag:s14] =	ssyncset.done $0x0  }
0x4b: {  	s24 =	sadd.s32 $0x9E0, s31;
	[sflag:s14] =	ssyncadd.s32 $0xFFFFFF00  }
0x4c: {  	[tilespmem:s15], [sflag:$0x2] =	stream.linear.gather [hbm4b:s24+s2], $0x100, $0x38;
	[tilespmem:$0x18200] =	vst v63  }
0x4d: {  	_ = 	snop  }
0x4e: {  	[spmem:s1] =	stream.indirect.scatter.add.f32 [tilespmem:s13], [sflag:$0x3], $0x80, s16, s16, $0xb8;
	[tilespmem:$0x18200] =	vst v63  }
0x4f: {  	_ =	swait.ge [sflag:s14], $0x4000  }
0x50: {  	[sflag:s14] =	ssyncset.done $0x0  }
0x51: {  	s23 =	sadd.s32 $0xA00, s31;
	[sflag:s14] =	ssyncadd.s32 $0xFFFFC000  }
0x52: {  	[tilespmem:s2], [sflag:$0x1] =	stream.linear.gather [hbm4b:s23+s2], $0x100, $0x38;
	[tilespmem:$0x18200] =	vst v63  }
0x53: {  	_ =	swait.ge [sflag:s17], $0x100  }
0x54: {  	[sflag:s17] =	ssyncset.done $0x0  }
0x55: {  	[sflag:s17] =	ssyncadd.s32 $0xFFFFFF00  }
0x56: {  	[spmem:s1] =	stream.indirect.scatter.add.f32 [tilespmem:s13], [sflag:$0x3], $0x80, s18, s16, $0xb8;
	[tilespmem:$0x18200] =	vst v63  }
0x57: {  	_ =	swait.ge [sflag:s14], $0x4000  }
0x58: {  	[sflag:s14] =	ssyncset.done $0x0  }
0x59: {  	[sflag:s14] =	ssyncadd.s32 $0xFFFFC000  }
0x5a: {  	_ =	swait.ge [sflag:s19], $0x100  }
0x5b: {  	s24 =	simm.s32 $0xFFFFF6C0;
	s23 =	sadd.s32 $0xFFFFF680, s12;
	[sflag:s19] =	ssyncset.done $0x0  }
.LBB2_6:
0x5c: {  	s25 =	sadd.s32 $0x9E0, s23  }
0x5d: {  	[sflag:s19] =	ssyncadd.s32 $0xFFFFFF00;
	s26 =	smov.u32 s24;
	s28 =	sadd.s32 $0x40, s24  }
0x5e: {  	[tilespmem:s15], [sflag:$0x2] =	stream.linear.gather [hbm4b:s25+s2], $0x100, $0x38;
	[tilespmem:$0x18200] =	vst v63  }
0x5f: {  	p0 =	sne.s32 s24, $0xFFFFFFC0  }
0x60: {  	[spmem:s1] =	stream.indirect.scatter.add.f32 [tilespmem:s13], [sflag:$0x3], $0x80, s16, s16, $0xb8;
	[tilespmem:$0x18200] =	vst v63  }
0x61: {  	_ =	swait.ge [sflag:s14], $0x4000  }
0x62: {  	[sflag:s14] =	ssyncset.done $0x0  }
0x63: {  	s23 =	sadd.s32 $0xA00, s23;
	[sflag:s14] =	ssyncadd.s32 $0xFFFFC000  }
0x64: {  	[tilespmem:s2], [sflag:$0x1] =	stream.linear.gather [hbm4b:s23+s2], $0x100, $0x38;
	[tilespmem:$0x18200] =	vst v63  }
0x65: {  	_ =	swait.ge [sflag:s17], $0x100  }
0x66: {  	[sflag:s17] =	ssyncset.done $0x0  }
0x67: {  	[sflag:s17] =	ssyncadd.s32 $0xFFFFFF00  }
0x68: {  	[spmem:s1] =	stream.indirect.scatter.add.f32 [tilespmem:s13], [sflag:$0x3], $0x80, s18, s16, $0xb8;
	[tilespmem:$0x18200] =	vst v63  }
.Ltmp2:
0x69: {  	_ =	swait.ge [sflag:s14], $0x4000;
	(pc) =	sbr.rel @p0 .LBB2_6-.Ltmp2, $4  }
0x6a: {  	[sflag:s14] =	ssyncset.done $0x0  }
0x6b: {  	[sflag:s14] =	ssyncadd.s32 $0xFFFFC000  }
0x6c: {  	_ =	swait.ge [sflag:s19], $0x100  }
0x6d: {  	s24 =	smov.u32 s28;
	s23 =	sadd.s32 s26, s12;
	[sflag:s19] =	ssyncset.done $0x0  }
0x6e: {  	s24 =	sadd.s32 $0x9E0, s23;
	[sflag:s19] =	ssyncadd.s32 $0xFFFFFF00  }
0x6f: {  	[tilespmem:s15], [sflag:$0x2] =	stream.linear.gather [hbm4b:s24+s2], $0x100, $0x38;
	[tilespmem:$0x18200] =	vst v63  }
0x70: {  	_ = 	snop  }
0x71: {  	[spmem:s1] =	stream.indirect.scatter.add.f32 [tilespmem:s13], [sflag:$0x3], $0x80, s16, s16, $0xb8;
	[tilespmem:$0x18200] =	vst v63  }
0x72: {  	_ =	swait.ge [sflag:s14], $0x4000  }
0x73: {  	[sflag:s14] =	ssyncset.done $0x0  }
0x74: {  	s30 =	sadd.s32 $0xA00, s23;
	[sflag:s14] =	ssyncadd.s32 $0xFFFFC000  }
0x75: {  	[tilespmem:s2], [sflag:$0x1] =	stream.linear.gather [hbm4b:s30+s2], $0x100, $0x38;
	[tilespmem:$0x18200] =	vst v63  }
0x76: {  	_ =	swait.ge [sflag:s17], $0x100  }
0x77: {  	[sflag:s17] =	ssyncset.done $0x0  }
0x78: {  	[sflag:s17] =	ssyncadd.s32 $0xFFFFFF00  }
0x79: {  	[spmem:s1] =	stream.indirect.scatter.add.f32 [tilespmem:s13], [sflag:$0x3], $0x80, s18, s16, $0xb8;
	[tilespmem:$0x18200] =	vst v63  }
0x7a: {  	_ =	swait.ge [sflag:s14], $0x4000  }
0x7b: {  	[sflag:s14] =	ssyncset.done $0x0  }
0x7c: {  	[sflag:s14] =	ssyncadd.s32 $0xFFFFC000  }
0x7d: {  	_ =	swait.ge [sflag:s19], $0x100  }
0x7e: {  	[sflag:s19] =	ssyncset.done $0x0  }
0x7f: {  	[sflag:s19] =	ssyncadd.s32 $0xFFFFFF00  }
0x80: {  	[tilespmem:s15], [sflag:$0x2] =	stream.linear.gather [hbm4b:s11+s2], $0x100, $0x38;
	[tilespmem:$0x18200] =	vst v63  }
0x81: {  	_ = 	snop  }
0x82: {  	[spmem:s1] =	stream.indirect.scatter.add.f32 [tilespmem:s13], [sflag:$0x3], $0x80, s16, s16, $0xb8;
	[tilespmem:$0x18200] =	vst v63  }
0x83: {  	_ =	swait.ge [sflag:s14], $0x4000  }
0x84: {  	[sflag:s14] =	ssyncset.done $0x0  }
0x85: {  	[sflag:s14] =	ssyncadd.s32 $0xFFFFC000  }
0x86: {  	_ =	swait.ge [sflag:s17], $0x100  }
0x87: {  	[sflag:s17] =	ssyncset.done $0x0  }
0x88: {  	[sflag:s17] =	ssyncadd.s32 $0xFFFFFF00  }
0x89: {  	[spmem:s1] =	stream.indirect.scatter.add.f32 [tilespmem:s13], [sflag:$0x3], $0x80, s18, s16, $0xb8;
	[tilespmem:$0x18200] =	vst v63  }
0x8a: {  	_ =	swait.ge [sflag:s14], $0x4000  }
0x8b: {  	s22 =	sadd.s32 $0x1, s22;
	[sflag:s14] =	ssyncset.done $0x0  }
0x8c: {  	p0 =	sne.s32 s22, s10;
	[sflag:s14] =	ssyncadd.s32 $0xFFFFC000  }
.Ltmp3:
0x8d: {  	s31 =	sshrl.u32 s4, $0x3;
	[bflag:$0x0] =	sbarrier.arrive $0xFFFF;
	(pc) =	sbr.rel @p0 .LBB2_1-.Ltmp3, $4  }
0x8e: {  	[hbm:s20], [sflag:s21] =	dma.local [spmem:s31], $0x2800  }
0x8f: {  	_ =	swait.ge [sflag:s14], $0x2800  }
0x90: {  	[sflag:s14] =	ssyncset.done $0x0  }
0x91: {  	[sflag:s14] =	ssyncadd.s32 $0xFFFFD800  }
0x92: {  	_ =	sfence.sel $0x180000  }
0x93: {  	[bflag:$0x0] =	sbarrier.arrive $0xFFFF  }
0x94: {  	p0 =	sne.s32 s3, $0x0;
	_ =	strace $0x90000047  }
0x95: {  	s0 =	sadd.s32 @!p0 $0x100000, s0;
	[bflag:$0x2] =	sbarrier.arrive $0xFFFF  }
0x96: {  	[sflag:s0] =	ssyncadd.tile.s32 @!p0 $0x1;
	_ =	shalt  }
.Lfunc_end2:
_tile_overlayer_lowered:
.L_overlay_start_2:
0x97: {  	(tag) =	ssettag $0x2  }
0x98: {  	s0 =	rddreg [dreg:$0x0];
	s2 =	stileid.u32  }
0x99: {  	s1 =	rddreg [dreg:$0x1];
	p0 =	sne.s32 s2, $0x0  }
0x9a: {  	s3 =	rddreg [dreg:$0x2];
	[bflag:$0x3] =	sbarrier.arrive $0xFFFF;
	s2 =	simm.s32 @!p0 $0x1C03  }
0x9b: {  	[timem:s3], [sflag:s2] =	dma.local @!p0 [hbm:s0], s1  }
0x9c: {  	s0 =	simm.s32 @!p0 $0x3  }
0x9d: {  	_ =	swait.ge @!p0 [sflag:s0], s1  }
0x9e: {  	s1 =	ssub.s32 @!p0 $0x0, s1;
	[sflag:s0] =	ssyncset.done @!p0 $0x0  }
0x9f: {  	[sflag:s0] =	ssyncadd.s32 @!p0 s1  }
0xa0: {  	[bflag:$0x3] =	sbarrier.arrive $0xFFFF  }
0xa1: {  	_ =	shalt  }

</sc_bundles>
